<compile_context>
chip_gen: v7x
topology: tpu7x:2x2x1
jax: 0.10.2.dev20260603
libtpu: 0.0.44.dev20260713+nightly
codegen_flags: <defaults>
</compile_context>

<pallas_src>
import functools

import jax
import jax.numpy as jnp
from jax import lax
from jax.experimental import pallas as pl
from jax.experimental.pallas import tpu as pltpu
from jax.experimental.pallas import tpu_sc as plsc

N = 10000
E = 320000
D = 128
H = 4
HP = 16

NC = 2
NS = 16
NW = NC * NS
EB = 128
NBW = 80
NBH = NBW // 4
EPAD = NW * NBW * EB
NP = 10240
RPS = NP // NS

_R1 = 1024
_G1 = NP // _R1

_mesh = plsc.VectorSubcoreMesh(core_axis_name="c", subcore_axis_name="s")
_sc_params = pltpu.CompilerParams(use_tc_tiling_on_sc=False,
                                  needs_layout_passes=False)


def _k1_body(x_ref, wt_ref, attl_ref, attr_ref, g_ref, b_ref,
             xl_ref, al_ref, ar_ref, cal_ref, car_ref):
    i = pl.program_id(0)
    x = x_ref[...]
    mu = jnp.mean(x, axis=-1, keepdims=True)
    xc = x - mu
    var = jnp.mean(xc * xc, axis=-1, keepdims=True)
    h = g_ref[...] * xc * lax.rsqrt(var + 1e-5) + b_ref[...]
    xl = jnp.dot(h, wt_ref[...], preferred_element_type=jnp.float32)
    xl_ref[...] = xl
    al = jnp.dot(xl, attl_ref[...], preferred_element_type=jnp.float32)
    ar = jnp.dot(xl, attr_ref[...], preferred_element_type=jnp.float32)
    al_ref[...] = al
    ar_ref[...] = ar
    bl = jnp.max(al, axis=0, keepdims=True)
    br = jnp.max(ar, axis=0, keepdims=True)

    @pl.when(i == 0)
    def _():
        cal_ref[...] = bl
        car_ref[...] = br

    @pl.when(i > 0)
    def _():
        cal_ref[...] = jnp.maximum(cal_ref[...], bl)
        car_ref[...] = jnp.maximum(car_ref[...], br)


_k1 = pl.pallas_call(
    _k1_body,
    grid=(_G1,),
    in_specs=[
        pl.BlockSpec((_R1, D), lambda i: (i, 0)),
        pl.BlockSpec((D, D), lambda i: (0, 0)),
        pl.BlockSpec((D, HP), lambda i: (0, 0)),
        pl.BlockSpec((D, HP), lambda i: (0, 0)),
        pl.BlockSpec((1, D), lambda i: (0, 0)),
        pl.BlockSpec((1, D), lambda i: (0, 0)),
    ],
    out_specs=[
        pl.BlockSpec((_R1, D), lambda i: (i, 0)),
        pl.BlockSpec((_R1, HP), lambda i: (i, 0)),
        pl.BlockSpec((_R1, HP), lambda i: (i, 0)),
        pl.BlockSpec((1, HP), lambda i: (0, 0)),
        pl.BlockSpec((1, HP), lambda i: (0, 0)),
    ],
    out_shape=[
        jax.ShapeDtypeStruct((NP, D), jnp.float32),
        jax.ShapeDtypeStruct((NP, HP), jnp.float32),
        jax.ShapeDtypeStruct((NP, HP), jnp.float32),
        jax.ShapeDtypeStruct((1, HP), jnp.float32),
        jax.ShapeDtypeStruct((1, HP), jnp.float32),
    ],
)


@functools.partial(
    pl.kernel,
    out_type=[
        jax.ShapeDtypeStruct((EPAD, HP), jnp.float32),
        jax.ShapeDtypeStruct((NC, NP, HP), jnp.float32),
    ],
    mesh=_mesh,
    scratch_types=[
        pltpu.VMEM((NBW, EB), jnp.int32),
        pltpu.VMEM((NBW, EB), jnp.int32),
        pltpu.VMEM((EB, HP), jnp.float32), pltpu.VMEM((EB, HP), jnp.float32),
        pltpu.VMEM((EB, HP), jnp.float32), pltpu.VMEM((EB, HP), jnp.float32),
        pltpu.VMEM((16,), jnp.float32),
        pltpu.VMEM((16,), jnp.float32),
        pltpu.VMEM_SHARED((NP, HP), jnp.float32),
        pltpu.SemaphoreType.DMA, pltpu.SemaphoreType.DMA,
    ],
    compiler_params=_sc_params,
)
def _k2(dst_hbm, src_hbm, al_hbm, ar_hbm, cal_hbm, car_hbm, z16_hbm,
        ex_hbm, dpart_hbm,
        dstv, srcv, gal0, gal1, gar0, gar1,
        calv, carv, dshared, sem0, sem1):
    cid = lax.axis_index("c")
    sid = lax.axis_index("s")
    wid = sid * NC + cid
    gal, gar = (gal0, gal1), (gar0, gar1)
    sem = (sem0, sem1)
    pltpu.sync_copy(z16_hbm.at[pl.ds(sid * RPS, RPS)],
                    dshared.at[pl.ds(sid * RPS, RPS)])
    pltpu.sync_copy(cal_hbm.at[0], calv)
    pltpu.sync_copy(car_hbm.at[0], carv)
    pltpu.sync_copy(dst_hbm.at[pl.ds(wid * NBW, NBW)], dstv)
    pltpu.sync_copy(src_hbm.at[pl.ds(wid * NBW, NBW)], srcv)
    plsc.subcore_barrier()
    c = jnp.maximum(calv[...] + carv[...], 0.0)
    e_base = wid * NBW * EB

    def issue(g, b):
        pltpu.async_copy(al_hbm.at[dstv.at[g]], gal[b], sem[b])
        pltpu.async_copy(ar_hbm.at[srcv.at[g]], gar[b], sem[b])

    def wait_in(g, b):
        pltpu.make_async_copy(al_hbm.at[dstv.at[g]], gal[b], sem[b]).wait()
        pltpu.make_async_copy(ar_hbm.at[srcv.at[g]], gar[b], sem[b]).wait()

    issue(0, 0)

    @pl.loop(0, NBW, step=2)
    def _(g):
        for b in (0, 1):
            gg = g + b
            wait_in(gg, b)

            @pl.when(gg + 1 < NBW)
            def _():
                issue(gg + 1, 1 - b)

            galb, garb = gal[b], gar[b]

            @plsc.parallel_loop(0, EB, unroll=4)
            def _(j):
                s = galb[j, :] + garb[j, :]
                s = jnp.maximum(s, 0.2 * s)
                galb[j, :] = jnp.exp(s - c)

            pltpu.sync_copy(galb, ex_hbm.at[pl.ds(e_base + gg * EB, EB)])
            pltpu.sync_copy(galb, dshared.at[dstv.at[gg]], add=True)

    plsc.subcore_barrier()
    pltpu.sync_copy(dshared.at[pl.ds(sid * RPS, RPS)],
                    dpart_hbm.at[cid, pl.ds(sid * RPS, RPS)])


def _k3_body(dp_ref, rcp_ref):
    d = dp_ref[0] + dp_ref[1]
    lanes = lax.broadcasted_iota(jnp.int32, (1, HP), 1)
    rcp_ref[...] = jnp.where(lanes < H, 1.0 / (d + 1e-16), 0.0)


_k3 = pl.pallas_call(
    _k3_body,
    out_shape=jax.ShapeDtypeStruct((NP, HP), jnp.float32),
)


@functools.partial(
    pl.kernel,
    out_type=jax.ShapeDtypeStruct((NC, NP, D), jnp.float32),
    mesh=_mesh,
    scratch_types=[
        pltpu.VMEM((EB,), jnp.int32), pltpu.VMEM((EB,), jnp.int32),
        pltpu.VMEM((EB,), jnp.int32), pltpu.VMEM((EB,), jnp.int32),
        pltpu.VMEM((EB, HP), jnp.float32), pltpu.VMEM((EB, HP), jnp.float32),
        pltpu.VMEM((EB, HP), jnp.float32), pltpu.VMEM((EB, HP), jnp.float32),
        pltpu.VMEM((EB, D), jnp.float32), pltpu.VMEM((EB, D), jnp.float32),
        pltpu.VMEM((EB,), jnp.float32),
        pltpu.VMEM_SHARED((NP, D), jnp.float32),
        pltpu.SemaphoreType.DMA, pltpu.SemaphoreType.DMA,
    ],
    compiler_params=_sc_params,
)
def _k4(dst_hbm, src_hbm, xl_hbm, ex_hbm, rcp_hbm, znd_hbm,
        opart_hbm,
        dsti0, dsti1, srci0, srci1, exb0, exb1, rcpb0, rcpb1,
        rows0, rows1, wbuf, oshared, sem0, sem1):
    cid = lax.axis_index("c")
    sid = lax.axis_index("s")
    wid = sid * NC + cid
    dsti, srci = (dsti0, dsti1), (srci0, srci1)
    exb, rcpb, rows = (exb0, exb1), (rcpb0, rcpb1), (rows0, rows1)
    sem = (sem0, sem1)
    pltpu.sync_copy(znd_hbm.at[pl.ds(sid * RPS, RPS)],
                    oshared.at[pl.ds(sid * RPS, RPS)])
    plsc.subcore_barrier()
    lane = lax.iota(jnp.int32, 16)
    colh = [jnp.full((16,), h, jnp.int32) for h in range(H)]
    blk0 = wid * NBW
    e_base = blk0 * EB

    def issue(g, b):
        pltpu.sync_copy(dst_hbm.at[blk0 + g], dsti[b])
        pltpu.sync_copy(src_hbm.at[blk0 + g], srci[b])
        pltpu.async_copy(ex_hbm.at[pl.ds(e_base + g * EB, EB)], exb[b], sem[b])
        pltpu.async_copy(rcp_hbm.at[dsti[b]], rcpb[b], sem[b])
        pltpu.async_copy(xl_hbm.at[srci[b]], rows[b], sem[b])

    def wait_in(g, b):
        pltpu.make_async_copy(ex_hbm.at[pl.ds(e_base + g * EB, EB)], exb[b],
                              sem[b]).wait()
        pltpu.make_async_copy(rcp_hbm.at[dsti[b]], rcpb[b], sem[b]).wait()
        pltpu.make_async_copy(xl_hbm.at[srci[b]], rows[b], sem[b]).wait()

    issue(0, 0)

    @pl.loop(0, NBW, step=2)
    def _(g):
        for b in (0, 1):
            gg = g + b
            wait_in(gg, b)

            @pl.when(gg + 1 < NBW)
            def _():
                issue(gg + 1, 1 - b)

            exbb, rcpbb, rowsb = exb[b], rcpb[b], rows[b]

            @plsc.parallel_loop(0, EB, step=16, unroll=2)
            def _(j):
                rowi = lane + j
                acc = (plsc.load_gather(exbb, [rowi, colh[0]])
                       * plsc.load_gather(rcpbb, [rowi, colh[0]]))
                for h in range(1, H):
                    acc = acc + (plsc.load_gather(exbb, [rowi, colh[h]])
                                 * plsc.load_gather(rcpbb, [rowi, colh[h]]))
                wbuf[pl.ds(j, 16)] = 0.25 * acc

            @plsc.parallel_loop(0, EB, unroll=4)
            def _(j):
                wv = plsc.load_gather(
                    wbuf, [jnp.full((16,), 0, jnp.int32) + j])
                for k in range(D // 16):
                    rowsb[j, pl.ds(k * 16, 16)] = (
                        rowsb[j, pl.ds(k * 16, 16)] * wv)

            pltpu.sync_copy(rowsb, oshared.at[dsti[b]], add=True)

    plsc.subcore_barrier()
    pltpu.sync_copy(oshared.at[pl.ds(sid * RPS, RPS)],
                    opart_hbm.at[cid, pl.ds(sid * RPS, RPS)])


def _k5_body(x_ref, o0_ref, o1_ref, b_ref, out_ref):
    out_ref[...] = x_ref[...] + o0_ref[0] + o1_ref[0] + b_ref[...]


_R5 = 1000
_k5 = pl.pallas_call(
    _k5_body,
    grid=(N // _R5,),
    in_specs=[
        pl.BlockSpec((_R5, D), lambda i: (i, 0)),
        pl.BlockSpec((1, _R5, D), lambda i: (0, i, 0)),
        pl.BlockSpec((1, _R5, D), lambda i: (1, i, 0)),
        pl.BlockSpec((1, D), lambda i: (0, 0)),
    ],
    out_specs=pl.BlockSpec((_R5, D), lambda i: (i, 0)),
    out_shape=jax.ShapeDtypeStruct((N, D), jnp.float32),
)


def kernel(x, adj, W, att_l, att_r, bias, gamma, beta):
    Wt = W.T
    attl16 = jnp.pad(att_l, ((0, 0), (0, HP - H)))
    attr16 = jnp.pad(att_r, ((0, 0), (0, HP - H)))
    xp = jnp.pad(x, ((0, NP - N), (0, 0)))
    xl, al16, ar16, cal, car = _k1(xp, Wt, attl16, attr16,
                                   gamma.reshape(1, D), beta.reshape(1, D))
    pad = N + (jnp.arange(EPAD - E, dtype=jnp.int32) % (NP - N))
    dst = jnp.concatenate([adj[1], pad]).reshape(EPAD // EB, EB)
    src = jnp.concatenate([adj[0], pad]).reshape(EPAD // EB, EB)
    z16 = jnp.zeros((NP, HP), jnp.float32)
    ex, dpart = _k2(dst, src, al16, ar16, cal, car, z16)
    rcp = _k3(dpart)
    znd = jnp.zeros((NP, D), jnp.float32)
    opart = _k4(dst, src, xl, ex, rcp, znd)
    return _k5(x, opart, opart, bias.reshape(1, D))

# --- scband reference (transcript-rebuilt; emitter-appended) ---
"""Pipeline reference for scband-encoder-layer-52905407152255 (READ-ONLY COPY).

The authoritative reference and input builder live on the scoring server;
editing this copy changes nothing except your own understanding.
"""

import jax, jax.numpy as jnp
import numpy as np

N = 10000
E = 320000
D = 128
H = 4


def layer_norm(h, gamma, beta, eps=1e-5):
    mu = jnp.mean(h, axis=-1, keepdims=True)
    var = jnp.mean((h - mu) ** 2, axis=-1, keepdims=True)
    return gamma * (h - mu) / jnp.sqrt(var + eps) + beta


def hga_conv(h, adj, W, att_l, att_r, bias):
    # lin_l == lin_r (shared), concat=False, add_self_loops=False, eval mode (no dropout)
    xl = h @ W.T                      # [N, D]
    al = xl @ att_l                   # [N, H]
    ar = xl @ att_r                   # [N, H]
    src = adj[0]
    dst = adj[1]
    # edge_score: a_l[adj[1]] + a_r[adj[0]]
    score = al[dst] + ar[src]         # [E, H]
    score = jax.nn.leaky_relu(score, 0.2)
    # segment softmax over destination nodes
    smax = jax.ops.segment_max(score, dst, num_segments=N)  # [N, H]
    smax = jnp.where(jnp.isfinite(smax), smax, 0.0)
    ex = jnp.exp(score - smax[dst])
    denom = jax.ops.segment_sum(ex, dst, num_segments=N)
    alpha = ex / (denom[dst] + 1e-16)  # [E, H]
    # spmm per head: out[dst] += alpha[e, h] * xl[src]
    gathered = xl[src]                 # [E, D]
    outs = []
    for hh in range(H):
        msg = alpha[:, hh:hh + 1] * gathered          # [E, D]
        outs.append(jax.ops.segment_sum(msg, dst, num_segments=N))
    out = jnp.stack(outs, axis=1)      # [N, H, D]
    out = out.mean(axis=1)             # concat=False -> mean over heads
    return out + bias


def setup_inputs(seed: int = 0) -> dict:
    key = jax.random.key(seed)
    k1, k2, k3, k4, k5, k6 = jax.random.split(key, 6)
    x = jax.random.normal(k1, (N, D), dtype=jnp.float32)
    adj = jax.random.randint(k2, (2, E), 0, N, dtype=jnp.int32)
    glorot_w = float(np.sqrt(6.0 / (D + D)))
    W = jax.random.uniform(k3, (D, D), jnp.float32, -glorot_w, glorot_w)
    glorot_a = float(np.sqrt(6.0 / (D + H)))
    att_l = jax.random.uniform(k4, (D, H), jnp.float32, -glorot_a, glorot_a)
    att_r = jax.random.uniform(k5, (D, H), jnp.float32, -glorot_a, glorot_a)
    bias = jnp.zeros((D,), jnp.float32)
    gamma = jnp.ones((D,), jnp.float32)
    beta = jnp.zeros((D,), jnp.float32)
    return {"x": x, "adj": adj, "W": W, "att_l": att_l, "att_r": att_r, "bias": bias, "gamma": gamma, "beta": beta}


def reference(x, adj, W, att_l, att_r, bias, gamma, beta):
    # EncoderLayer sublayer: residual + pre-norm around the HGAConv attention
    # (SublayerConnection: x + dropout(sublayer(norm(x))), dropout identity in eval)
    h = layer_norm(x, gamma, beta)
    return x + hga_conv(h, adj, W, att_l, att_r, bias)

if __name__ == "__main__":
    import jax
    _d = setup_inputs()
    print(jax.jit(kernel)(*tuple(_d.values())))

</pallas_src>

<mosaic_0001>
#map = affine_map<(d0, d1) -> (0, 0)>
#map1 = affine_map<(d0, d1) -> (0, 0, 0)>
module attributes {stable_mosaic.version = 14 : i64} {
  func.func @_k4(%arg0: i32, %arg1: i32, %arg2: memref<2560x128xi32, #tpu.memory_space<hbm>>, %arg3: memref<2560x128xi32, #tpu.memory_space<hbm>>, %arg4: memref<10240x128xf32, #tpu.memory_space<hbm>>, %arg5: memref<327680x16xf32, #tpu.memory_space<hbm>>, %arg6: memref<10240x16xf32, #tpu.memory_space<hbm>>, %arg7: memref<10240x128xf32, #tpu.memory_space<hbm>>, %arg8: memref<2x10240x128xf32, #tpu.memory_space<hbm>>, %arg9: memref<128xi32, #tpu.memory_space<vmem>>, %arg10: memref<128xi32, #tpu.memory_space<vmem>>, %arg11: memref<128xi32, #tpu.memory_space<vmem>>, %arg12: memref<128xi32, #tpu.memory_space<vmem>>, %arg13: memref<128x16xf32, #tpu.memory_space<vmem>>, %arg14: memref<128x16xf32, #tpu.memory_space<vmem>>, %arg15: memref<128x16xf32, #tpu.memory_space<vmem>>, %arg16: memref<128x16xf32, #tpu.memory_space<vmem>>, %arg17: memref<128x128xf32, #tpu.memory_space<vmem>>, %arg18: memref<128x128xf32, #tpu.memory_space<vmem>>, %arg19: memref<128xf32, #tpu.memory_space<vmem>>, %arg20: memref<10240x128xf32, #tpu.memory_space<vmem_shared>>, %arg21: memref<!tpu.dma_semaphore, #tpu.memory_space<semaphore_mem>>, %arg22: memref<!tpu.dma_semaphore, #tpu.memory_space<semaphore_mem>>) attributes {dimension_semantics = [#tpu.dimension_semantics<core_parallel>, #tpu.dimension_semantics<subcore_parallel>], iteration_bounds = array<i64: 2, 16>, scalar_prefetch = 0 : i64, scratch_operands = 14 : i64, tpu.core_type = #tpu.core_type<sc_vector_subcore>, window_params = [{transform_indices = #map}, {transform_indices = #map}, {transform_indices = #map}, {transform_indices = #map}, {transform_indices = #map}, {transform_indices = #map}, {transform_indices = #map1}]} {
    %mul3A = arith.constant 2 : i32
    %mul3A_0 = arith.muli %arg1, %mul3A : i32
    %add3A = arith.addi %mul3A_0, %arg0 : i32
    %mul3A_1 = arith.constant 640 : i32
    %mul3A_2 = arith.muli %arg1, %mul3A_1 : i32
    %mul3A_3 = arith.constant 640 : i32
    %mul3A_4 = arith.muli %arg1, %mul3A_3 : i32
    "tpu.region"() ({
      %run_scoped3A = tpu.sem_alloc : memref<!tpu.dma_semaphore, #tpu.memory_space<semaphore_mem>>
      %dma_start3A_40 = arith.constant 0 : i32
      %dma_start3A_41 = tpu.memref_slice %arg20[%mul3A_4, %dma_start3A_40] : memref<10240x128xf32, #tpu.memory_space<vmem_shared>> -> memref<640x128xf32, #tpu.memory_space<vmem_shared>>
      %dma_start3A_42 = arith.constant 0 : i32
      %dma_start3A_43 = tpu.memref_slice %arg7[%mul3A_2, %dma_start3A_42] : memref<10240x128xf32, #tpu.memory_space<hbm>> -> memref<640x128xf32, #tpu.memory_space<hbm>>
      tpu.enqueue_dma source(%dma_start3A_43 : memref<640x128xf32, #tpu.memory_space<hbm>>) target(%dma_start3A_41 : memref<640x128xf32, #tpu.memory_space<vmem_shared>>) target_semaphore(%run_scoped3A : memref<!tpu.dma_semaphore, #tpu.memory_space<semaphore_mem>>)
      %dma_wait3A = arith.constant 0 : i32
      %dma_wait3A_44 = tpu.memref_slice %arg20[%mul3A_4, %dma_wait3A] : memref<10240x128xf32, #tpu.memory_space<vmem_shared>> -> memref<640x128xf32, #tpu.memory_space<vmem_shared>>
      %dma_wait3A_45 = arith.constant 0 : i32
      %dma_wait3A_46 = tpu.memref_slice %arg7[%mul3A_2, %dma_wait3A_45] : memref<10240x128xf32, #tpu.memory_space<hbm>> -> memref<640x128xf32, #tpu.memory_space<hbm>>
      tpu.wait_dma2 semaphore(%run_scoped3A : memref<!tpu.dma_semaphore, #tpu.memory_space<semaphore_mem>>) src(%dma_wait3A_46 : memref<640x128xf32, #tpu.memory_space<hbm>>) dst(%dma_wait3A_44 : memref<640x128xf32, #tpu.memory_space<vmem_shared>>)
      tpu.yield
    }) : () -> ()
    %barrier3A = arith.constant 0 : index
    tpu.barrier barrier_id(%barrier3A)
    %iota3A = tpu.iota {dimensions = array<i32: 0>} : vector<16xi32>
    %broadcast_in_dim3A = arith.constant 0 : i32
    %broadcast_in_dim3A_5 = vector.broadcast %broadcast_in_dim3A : i32 to vector<16xi32>
    %broadcast_in_dim3A_6 = arith.constant 1 : i32
    %broadcast_in_dim3A_7 = vector.broadcast %broadcast_in_dim3A_6 : i32 to vector<16xi32>
    %broadcast_in_dim3A_8 = arith.constant 2 : i32
    %broadcast_in_dim3A_9 = vector.broadcast %broadcast_in_dim3A_8 : i32 to vector<16xi32>
    %broadcast_in_dim3A_10 = arith.constant 3 : i32
    %broadcast_in_dim3A_11 = vector.broadcast %broadcast_in_dim3A_10 : i32 to vector<16xi32>
    %mul3A_12 = arith.constant 80 : i32
    %mul3A_13 = arith.muli %add3A, %mul3A_12 : i32
    %mul3A_14 = arith.constant 128 : i32
    %mul3A_15 = arith.muli %mul3A_13, %mul3A_14 : i32
    %add3A_16 = arith.constant 0 : i32
    %add3A_17 = arith.addi %mul3A_13, %add3A_16 : i32
    "tpu.region"() ({
      %run_scoped3A = tpu.sem_alloc : memref<!tpu.dma_semaphore, #tpu.memory_space<semaphore_mem>>
      %dma_start3A_40 = arith.constant 0 : i32
      %dma_start3A_41 = tpu.memref_slice %arg2[%add3A_17, %dma_start3A_40] : memref<2560x128xi32, #tpu.memory_space<hbm>> -> memref<1x128xi32, #tpu.memory_space<hbm>>
      %dma_start3A_42 = tpu.memref_squeeze %dma_start3A_41 : memref<1x128xi32, #tpu.memory_space<hbm>> -> memref<128xi32, #tpu.memory_space<hbm>>
      %dma_start3A_43 = arith.constant 0 : i32
      %dma_start3A_44 = tpu.memref_slice %arg2[%add3A_17, %dma_start3A_43] : memref<2560x128xi32, #tpu.memory_space<hbm>> -> memref<1x128xi32, #tpu.memory_space<hbm>>
      %dma_start3A_45 = tpu.memref_squeeze %dma_start3A_44 : memref<1x128xi32, #tpu.memory_space<hbm>> -> memref<128xi32, #tpu.memory_space<hbm>>
      tpu.enqueue_dma source(%dma_start3A_45 : memref<128xi32, #tpu.memory_space<hbm>>) target(%arg9 : memref<128xi32, #tpu.memory_space<vmem>>) target_semaphore(%run_scoped3A : memref<!tpu.dma_semaphore, #tpu.memory_space<semaphore_mem>>)
      %dma_wait3A = arith.constant 0 : i32
      %dma_wait3A_46 = tpu.memref_slice %arg2[%add3A_17, %dma_wait3A] : memref<2560x128xi32, #tpu.memory_space<hbm>> -> memref<1x128xi32, #tpu.memory_space<hbm>>
      %dma_wait3A_47 = tpu.memref_squeeze %dma_wait3A_46 : memref<1x128xi32, #tpu.memory_space<hbm>> -> memref<128xi32, #tpu.memory_space<hbm>>
      %dma_wait3A_48 = arith.constant 0 : i32
      %dma_wait3A_49 = tpu.memref_slice %arg2[%add3A_17, %dma_wait3A_48] : memref<2560x128xi32, #tpu.memory_space<hbm>> -> memref<1x128xi32, #tpu.memory_space<hbm>>
      %dma_wait3A_50 = tpu.memref_squeeze %dma_wait3A_49 : memref<1x128xi32, #tpu.memory_space<hbm>> -> memref<128xi32, #tpu.memory_space<hbm>>
      tpu.wait_dma2 semaphore(%run_scoped3A : memref<!tpu.dma_semaphore, #tpu.memory_space<semaphore_mem>>) src(%dma_wait3A_50 : memref<128xi32, #tpu.memory_space<hbm>>) dst(%arg9 : memref<128xi32, #tpu.memory_space<vmem>>)
      tpu.yield
    }) : () -> ()
    %add3A_18 = arith.constant 0 : i32
    %add3A_19 = arith.addi %mul3A_13, %add3A_18 : i32
    "tpu.region"() ({
      %run_scoped3A = tpu.sem_alloc : memref<!tpu.dma_semaphore, #tpu.memory_space<semaphore_mem>>
      %dma_start3A_40 = arith.constant 0 : i32
      %dma_start3A_41 = tpu.memref_slice %arg3[%add3A_19, %dma_start3A_40] : memref<2560x128xi32, #tpu.memory_space<hbm>> -> memref<1x128xi32, #tpu.memory_space<hbm>>
      %dma_start3A_42 = tpu.memref_squeeze %dma_start3A_41 : memref<1x128xi32, #tpu.memory_space<hbm>> -> memref<128xi32, #tpu.memory_space<hbm>>
      %dma_start3A_43 = arith.constant 0 : i32
      %dma_start3A_44 = tpu.memref_slice %arg3[%add3A_19, %dma_start3A_43] : memref<2560x128xi32, #tpu.memory_space<hbm>> -> memref<1x128xi32, #tpu.memory_space<hbm>>
      %dma_start3A_45 = tpu.memref_squeeze %dma_start3A_44 : memref<1x128xi32, #tpu.memory_space<hbm>> -> memref<128xi32, #tpu.memory_space<hbm>>
      tpu.enqueue_dma source(%dma_start3A_45 : memref<128xi32, #tpu.memory_space<hbm>>) target(%arg11 : memref<128xi32, #tpu.memory_space<vmem>>) target_semaphore(%run_scoped3A : memref<!tpu.dma_semaphore, #tpu.memory_space<semaphore_mem>>)
      %dma_wait3A = arith.constant 0 : i32
      %dma_wait3A_46 = tpu.memref_slice %arg3[%add3A_19, %dma_wait3A] : memref<2560x128xi32, #tpu.memory_space<hbm>> -> memref<1x128xi32, #tpu.memory_space<hbm>>
      %dma_wait3A_47 = tpu.memref_squeeze %dma_wait3A_46 : memref<1x128xi32, #tpu.memory_space<hbm>> -> memref<128xi32, #tpu.memory_space<hbm>>
      %dma_wait3A_48 = arith.constant 0 : i32
      %dma_wait3A_49 = tpu.memref_slice %arg3[%add3A_19, %dma_wait3A_48] : memref<2560x128xi32, #tpu.memory_space<hbm>> -> memref<1x128xi32, #tpu.memory_space<hbm>>
      %dma_wait3A_50 = tpu.memref_squeeze %dma_wait3A_49 : memref<1x128xi32, #tpu.memory_space<hbm>> -> memref<128xi32, #tpu.memory_space<hbm>>
      tpu.wait_dma2 semaphore(%run_scoped3A : memref<!tpu.dma_semaphore, #tpu.memory_space<semaphore_mem>>) src(%dma_wait3A_50 : memref<128xi32, #tpu.memory_space<hbm>>) dst(%arg11 : memref<128xi32, #tpu.memory_space<vmem>>)
      tpu.yield
    }) : () -> ()
    %add3A_20 = arith.constant 0 : i32
    %add3A_21 = arith.addi %mul3A_15, %add3A_20 : i32
    %dma_start3A = arith.constant 0 : i32
    %dma_start3A_22 = tpu.memref_slice %arg5[%add3A_21, %dma_start3A] : memref<327680x16xf32, #tpu.memory_space<hbm>> -> memref<128x16xf32, #tpu.memory_space<hbm>>
    %dma_start3A_23 = arith.constant 0 : i32
    %dma_start3A_24 = tpu.memref_slice %arg5[%add3A_21, %dma_start3A_23] : memref<327680x16xf32, #tpu.memory_space<hbm>> -> memref<128x16xf32, #tpu.memory_space<hbm>>
    tpu.enqueue_dma source(%dma_start3A_24 : memref<128x16xf32, #tpu.memory_space<hbm>>) target(%arg13 : memref<128x16xf32, #tpu.memory_space<vmem>>) target_semaphore(%arg21 : memref<!tpu.dma_semaphore, #tpu.memory_space<semaphore_mem>>)
    %dma_start3A_25 = arith.constant 0 : i32
    %dma_start3A_26 = arith.constant 0 : i32
    %dma_start3A_27 = tpu.memref_slice %arg6[%dma_start3A_25, %dma_start3A_26] : memref<10240x16xf32, #tpu.memory_space<hbm>> -> memref<10240x16xf32, #tpu.memory_space<hbm>>
    tpu.enqueue_indirect_dma source(%dma_start3A_27 : memref<10240x16xf32, #tpu.memory_space<hbm>>) target(%arg15 : memref<128x16xf32, #tpu.memory_space<vmem>>) offsets(%arg9 : memref<128xi32, #tpu.memory_space<vmem>>) semaphore(%arg21 : memref<!tpu.dma_semaphore, #tpu.memory_space<semaphore_mem>>)
    %dma_start3A_28 = arith.constant 0 : i32
    %dma_start3A_29 = arith.constant 0 : i32
    %dma_start3A_30 = tpu.memref_slice %arg4[%dma_start3A_28, %dma_start3A_29] : memref<10240x128xf32, #tpu.memory_space<hbm>> -> memref<10240x128xf32, #tpu.memory_space<hbm>>
    tpu.enqueue_indirect_dma source(%dma_start3A_30 : memref<10240x128xf32, #tpu.memory_space<hbm>>) target(%arg17 : memref<128x128xf32, #tpu.memory_space<vmem>>) offsets(%arg11 : memref<128xi32, #tpu.memory_space<vmem>>) semaphore(%arg21 : memref<!tpu.dma_semaphore, #tpu.memory_space<semaphore_mem>>)
    %scan3A = arith.constant 0 : i32
    %scan3A_31 = arith.constant 40 : i32
    %scan3A_32 = arith.addi %scan3A, %scan3A_31 : i32
    %scan3A_33 = arith.constant 1 : i32
    scf.for %scan3A_40 = %scan3A to %scan3A_32 step %scan3A_33  : i32 {
      %mul3A_41 = arith.constant 2 : i32
      %mul3A_42 = arith.muli %scan3A_40, %mul3A_41 : i32
      %add3A_43 = arith.constant 0 : i32
      %add3A_44 = arith.addi %add3A_43, %mul3A_42 : i32
      %add3A_45 = arith.constant 0 : i32
      %add3A_46 = arith.addi %add3A_44, %add3A_45 : i32
      %mul3A_47 = arith.constant 128 : i32
      %mul3A_48 = arith.muli %add3A_46, %mul3A_47 : i32
      %add3A_49 = arith.addi %mul3A_15, %mul3A_48 : i32
      %dma_wait3A = arith.constant 0 : i32
      %dma_wait3A_50 = tpu.memref_slice %arg5[%add3A_49, %dma_wait3A] : memref<327680x16xf32, #tpu.memory_space<hbm>> -> memref<128x16xf32, #tpu.memory_space<hbm>>
      %dma_wait3A_51 = arith.constant 0 : i32
      %dma_wait3A_52 = tpu.memref_slice %arg5[%add3A_49, %dma_wait3A_51] : memref<327680x16xf32, #tpu.memory_space<hbm>> -> memref<128x16xf32, #tpu.memory_space<hbm>>
      tpu.wait_dma2 semaphore(%arg21 : memref<!tpu.dma_semaphore, #tpu.memory_space<semaphore_mem>>) src(%dma_wait3A_52 : memref<128x16xf32, #tpu.memory_space<hbm>>) dst(%arg13 : memref<128x16xf32, #tpu.memory_space<vmem>>)
      %dma_wait3A_53 = arith.constant 0 : i32
      %dma_wait3A_54 = arith.constant 0 : i32
      %dma_wait3A_55 = tpu.memref_slice %arg6[%dma_wait3A_53, %dma_wait3A_54] : memref<10240x16xf32, #tpu.memory_space<hbm>> -> memref<10240x16xf32, #tpu.memory_space<hbm>>
      tpu.wait_indirect_dma semaphore(%arg21 : memref<!tpu.dma_semaphore, #tpu.memory_space<semaphore_mem>>) src(%dma_wait3A_55 : memref<10240x16xf32, #tpu.memory_space<hbm>>) dst(%arg15 : memref<128x16xf32, #tpu.memory_space<vmem>>)
      %dma_wait3A_56 = arith.constant 0 : i32
      %dma_wait3A_57 = arith.constant 0 : i32
      %dma_wait3A_58 = tpu.memref_slice %arg4[%dma_wait3A_56, %dma_wait3A_57] : memref<10240x128xf32, #tpu.memory_space<hbm>> -> memref<10240x128xf32, #tpu.memory_space<hbm>>
      tpu.wait_indirect_dma semaphore(%arg21 : memref<!tpu.dma_semaphore, #tpu.memory_space<semaphore_mem>>) src(%dma_wait3A_58 : memref<10240x128xf32, #tpu.memory_space<hbm>>) dst(%arg17 : memref<128x128xf32, #tpu.memory_space<vmem>>)
      %add3A_59 = arith.constant 1 : i32
      %add3A_60 = arith.addi %add3A_46, %add3A_59 : i32
      %lt3A = arith.constant 80 : i32
      %lt3A_61 = arith.cmpi slt, %add3A_60, %lt3A : i32
      %convert_element_type3A = arith.extui %lt3A_61 : i1 to i32
      %cond3A = arith.constant 0 : i32
      %cond3A_62 = arith.cmpi ne, %convert_element_type3A, %cond3A : i32
      scf.if %cond3A_62 {
        %add3A_96 = arith.constant 1 : i32
        %add3A_97 = arith.addi %add3A_46, %add3A_96 : i32
        %add3A_98 = arith.addi %mul3A_13, %add3A_97 : i32
        "tpu.region"() ({
          %run_scoped3A = tpu.sem_alloc : memref<!tpu.dma_semaphore, #tpu.memory_space<semaphore_mem>>
          %dma_start3A_113 = arith.constant 0 : i32
          %dma_start3A_114 = tpu.memref_slice %arg2[%add3A_98, %dma_start3A_113] : memref<2560x128xi32, #tpu.memory_space<hbm>> -> memref<1x128xi32, #tpu.memory_space<hbm>>
          %dma_start3A_115 = tpu.memref_squeeze %dma_start3A_114 : memref<1x128xi32, #tpu.memory_space<hbm>> -> memref<128xi32, #tpu.memory_space<hbm>>
          %dma_start3A_116 = arith.constant 0 : i32
          %dma_start3A_117 = tpu.memref_slice %arg2[%add3A_98, %dma_start3A_116] : memref<2560x128xi32, #tpu.memory_space<hbm>> -> memref<1x128xi32, #tpu.memory_space<hbm>>
          %dma_start3A_118 = tpu.memref_squeeze %dma_start3A_117 : memref<1x128xi32, #tpu.memory_space<hbm>> -> memref<128xi32, #tpu.memory_space<hbm>>
          tpu.enqueue_dma source(%dma_start3A_118 : memref<128xi32, #tpu.memory_space<hbm>>) target(%arg10 : memref<128xi32, #tpu.memory_space<vmem>>) target_semaphore(%run_scoped3A : memref<!tpu.dma_semaphore, #tpu.memory_space<semaphore_mem>>)
          %dma_wait3A_119 = arith.constant 0 : i32
          %dma_wait3A_120 = tpu.memref_slice %arg2[%add3A_98, %dma_wait3A_119] : memref<2560x128xi32, #tpu.memory_space<hbm>> -> memref<1x128xi32, #tpu.memory_space<hbm>>
          %dma_wait3A_121 = tpu.memref_squeeze %dma_wait3A_120 : memref<1x128xi32, #tpu.memory_space<hbm>> -> memref<128xi32, #tpu.memory_space<hbm>>
          %dma_wait3A_122 = arith.constant 0 : i32
          %dma_wait3A_123 = tpu.memref_slice %arg2[%add3A_98, %dma_wait3A_122] : memref<2560x128xi32, #tpu.memory_space<hbm>> -> memref<1x128xi32, #tpu.memory_space<hbm>>
          %dma_wait3A_124 = tpu.memref_squeeze %dma_wait3A_123 : memref<1x128xi32, #tpu.memory_space<hbm>> -> memref<128xi32, #tpu.memory_space<hbm>>
          tpu.wait_dma2 semaphore(%run_scoped3A : memref<!tpu.dma_semaphore, #tpu.memory_space<semaphore_mem>>) src(%dma_wait3A_124 : memref<128xi32, #tpu.memory_space<hbm>>) dst(%arg10 : memref<128xi32, #tpu.memory_space<vmem>>)
          tpu.yield
        }) : () -> ()
        %add3A_99 = arith.addi %mul3A_13, %add3A_97 : i32
        "tpu.region"() ({
          %run_scoped3A = tpu.sem_alloc : memref<!tpu.dma_semaphore, #tpu.memory_space<semaphore_mem>>
          %dma_start3A_113 = arith.constant 0 : i32
          %dma_start3A_114 = tpu.memref_slice %arg3[%add3A_99, %dma_start3A_113] : memref<2560x128xi32, #tpu.memory_space<hbm>> -> memref<1x128xi32, #tpu.memory_space<hbm>>
          %dma_start3A_115 = tpu.memref_squeeze %dma_start3A_114 : memref<1x128xi32, #tpu.memory_space<hbm>> -> memref<128xi32, #tpu.memory_space<hbm>>
          %dma_start3A_116 = arith.constant 0 : i32
          %dma_start3A_117 = tpu.memref_slice %arg3[%add3A_99, %dma_start3A_116] : memref<2560x128xi32, #tpu.memory_space<hbm>> -> memref<1x128xi32, #tpu.memory_space<hbm>>
          %dma_start3A_118 = tpu.memref_squeeze %dma_start3A_117 : memref<1x128xi32, #tpu.memory_space<hbm>> -> memref<128xi32, #tpu.memory_space<hbm>>
          tpu.enqueue_dma source(%dma_start3A_118 : memref<128xi32, #tpu.memory_space<hbm>>) target(%arg12 : memref<128xi32, #tpu.memory_space<vmem>>) target_semaphore(%run_scoped3A : memref<!tpu.dma_semaphore, #tpu.memory_space<semaphore_mem>>)
          %dma_wait3A_119 = arith.constant 0 : i32
          %dma_wait3A_120 = tpu.memref_slice %arg3[%add3A_99, %dma_wait3A_119] : memref<2560x128xi32, #tpu.memory_space<hbm>> -> memref<1x128xi32, #tpu.memory_space<hbm>>
          %dma_wait3A_121 = tpu.memref_squeeze %dma_wait3A_120 : memref<1x128xi32, #tpu.memory_space<hbm>> -> memref<128xi32, #tpu.memory_space<hbm>>
          %dma_wait3A_122 = arith.constant 0 : i32
          %dma_wait3A_123 = tpu.memref_slice %arg3[%add3A_99, %dma_wait3A_122] : memref<2560x128xi32, #tpu.memory_space<hbm>> -> memref<1x128xi32, #tpu.memory_space<hbm>>
          %dma_wait3A_124 = tpu.memref_squeeze %dma_wait3A_123 : memref<1x128xi32, #tpu.memory_space<hbm>> -> memref<128xi32, #tpu.memory_space<hbm>>
          tpu.wait_dma2 semaphore(%run_scoped3A : memref<!tpu.dma_semaphore, #tpu.memory_space<semaphore_mem>>) src(%dma_wait3A_124 : memref<128xi32, #tpu.memory_space<hbm>>) dst(%arg12 : memref<128xi32, #tpu.memory_space<vmem>>)
          tpu.yield
        }) : () -> ()
        %mul3A_100 = arith.constant 128 : i32
        %mul3A_101 = arith.muli %add3A_97, %mul3A_100 : i32
        %add3A_102 = arith.addi %mul3A_15, %mul3A_101 : i32
        %dma_start3A_103 = arith.constant 0 : i32
        %dma_start3A_104 = tpu.memref_slice %arg5[%add3A_102, %dma_start3A_103] : memref<327680x16xf32, #tpu.memory_space<hbm>> -> memref<128x16xf32, #tpu.memory_space<hbm>>
        %dma_start3A_105 = arith.constant 0 : i32
        %dma_start3A_106 = tpu.memref_slice %arg5[%add3A_102, %dma_start3A_105] : memref<327680x16xf32, #tpu.memory_space<hbm>> -> memref<128x16xf32, #tpu.memory_space<hbm>>
        tpu.enqueue_dma source(%dma_start3A_106 : memref<128x16xf32, #tpu.memory_space<hbm>>) target(%arg14 : memref<128x16xf32, #tpu.memory_space<vmem>>) target_semaphore(%arg22 : memref<!tpu.dma_semaphore, #tpu.memory_space<semaphore_mem>>)
        %dma_start3A_107 = arith.constant 0 : i32
        %dma_start3A_108 = arith.constant 0 : i32
        %dma_start3A_109 = tpu.memref_slice %arg6[%dma_start3A_107, %dma_start3A_108] : memref<10240x16xf32, #tpu.memory_space<hbm>> -> memref<10240x16xf32, #tpu.memory_space<hbm>>
        tpu.enqueue_indirect_dma source(%dma_start3A_109 : memref<10240x16xf32, #tpu.memory_space<hbm>>) target(%arg16 : memref<128x16xf32, #tpu.memory_space<vmem>>) offsets(%arg10 : memref<128xi32, #tpu.memory_space<vmem>>) semaphore(%arg22 : memref<!tpu.dma_semaphore, #tpu.memory_space<semaphore_mem>>)
        %dma_start3A_110 = arith.constant 0 : i32
        %dma_start3A_111 = arith.constant 0 : i32
        %dma_start3A_112 = tpu.memref_slice %arg4[%dma_start3A_110, %dma_start3A_111] : memref<10240x128xf32, #tpu.memory_space<hbm>> -> memref<10240x128xf32, #tpu.memory_space<hbm>>
        tpu.enqueue_indirect_dma source(%dma_start3A_112 : memref<10240x128xf32, #tpu.memory_space<hbm>>) target(%arg18 : memref<128x128xf32, #tpu.memory_space<vmem>>) offsets(%arg12 : memref<128xi32, #tpu.memory_space<vmem>>) semaphore(%arg22 : memref<!tpu.dma_semaphore, #tpu.memory_space<semaphore_mem>>)
      } else {
      }
      %parallel_loop3A = arith.constant 0 : i32
      %parallel_loop3A_63 = arith.constant 128 : i32
      %parallel_loop3A_64 = arith.constant 16 : i32
      scf.for %parallel_loop3A_96 = %parallel_loop3A to %parallel_loop3A_63 step %parallel_loop3A_64  : i32 {
        %parallel_loop3A_97 = vector.broadcast %parallel_loop3A_96 : i32 to vector<16xi32>
        %parallel_loop3A_98 = arith.addi %iota3A, %parallel_loop3A_97 : vector<16xi32>
        %parallel_loop3A_99 = tpu.vector_load_idx %arg13[%parallel_loop3A_98, %broadcast_in_dim3A_5] : memref<128x16xf32, #tpu.memory_space<vmem>>[vector<16xi32>, vector<16xi32>], vector<16xf32>,
        %parallel_loop3A_100 = tpu.vector_load_idx %arg15[%parallel_loop3A_98, %broadcast_in_dim3A_5] : memref<128x16xf32, #tpu.memory_space<vmem>>[vector<16xi32>, vector<16xi32>], vector<16xf32>,
        %parallel_loop3A_101 = arith.mulf %parallel_loop3A_99, %parallel_loop3A_100 : vector<16xf32>
        %parallel_loop3A_102 = tpu.vector_load_idx %arg13[%parallel_loop3A_98, %broadcast_in_dim3A_7] : memref<128x16xf32, #tpu.memory_space<vmem>>[vector<16xi32>, vector<16xi32>], vector<16xf32>,
        %parallel_loop3A_103 = tpu.vector_load_idx %arg15[%parallel_loop3A_98, %broadcast_in_dim3A_7] : memref<128x16xf32, #tpu.memory_space<vmem>>[vector<16xi32>, vector<16xi32>], vector<16xf32>,
        %parallel_loop3A_104 = arith.mulf %parallel_loop3A_102, %parallel_loop3A_103 : vector<16xf32>
        %parallel_loop3A_105 = arith.addf %parallel_loop3A_101, %parallel_loop3A_104 : vector<16xf32>
        %parallel_loop3A_106 = tpu.vector_load_idx %arg13[%parallel_loop3A_98, %broadcast_in_dim3A_9] : memref<128x16xf32, #tpu.memory_space<vmem>>[vector<16xi32>, vector<16xi32>], vector<16xf32>,
        %parallel_loop3A_107 = tpu.vector_load_idx %arg15[%parallel_loop3A_98, %broadcast_in_dim3A_9] : memref<128x16xf32, #tpu.memory_space<vmem>>[vector<16xi32>, vector<16xi32>], vector<16xf32>,
        %parallel_loop3A_108 = arith.mulf %parallel_loop3A_106, %parallel_loop3A_107 : vector<16xf32>
        %parallel_loop3A_109 = arith.addf %parallel_loop3A_105, %parallel_loop3A_108 : vector<16xf32>
        %parallel_loop3A_110 = tpu.vector_load_idx %arg13[%parallel_loop3A_98, %broadcast_in_dim3A_11] : memref<128x16xf32, #tpu.memory_space<vmem>>[vector<16xi32>, vector<16xi32>], vector<16xf32>,
        %parallel_loop3A_111 = tpu.vector_load_idx %arg15[%parallel_loop3A_98, %broadcast_in_dim3A_11] : memref<128x16xf32, #tpu.memory_space<vmem>>[vector<16xi32>, vector<16xi32>], vector<16xf32>,
        %parallel_loop3A_112 = arith.mulf %parallel_loop3A_110, %parallel_loop3A_111 : vector<16xf32>
        %parallel_loop3A_113 = arith.addf %parallel_loop3A_109, %parallel_loop3A_112 : vector<16xf32>
        %parallel_loop3A_114 = arith.constant 2.500000e-01 : f32
        %parallel_loop3A_115 = vector.broadcast %parallel_loop3A_114 : f32 to vector<16xf32>
        %parallel_loop3A_116 = arith.mulf %parallel_loop3A_115, %parallel_loop3A_113 : vector<16xf32>
        %parallel_loop3A_117 = arith.index_cast %parallel_loop3A_96 : i32 to index
        %parallel_loop3A_118 = tpu.vector_load %arg19[%parallel_loop3A_117] {strides = array<i32>} : memref<128xf32, #tpu.memory_space<vmem>>, vector<16xf32>,
        tpu.vector_store %arg19[%parallel_loop3A_117], %parallel_loop3A_116 {strides = array<i32>} : memref<128xf32, #tpu.memory_space<vmem>>, vector<16xf32>,
      } {sc.loop_unroll_factor = 2 : i64, sc.parallel_access}
      %parallel_loop3A_65 = arith.constant 0 : i32
      %parallel_loop3A_66 = arith.constant 128 : i32
      %parallel_loop3A_67 = arith.constant 1 : i32
      scf.for %parallel_loop3A_96 = %parallel_loop3A_65 to %parallel_loop3A_66 step %parallel_loop3A_67  : i32 {
        %parallel_loop3A_97 = arith.constant 0 : i32
        %parallel_loop3A_98 = vector.broadcast %parallel_loop3A_97 : i32 to vector<16xi32>
        %parallel_loop3A_99 = vector.broadcast %parallel_loop3A_96 : i32 to vector<16xi32>
        %parallel_loop3A_100 = arith.addi %parallel_loop3A_98, %parallel_loop3A_99 : vector<16xi32>
        %parallel_loop3A_101 = tpu.vector_load_idx %arg19[%parallel_loop3A_100] : memref<128xf32, #tpu.memory_space<vmem>>[vector<16xi32>], vector<16xf32>,
        %parallel_loop3A_102 = arith.index_cast %parallel_loop3A_96 : i32 to index
        %parallel_loop3A_103 = arith.constant 0 : index
        %parallel_loop3A_104 = tpu.vector_load %arg17[%parallel_loop3A_102, %parallel_loop3A_103] {strides = array<i32>} : memref<128x128xf32, #tpu.memory_space<vmem>>, vector<16xf32>,
        %parallel_loop3A_105 = arith.mulf %parallel_loop3A_104, %parallel_loop3A_101 : vector<16xf32>
        %parallel_loop3A_106 = arith.index_cast %parallel_loop3A_96 : i32 to index
        %parallel_loop3A_107 = arith.constant 0 : index
        %parallel_loop3A_108 = tpu.vector_load %arg17[%parallel_loop3A_106, %parallel_loop3A_107] {strides = array<i32>} : memref<128x128xf32, #tpu.memory_space<vmem>>, vector<16xf32>,
        tpu.vector_store %arg17[%parallel_loop3A_106, %parallel_loop3A_107], %parallel_loop3A_105 {strides = array<i32>} : memref<128x128xf32, #tpu.memory_space<vmem>>, vector<16xf32>,
        %parallel_loop3A_109 = arith.index_cast %parallel_loop3A_96 : i32 to index
        %parallel_loop3A_110 = arith.constant 16 : index
        %parallel_loop3A_111 = tpu.vector_load %arg17[%parallel_loop3A_109, %parallel_loop3A_110] {strides = array<i32>} : memref<128x128xf32, #tpu.memory_space<vmem>>, vector<16xf32>,
        %parallel_loop3A_112 = arith.mulf %parallel_loop3A_111, %parallel_loop3A_101 : vector<16xf32>
        %parallel_loop3A_113 = arith.index_cast %parallel_loop3A_96 : i32 to index
        %parallel_loop3A_114 = arith.constant 16 : index
        %parallel_loop3A_115 = tpu.vector_load %arg17[%parallel_loop3A_113, %parallel_loop3A_114] {strides = array<i32>} : memref<128x128xf32, #tpu.memory_space<vmem>>, vector<16xf32>,
        tpu.vector_store %arg17[%parallel_loop3A_113, %parallel_loop3A_114], %parallel_loop3A_112 {strides = array<i32>} : memref<128x128xf32, #tpu.memory_space<vmem>>, vector<16xf32>,
        %parallel_loop3A_116 = arith.index_cast %parallel_loop3A_96 : i32 to index
        %parallel_loop3A_117 = arith.constant 32 : index
        %parallel_loop3A_118 = tpu.vector_load %arg17[%parallel_loop3A_116, %parallel_loop3A_117] {strides = array<i32>} : memref<128x128xf32, #tpu.memory_space<vmem>>, vector<16xf32>,
        %parallel_loop3A_119 = arith.mulf %parallel_loop3A_118, %parallel_loop3A_101 : vector<16xf32>
        %parallel_loop3A_120 = arith.index_cast %parallel_loop3A_96 : i32 to index
        %parallel_loop3A_121 = arith.constant 32 : index
        %parallel_loop3A_122 = tpu.vector_load %arg17[%parallel_loop3A_120, %parallel_loop3A_121] {strides = array<i32>} : memref<128x128xf32, #tpu.memory_space<vmem>>, vector<16xf32>,
        tpu.vector_store %arg17[%parallel_loop3A_120, %parallel_loop3A_121], %parallel_loop3A_119 {strides = array<i32>} : memref<128x128xf32, #tpu.memory_space<vmem>>, vector<16xf32>,
        %parallel_loop3A_123 = arith.index_cast %parallel_loop3A_96 : i32 to index
        %parallel_loop3A_124 = arith.constant 48 : index
        %parallel_loop3A_125 = tpu.vector_load %arg17[%parallel_loop3A_123, %parallel_loop3A_124] {strides = array<i32>} : memref<128x128xf32, #tpu.memory_space<vmem>>, vector<16xf32>,
        %parallel_loop3A_126 = arith.mulf %parallel_loop3A_125, %parallel_loop3A_101 : vector<16xf32>
        %parallel_loop3A_127 = arith.index_cast %parallel_loop3A_96 : i32 to index
        %parallel_loop3A_128 = arith.constant 48 : index
        %parallel_loop3A_129 = tpu.vector_load %arg17[%parallel_loop3A_127, %parallel_loop3A_128] {strides = array<i32>} : memref<128x128xf32, #tpu.memory_space<vmem>>, vector<16xf32>,
        tpu.vector_store %arg17[%parallel_loop3A_127, %parallel_loop3A_128], %parallel_loop3A_126 {strides = array<i32>} : memref<128x128xf32, #tpu.memory_space<vmem>>, vector<16xf32>,
        %parallel_loop3A_130 = arith.index_cast %parallel_loop3A_96 : i32 to index
        %parallel_loop3A_131 = arith.constant 64 : index
        %parallel_loop3A_132 = tpu.vector_load %arg17[%parallel_loop3A_130, %parallel_loop3A_131] {strides = array<i32>} : memref<128x128xf32, #tpu.memory_space<vmem>>, vector<16xf32>,
        %parallel_loop3A_133 = arith.mulf %parallel_loop3A_132, %parallel_loop3A_101 : vector<16xf32>
        %parallel_loop3A_134 = arith.index_cast %parallel_loop3A_96 : i32 to index
        %parallel_loop3A_135 = arith.constant 64 : index
        %parallel_loop3A_136 = tpu.vector_load %arg17[%parallel_loop3A_134, %parallel_loop3A_135] {strides = array<i32>} : memref<128x128xf32, #tpu.memory_space<vmem>>, vector<16xf32>,
        tpu.vector_store %arg17[%parallel_loop3A_134, %parallel_loop3A_135], %parallel_loop3A_133 {strides = array<i32>} : memref<128x128xf32, #tpu.memory_space<vmem>>, vector<16xf32>,
        %parallel_loop3A_137 = arith.index_cast %parallel_loop3A_96 : i32 to index
        %parallel_loop3A_138 = arith.constant 80 : index
        %parallel_loop3A_139 = tpu.vector_load %arg17[%parallel_loop3A_137, %parallel_loop3A_138] {strides = array<i32>} : memref<128x128xf32, #tpu.memory_space<vmem>>, vector<16xf32>,
        %parallel_loop3A_140 = arith.mulf %parallel_loop3A_139, %parallel_loop3A_101 : vector<16xf32>
        %parallel_loop3A_141 = arith.index_cast %parallel_loop3A_96 : i32 to index
        %parallel_loop3A_142 = arith.constant 80 : index
        %parallel_loop3A_143 = tpu.vector_load %arg17[%parallel_loop3A_141, %parallel_loop3A_142] {strides = array<i32>} : memref<128x128xf32, #tpu.memory_space<vmem>>, vector<16xf32>,
        tpu.vector_store %arg17[%parallel_loop3A_141, %parallel_loop3A_142], %parallel_loop3A_140 {strides = array<i32>} : memref<128x128xf32, #tpu.memory_space<vmem>>, vector<16xf32>,
        %parallel_loop3A_144 = arith.index_cast %parallel_loop3A_96 : i32 to index
        %parallel_loop3A_145 = arith.constant 96 : index
        %parallel_loop3A_146 = tpu.vector_load %arg17[%parallel_loop3A_144, %parallel_loop3A_145] {strides = array<i32>} : memref<128x128xf32, #tpu.memory_space<vmem>>, vector<16xf32>,
        %parallel_loop3A_147 = arith.mulf %parallel_loop3A_146, %parallel_loop3A_101 : vector<16xf32>
        %parallel_loop3A_148 = arith.index_cast %parallel_loop3A_96 : i32 to index
        %parallel_loop3A_149 = arith.constant 96 : index
        %parallel_loop3A_150 = tpu.vector_load %arg17[%parallel_loop3A_148, %parallel_loop3A_149] {strides = array<i32>} : memref<128x128xf32, #tpu.memory_space<vmem>>, vector<16xf32>,
        tpu.vector_store %arg17[%parallel_loop3A_148, %parallel_loop3A_149], %parallel_loop3A_147 {strides = array<i32>} : memref<128x128xf32, #tpu.memory_space<vmem>>, vector<16xf32>,
        %parallel_loop3A_151 = arith.index_cast %parallel_loop3A_96 : i32 to index
        %parallel_loop3A_152 = arith.constant 112 : index
        %parallel_loop3A_153 = tpu.vector_load %arg17[%parallel_loop3A_151, %parallel_loop3A_152] {strides = array<i32>} : memref<128x128xf32, #tpu.memory_space<vmem>>, vector<16xf32>,
        %parallel_loop3A_154 = arith.mulf %parallel_loop3A_153, %parallel_loop3A_101 : vector<16xf32>
        %parallel_loop3A_155 = arith.index_cast %parallel_loop3A_96 : i32 to index
        %parallel_loop3A_156 = arith.constant 112 : index
        %parallel_loop3A_157 = tpu.vector_load %arg17[%parallel_loop3A_155, %parallel_loop3A_156] {strides = array<i32>} : memref<128x128xf32, #tpu.memory_space<vmem>>, vector<16xf32>,
        tpu.vector_store %arg17[%parallel_loop3A_155, %parallel_loop3A_156], %parallel_loop3A_154 {strides = array<i32>} : memref<128x128xf32, #tpu.memory_space<vmem>>, vector<16xf32>,
      } {sc.loop_unroll_factor = 4 : i64, sc.parallel_access}
      "tpu.region"() ({
        %run_scoped3A = tpu.sem_alloc : memref<!tpu.dma_semaphore, #tpu.memory_space<semaphore_mem>>
        %dma_start3A_96 = arith.constant 0 : i32
        %dma_start3A_97 = arith.constant 0 : i32
        %dma_start3A_98 = tpu.memref_slice %arg20[%dma_start3A_96, %dma_start3A_97] : memref<10240x128xf32, #tpu.memory_space<vmem_shared>> -> memref<10240x128xf32, #tpu.memory_space<vmem_shared>>
        tpu.enqueue_indirect_dma source(%arg17 : memref<128x128xf32, #tpu.memory_space<vmem>>) target(%dma_start3A_98 : memref<10240x128xf32, #tpu.memory_space<vmem_shared>>) offsets(%arg9 : memref<128xi32, #tpu.memory_space<vmem>>) semaphore(%run_scoped3A : memref<!tpu.dma_semaphore, #tpu.memory_space<semaphore_mem>>) {add = true}
        %dma_wait3A_99 = arith.constant 0 : i32
        %dma_wait3A_100 = arith.constant 0 : i32
        %dma_wait3A_101 = tpu.memref_slice %arg20[%dma_wait3A_99, %dma_wait3A_100] : memref<10240x128xf32, #tpu.memory_space<vmem_shared>> -> memref<10240x128xf32, #tpu.memory_space<vmem_shared>>
        tpu.wait_indirect_dma semaphore(%run_scoped3A : memref<!tpu.dma_semaphore, #tpu.memory_space<semaphore_mem>>) src(%arg17 : memref<128x128xf32, #tpu.memory_space<vmem>>) dst(%dma_wait3A_101 : memref<10240x128xf32, #tpu.memory_space<vmem_shared>>)
        tpu.yield
      }) : () -> ()
      %add3A_68 = arith.constant 1 : i32
      %add3A_69 = arith.addi %add3A_44, %add3A_68 : i32
      %mul3A_70 = arith.constant 128 : i32
      %mul3A_71 = arith.muli %add3A_69, %mul3A_70 : i32
      %add3A_72 = arith.addi %mul3A_15, %mul3A_71 : i32
      %dma_wait3A_73 = arith.constant 0 : i32
      %dma_wait3A_74 = tpu.memref_slice %arg5[%add3A_72, %dma_wait3A_73] : memref<327680x16xf32, #tpu.memory_space<hbm>> -> memref<128x16xf32, #tpu.memory_space<hbm>>
      %dma_wait3A_75 = arith.constant 0 : i32
      %dma_wait3A_76 = tpu.memref_slice %arg5[%add3A_72, %dma_wait3A_75] : memref<327680x16xf32, #tpu.memory_space<hbm>> -> memref<128x16xf32, #tpu.memory_space<hbm>>
      tpu.wait_dma2 semaphore(%arg22 : memref<!tpu.dma_semaphore, #tpu.memory_space<semaphore_mem>>) src(%dma_wait3A_76 : memref<128x16xf32, #tpu.memory_space<hbm>>) dst(%arg14 : memref<128x16xf32, #tpu.memory_space<vmem>>)
      %dma_wait3A_77 = arith.constant 0 : i32
      %dma_wait3A_78 = arith.constant 0 : i32
      %dma_wait3A_79 = tpu.memref_slice %arg6[%dma_wait3A_77, %dma_wait3A_78] : memref<10240x16xf32, #tpu.memory_space<hbm>> -> memref<10240x16xf32, #tpu.memory_space<hbm>>
      tpu.wait_indirect_dma semaphore(%arg22 : memref<!tpu.dma_semaphore, #tpu.memory_space<semaphore_mem>>) src(%dma_wait3A_79 : memref<10240x16xf32, #tpu.memory_space<hbm>>) dst(%arg16 : memref<128x16xf32, #tpu.memory_space<vmem>>)
      %dma_wait3A_80 = arith.constant 0 : i32
      %dma_wait3A_81 = arith.constant 0 : i32
      %dma_wait3A_82 = tpu.memref_slice %arg4[%dma_wait3A_80, %dma_wait3A_81] : memref<10240x128xf32, #tpu.memory_space<hbm>> -> memref<10240x128xf32, #tpu.memory_space<hbm>>
      tpu.wait_indirect_dma semaphore(%arg22 : memref<!tpu.dma_semaphore, #tpu.memory_space<semaphore_mem>>) src(%dma_wait3A_82 : memref<10240x128xf32, #tpu.memory_space<hbm>>) dst(%arg18 : memref<128x128xf32, #tpu.memory_space<vmem>>)
      %add3A_83 = arith.constant 1 : i32
      %add3A_84 = arith.addi %add3A_69, %add3A_83 : i32
      %lt3A_85 = arith.constant 80 : i32
      %lt3A_86 = arith.cmpi slt, %add3A_84, %lt3A_85 : i32
      %convert_element_type3A_87 = arith.extui %lt3A_86 : i1 to i32
      %cond3A_88 = arith.constant 0 : i32
      %cond3A_89 = arith.cmpi ne, %convert_element_type3A_87, %cond3A_88 : i32
      scf.if %cond3A_89 {
        %add3A_96 = arith.constant 1 : i32
        %add3A_97 = arith.addi %add3A_69, %add3A_96 : i32
        %add3A_98 = arith.addi %mul3A_13, %add3A_97 : i32
        "tpu.region"() ({
          %run_scoped3A = tpu.sem_alloc : memref<!tpu.dma_semaphore, #tpu.memory_space<semaphore_mem>>
          %dma_start3A_113 = arith.constant 0 : i32
          %dma_start3A_114 = tpu.memref_slice %arg2[%add3A_98, %dma_start3A_113] : memref<2560x128xi32, #tpu.memory_space<hbm>> -> memref<1x128xi32, #tpu.memory_space<hbm>>
          %dma_start3A_115 = tpu.memref_squeeze %dma_start3A_114 : memref<1x128xi32, #tpu.memory_space<hbm>> -> memref<128xi32, #tpu.memory_space<hbm>>
          %dma_start3A_116 = arith.constant 0 : i32
          %dma_start3A_117 = tpu.memref_slice %arg2[%add3A_98, %dma_start3A_116] : memref<2560x128xi32, #tpu.memory_space<hbm>> -> memref<1x128xi32, #tpu.memory_space<hbm>>
          %dma_start3A_118 = tpu.memref_squeeze %dma_start3A_117 : memref<1x128xi32, #tpu.memory_space<hbm>> -> memref<128xi32, #tpu.memory_space<hbm>>
          tpu.enqueue_dma source(%dma_start3A_118 : memref<128xi32, #tpu.memory_space<hbm>>) target(%arg9 : memref<128xi32, #tpu.memory_space<vmem>>) target_semaphore(%run_scoped3A : memref<!tpu.dma_semaphore, #tpu.memory_space<semaphore_mem>>)
          %dma_wait3A_119 = arith.constant 0 : i32
          %dma_wait3A_120 = tpu.memref_slice %arg2[%add3A_98, %dma_wait3A_119] : memref<2560x128xi32, #tpu.memory_space<hbm>> -> memref<1x128xi32, #tpu.memory_space<hbm>>
          %dma_wait3A_121 = tpu.memref_squeeze %dma_wait3A_120 : memref<1x128xi32, #tpu.memory_space<hbm>> -> memref<128xi32, #tpu.memory_space<hbm>>
          %dma_wait3A_122 = arith.constant 0 : i32
          %dma_wait3A_123 = tpu.memref_slice %arg2[%add3A_98, %dma_wait3A_122] : memref<2560x128xi32, #tpu.memory_space<hbm>> -> memref<1x128xi32, #tpu.memory_space<hbm>>
          %dma_wait3A_124 = tpu.memref_squeeze %dma_wait3A_123 : memref<1x128xi32, #tpu.memory_space<hbm>> -> memref<128xi32, #tpu.memory_space<hbm>>
          tpu.wait_dma2 semaphore(%run_scoped3A : memref<!tpu.dma_semaphore, #tpu.memory_space<semaphore_mem>>) src(%dma_wait3A_124 : memref<128xi32, #tpu.memory_space<hbm>>) dst(%arg9 : memref<128xi32, #tpu.memory_space<vmem>>)
          tpu.yield
        }) : () -> ()
        %add3A_99 = arith.addi %mul3A_13, %add3A_97 : i32
        "tpu.region"() ({
          %run_scoped3A = tpu.sem_alloc : memref<!tpu.dma_semaphore, #tpu.memory_space<semaphore_mem>>
          %dma_start3A_113 = arith.constant 0 : i32
          %dma_start3A_114 = tpu.memref_slice %arg3[%add3A_99, %dma_start3A_113] : memref<2560x128xi32, #tpu.memory_space<hbm>> -> memref<1x128xi32, #tpu.memory_space<hbm>>
          %dma_start3A_115 = tpu.memref_squeeze %dma_start3A_114 : memref<1x128xi32, #tpu.memory_space<hbm>> -> memref<128xi32, #tpu.memory_space<hbm>>
          %dma_start3A_116 = arith.constant 0 : i32
          %dma_start3A_117 = tpu.memref_slice %arg3[%add3A_99, %dma_start3A_116] : memref<2560x128xi32, #tpu.memory_space<hbm>> -> memref<1x128xi32, #tpu.memory_space<hbm>>
          %dma_start3A_118 = tpu.memref_squeeze %dma_start3A_117 : memref<1x128xi32, #tpu.memory_space<hbm>> -> memref<128xi32, #tpu.memory_space<hbm>>
          tpu.enqueue_dma source(%dma_start3A_118 : memref<128xi32, #tpu.memory_space<hbm>>) target(%arg11 : memref<128xi32, #tpu.memory_space<vmem>>) target_semaphore(%run_scoped3A : memref<!tpu.dma_semaphore, #tpu.memory_space<semaphore_mem>>)
          %dma_wait3A_119 = arith.constant 0 : i32
          %dma_wait3A_120 = tpu.memref_slice %arg3[%add3A_99, %dma_wait3A_119] : memref<2560x128xi32, #tpu.memory_space<hbm>> -> memref<1x128xi32, #tpu.memory_space<hbm>>
          %dma_wait3A_121 = tpu.memref_squeeze %dma_wait3A_120 : memref<1x128xi32, #tpu.memory_space<hbm>> -> memref<128xi32, #tpu.memory_space<hbm>>
          %dma_wait3A_122 = arith.constant 0 : i32
          %dma_wait3A_123 = tpu.memref_slice %arg3[%add3A_99, %dma_wait3A_122] : memref<2560x128xi32, #tpu.memory_space<hbm>> -> memref<1x128xi32, #tpu.memory_space<hbm>>
          %dma_wait3A_124 = tpu.memref_squeeze %dma_wait3A_123 : memref<1x128xi32, #tpu.memory_space<hbm>> -> memref<128xi32, #tpu.memory_space<hbm>>
          tpu.wait_dma2 semaphore(%run_scoped3A : memref<!tpu.dma_semaphore, #tpu.memory_space<semaphore_mem>>) src(%dma_wait3A_124 : memref<128xi32, #tpu.memory_space<hbm>>) dst(%arg11 : memref<128xi32, #tpu.memory_space<vmem>>)
          tpu.yield
        }) : () -> ()
        %mul3A_100 = arith.constant 128 : i32
        %mul3A_101 = arith.muli %add3A_97, %mul3A_100 : i32
        %add3A_102 = arith.addi %mul3A_15, %mul3A_101 : i32
        %dma_start3A_103 = arith.constant 0 : i32
        %dma_start3A_104 = tpu.memref_slice %arg5[%add3A_102, %dma_start3A_103] : memref<327680x16xf32, #tpu.memory_space<hbm>> -> memref<128x16xf32, #tpu.memory_space<hbm>>
        %dma_start3A_105 = arith.constant 0 : i32
        %dma_start3A_106 = tpu.memref_slice %arg5[%add3A_102, %dma_start3A_105] : memref<327680x16xf32, #tpu.memory_space<hbm>> -> memref<128x16xf32, #tpu.memory_space<hbm>>
        tpu.enqueue_dma source(%dma_start3A_106 : memref<128x16xf32, #tpu.memory_space<hbm>>) target(%arg13 : memref<128x16xf32, #tpu.memory_space<vmem>>) target_semaphore(%arg21 : memref<!tpu.dma_semaphore, #tpu.memory_space<semaphore_mem>>)
        %dma_start3A_107 = arith.constant 0 : i32
        %dma_start3A_108 = arith.constant 0 : i32
        %dma_start3A_109 = tpu.memref_slice %arg6[%dma_start3A_107, %dma_start3A_108] : memref<10240x16xf32, #tpu.memory_space<hbm>> -> memref<10240x16xf32, #tpu.memory_space<hbm>>
        tpu.enqueue_indirect_dma source(%dma_start3A_109 : memref<10240x16xf32, #tpu.memory_space<hbm>>) target(%arg15 : memref<128x16xf32, #tpu.memory_space<vmem>>) offsets(%arg9 : memref<128xi32, #tpu.memory_space<vmem>>) semaphore(%arg21 : memref<!tpu.dma_semaphore, #tpu.memory_space<semaphore_mem>>)
        %dma_start3A_110 = arith.constant 0 : i32
        %dma_start3A_111 = arith.constant 0 : i32
        %dma_start3A_112 = tpu.memref_slice %arg4[%dma_start3A_110, %dma_start3A_111] : memref<10240x128xf32, #tpu.memory_space<hbm>> -> memref<10240x128xf32, #tpu.memory_space<hbm>>
        tpu.enqueue_indirect_dma source(%dma_start3A_112 : memref<10240x128xf32, #tpu.memory_space<hbm>>) target(%arg17 : memref<128x128xf32, #tpu.memory_space<vmem>>) offsets(%arg11 : memref<128xi32, #tpu.memory_space<vmem>>) semaphore(%arg21 : memref<!tpu.dma_semaphore, #tpu.memory_space<semaphore_mem>>)
      } else {
      }
      %parallel_loop3A_90 = arith.constant 0 : i32
      %parallel_loop3A_91 = arith.constant 128 : i32
      %parallel_loop3A_92 = arith.constant 16 : i32
      scf.for %parallel_loop3A_96 = %parallel_loop3A_90 to %parallel_loop3A_91 step %parallel_loop3A_92  : i32 {
        %parallel_loop3A_97 = vector.broadcast %parallel_loop3A_96 : i32 to vector<16xi32>
        %parallel_loop3A_98 = arith.addi %iota3A, %parallel_loop3A_97 : vector<16xi32>
        %parallel_loop3A_99 = tpu.vector_load_idx %arg14[%parallel_loop3A_98, %broadcast_in_dim3A_5] : memref<128x16xf32, #tpu.memory_space<vmem>>[vector<16xi32>, vector<16xi32>], vector<16xf32>,
        %parallel_loop3A_100 = tpu.vector_load_idx %arg16[%parallel_loop3A_98, %broadcast_in_dim3A_5] : memref<128x16xf32, #tpu.memory_space<vmem>>[vector<16xi32>, vector<16xi32>], vector<16xf32>,
        %parallel_loop3A_101 = arith.mulf %parallel_loop3A_99, %parallel_loop3A_100 : vector<16xf32>
        %parallel_loop3A_102 = tpu.vector_load_idx %arg14[%parallel_loop3A_98, %broadcast_in_dim3A_7] : memref<128x16xf32, #tpu.memory_space<vmem>>[vector<16xi32>, vector<16xi32>], vector<16xf32>,
        %parallel_loop3A_103 = tpu.vector_load_idx %arg16[%parallel_loop3A_98, %broadcast_in_dim3A_7] : memref<128x16xf32, #tpu.memory_space<vmem>>[vector<16xi32>, vector<16xi32>], vector<16xf32>,
        %parallel_loop3A_104 = arith.mulf %parallel_loop3A_102, %parallel_loop3A_103 : vector<16xf32>
        %parallel_loop3A_105 = arith.addf %parallel_loop3A_101, %parallel_loop3A_104 : vector<16xf32>
        %parallel_loop3A_106 = tpu.vector_load_idx %arg14[%parallel_loop3A_98, %broadcast_in_dim3A_9] : memref<128x16xf32, #tpu.memory_space<vmem>>[vector<16xi32>, vector<16xi32>], vector<16xf32>,
        %parallel_loop3A_107 = tpu.vector_load_idx %arg16[%parallel_loop3A_98, %broadcast_in_dim3A_9] : memref<128x16xf32, #tpu.memory_space<vmem>>[vector<16xi32>, vector<16xi32>], vector<16xf32>,
        %parallel_loop3A_108 = arith.mulf %parallel_loop3A_106, %parallel_loop3A_107 : vector<16xf32>
        %parallel_loop3A_109 = arith.addf %parallel_loop3A_105, %parallel_loop3A_108 : vector<16xf32>
        %parallel_loop3A_110 = tpu.vector_load_idx %arg14[%parallel_loop3A_98, %broadcast_in_dim3A_11] : memref<128x16xf32, #tpu.memory_space<vmem>>[vector<16xi32>, vector<16xi32>], vector<16xf32>,
        %parallel_loop3A_111 = tpu.vector_load_idx %arg16[%parallel_loop3A_98, %broadcast_in_dim3A_11] : memref<128x16xf32, #tpu.memory_space<vmem>>[vector<16xi32>, vector<16xi32>], vector<16xf32>,
        %parallel_loop3A_112 = arith.mulf %parallel_loop3A_110, %parallel_loop3A_111 : vector<16xf32>
        %parallel_loop3A_113 = arith.addf %parallel_loop3A_109, %parallel_loop3A_112 : vector<16xf32>
        %parallel_loop3A_114 = arith.constant 2.500000e-01 : f32
        %parallel_loop3A_115 = vector.broadcast %parallel_loop3A_114 : f32 to vector<16xf32>
        %parallel_loop3A_116 = arith.mulf %parallel_loop3A_115, %parallel_loop3A_113 : vector<16xf32>
        %parallel_loop3A_117 = arith.index_cast %parallel_loop3A_96 : i32 to index
        %parallel_loop3A_118 = tpu.vector_load %arg19[%parallel_loop3A_117] {strides = array<i32>} : memref<128xf32, #tpu.memory_space<vmem>>, vector<16xf32>,
        tpu.vector_store %arg19[%parallel_loop3A_117], %parallel_loop3A_116 {strides = array<i32>} : memref<128xf32, #tpu.memory_space<vmem>>, vector<16xf32>,
      } {sc.loop_unroll_factor = 2 : i64, sc.parallel_access}
      %parallel_loop3A_93 = arith.constant 0 : i32
      %parallel_loop3A_94 = arith.constant 128 : i32
      %parallel_loop3A_95 = arith.constant 1 : i32
      scf.for %parallel_loop3A_96 = %parallel_loop3A_93 to %parallel_loop3A_94 step %parallel_loop3A_95  : i32 {
        %parallel_loop3A_97 = arith.constant 0 : i32
        %parallel_loop3A_98 = vector.broadcast %parallel_loop3A_97 : i32 to vector<16xi32>
        %parallel_loop3A_99 = vector.broadcast %parallel_loop3A_96 : i32 to vector<16xi32>
        %parallel_loop3A_100 = arith.addi %parallel_loop3A_98, %parallel_loop3A_99 : vector<16xi32>
        %parallel_loop3A_101 = tpu.vector_load_idx %arg19[%parallel_loop3A_100] : memref<128xf32, #tpu.memory_space<vmem>>[vector<16xi32>], vector<16xf32>,
        %parallel_loop3A_102 = arith.index_cast %parallel_loop3A_96 : i32 to index
        %parallel_loop3A_103 = arith.constant 0 : index
        %parallel_loop3A_104 = tpu.vector_load %arg18[%parallel_loop3A_102, %parallel_loop3A_103] {strides = array<i32>} : memref<128x128xf32, #tpu.memory_space<vmem>>, vector<16xf32>,
        %parallel_loop3A_105 = arith.mulf %parallel_loop3A_104, %parallel_loop3A_101 : vector<16xf32>
        %parallel_loop3A_106 = arith.index_cast %parallel_loop3A_96 : i32 to index
        %parallel_loop3A_107 = arith.constant 0 : index
        %parallel_loop3A_108 = tpu.vector_load %arg18[%parallel_loop3A_106, %parallel_loop3A_107] {strides = array<i32>} : memref<128x128xf32, #tpu.memory_space<vmem>>, vector<16xf32>,
        tpu.vector_store %arg18[%parallel_loop3A_106, %parallel_loop3A_107], %parallel_loop3A_105 {strides = array<i32>} : memref<128x128xf32, #tpu.memory_space<vmem>>, vector<16xf32>,
        %parallel_loop3A_109 = arith.index_cast %parallel_loop3A_96 : i32 to index
        %parallel_loop3A_110 = arith.constant 16 : index
        %parallel_loop3A_111 = tpu.vector_load %arg18[%parallel_loop3A_109, %parallel_loop3A_110] {strides = array<i32>} : memref<128x128xf32, #tpu.memory_space<vmem>>, vector<16xf32>,
        %parallel_loop3A_112 = arith.mulf %parallel_loop3A_111, %parallel_loop3A_101 : vector<16xf32>
        %parallel_loop3A_113 = arith.index_cast %parallel_loop3A_96 : i32 to index
        %parallel_loop3A_114 = arith.constant 16 : index
        %parallel_loop3A_115 = tpu.vector_load %arg18[%parallel_loop3A_113, %parallel_loop3A_114] {strides = array<i32>} : memref<128x128xf32, #tpu.memory_space<vmem>>, vector<16xf32>,
        tpu.vector_store %arg18[%parallel_loop3A_113, %parallel_loop3A_114], %parallel_loop3A_112 {strides = array<i32>} : memref<128x128xf32, #tpu.memory_space<vmem>>, vector<16xf32>,
        %parallel_loop3A_116 = arith.index_cast %parallel_loop3A_96 : i32 to index
        %parallel_loop3A_117 = arith.constant 32 : index
        %parallel_loop3A_118 = tpu.vector_load %arg18[%parallel_loop3A_116, %parallel_loop3A_117] {strides = array<i32>} : memref<128x128xf32, #tpu.memory_space<vmem>>, vector<16xf32>,
        %parallel_loop3A_119 = arith.mulf %parallel_loop3A_118, %parallel_loop3A_101 : vector<16xf32>
        %parallel_loop3A_120 = arith.index_cast %parallel_loop3A_96 : i32 to index
        %parallel_loop3A_121 = arith.constant 32 : index
        %parallel_loop3A_122 = tpu.vector_load %arg18[%parallel_loop3A_120, %parallel_loop3A_121] {strides = array<i32>} : memref<128x128xf32, #tpu.memory_space<vmem>>, vector<16xf32>,
        tpu.vector_store %arg18[%parallel_loop3A_120, %parallel_loop3A_121], %parallel_loop3A_119 {strides = array<i32>} : memref<128x128xf32, #tpu.memory_space<vmem>>, vector<16xf32>,
        %parallel_loop3A_123 = arith.index_cast %parallel_loop3A_96 : i32 to index
        %parallel_loop3A_124 = arith.constant 48 : index
        %parallel_loop3A_125 = tpu.vector_load %arg18[%parallel_loop3A_123, %parallel_loop3A_124] {strides = array<i32>} : memref<128x128xf32, #tpu.memory_space<vmem>>, vector<16xf32>,
        %parallel_loop3A_126 = arith.mulf %parallel_loop3A_125, %parallel_loop3A_101 : vector<16xf32>
        %parallel_loop3A_127 = arith.index_cast %parallel_loop3A_96 : i32 to index
        %parallel_loop3A_128 = arith.constant 48 : index
        %parallel_loop3A_129 = tpu.vector_load %arg18[%parallel_loop3A_127, %parallel_loop3A_128] {strides = array<i32>} : memref<128x128xf32, #tpu.memory_space<vmem>>, vector<16xf32>,
        tpu.vector_store %arg18[%parallel_loop3A_127, %parallel_loop3A_128], %parallel_loop3A_126 {strides = array<i32>} : memref<128x128xf32, #tpu.memory_space<vmem>>, vector<16xf32>,
        %parallel_loop3A_130 = arith.index_cast %parallel_loop3A_96 : i32 to index
        %parallel_loop3A_131 = arith.constant 64 : index
        %parallel_loop3A_132 = tpu.vector_load %arg18[%parallel_loop3A_130, %parallel_loop3A_131] {strides = array<i32>} : memref<128x128xf32, #tpu.memory_space<vmem>>, vector<16xf32>,
        %parallel_loop3A_133 = arith.mulf %parallel_loop3A_132, %parallel_loop3A_101 : vector<16xf32>
        %parallel_loop3A_134 = arith.index_cast %parallel_loop3A_96 : i32 to index
        %parallel_loop3A_135 = arith.constant 64 : index
        %parallel_loop3A_136 = tpu.vector_load %arg18[%parallel_loop3A_134, %parallel_loop3A_135] {strides = array<i32>} : memref<128x128xf32, #tpu.memory_space<vmem>>, vector<16xf32>,
        tpu.vector_store %arg18[%parallel_loop3A_134, %parallel_loop3A_135], %parallel_loop3A_133 {strides = array<i32>} : memref<128x128xf32, #tpu.memory_space<vmem>>, vector<16xf32>,
        %parallel_loop3A_137 = arith.index_cast %parallel_loop3A_96 : i32 to index
        %parallel_loop3A_138 = arith.constant 80 : index
        %parallel_loop3A_139 = tpu.vector_load %arg18[%parallel_loop3A_137, %parallel_loop3A_138] {strides = array<i32>} : memref<128x128xf32, #tpu.memory_space<vmem>>, vector<16xf32>,
        %parallel_loop3A_140 = arith.mulf %parallel_loop3A_139, %parallel_loop3A_101 : vector<16xf32>
        %parallel_loop3A_141 = arith.index_cast %parallel_loop3A_96 : i32 to index
        %parallel_loop3A_142 = arith.constant 80 : index
        %parallel_loop3A_143 = tpu.vector_load %arg18[%parallel_loop3A_141, %parallel_loop3A_142] {strides = array<i32>} : memref<128x128xf32, #tpu.memory_space<vmem>>, vector<16xf32>,
        tpu.vector_store %arg18[%parallel_loop3A_141, %parallel_loop3A_142], %parallel_loop3A_140 {strides = array<i32>} : memref<128x128xf32, #tpu.memory_space<vmem>>, vector<16xf32>,
        %parallel_loop3A_144 = arith.index_cast %parallel_loop3A_96 : i32 to index
        %parallel_loop3A_145 = arith.constant 96 : index
        %parallel_loop3A_146 = tpu.vector_load %arg18[%parallel_loop3A_144, %parallel_loop3A_145] {strides = array<i32>} : memref<128x128xf32, #tpu.memory_space<vmem>>, vector<16xf32>,
        %parallel_loop3A_147 = arith.mulf %parallel_loop3A_146, %parallel_loop3A_101 : vector<16xf32>
        %parallel_loop3A_148 = arith.index_cast %parallel_loop3A_96 : i32 to index
        %parallel_loop3A_149 = arith.constant 96 : index
        %parallel_loop3A_150 = tpu.vector_load %arg18[%parallel_loop3A_148, %parallel_loop3A_149] {strides = array<i32>} : memref<128x128xf32, #tpu.memory_space<vmem>>, vector<16xf32>,
        tpu.vector_store %arg18[%parallel_loop3A_148, %parallel_loop3A_149], %parallel_loop3A_147 {strides = array<i32>} : memref<128x128xf32, #tpu.memory_space<vmem>>, vector<16xf32>,
        %parallel_loop3A_151 = arith.index_cast %parallel_loop3A_96 : i32 to index
        %parallel_loop3A_152 = arith.constant 112 : index
        %parallel_loop3A_153 = tpu.vector_load %arg18[%parallel_loop3A_151, %parallel_loop3A_152] {strides = array<i32>} : memref<128x128xf32, #tpu.memory_space<vmem>>, vector<16xf32>,
        %parallel_loop3A_154 = arith.mulf %parallel_loop3A_153, %parallel_loop3A_101 : vector<16xf32>
        %parallel_loop3A_155 = arith.index_cast %parallel_loop3A_96 : i32 to index
        %parallel_loop3A_156 = arith.constant 112 : index
        %parallel_loop3A_157 = tpu.vector_load %arg18[%parallel_loop3A_155, %parallel_loop3A_156] {strides = array<i32>} : memref<128x128xf32, #tpu.memory_space<vmem>>, vector<16xf32>,
        tpu.vector_store %arg18[%parallel_loop3A_155, %parallel_loop3A_156], %parallel_loop3A_154 {strides = array<i32>} : memref<128x128xf32, #tpu.memory_space<vmem>>, vector<16xf32>,
      } {sc.loop_unroll_factor = 4 : i64, sc.parallel_access}
      "tpu.region"() ({
        %run_scoped3A = tpu.sem_alloc : memref<!tpu.dma_semaphore, #tpu.memory_space<semaphore_mem>>
        %dma_start3A_96 = arith.constant 0 : i32
        %dma_start3A_97 = arith.constant 0 : i32
        %dma_start3A_98 = tpu.memref_slice %arg20[%dma_start3A_96, %dma_start3A_97] : memref<10240x128xf32, #tpu.memory_space<vmem_shared>> -> memref<10240x128xf32, #tpu.memory_space<vmem_shared>>
        tpu.enqueue_indirect_dma source(%arg18 : memref<128x128xf32, #tpu.memory_space<vmem>>) target(%dma_start3A_98 : memref<10240x128xf32, #tpu.memory_space<vmem_shared>>) offsets(%arg10 : memref<128xi32, #tpu.memory_space<vmem>>) semaphore(%run_scoped3A : memref<!tpu.dma_semaphore, #tpu.memory_space<semaphore_mem>>) {add = true}
        %dma_wait3A_99 = arith.constant 0 : i32
        %dma_wait3A_100 = arith.constant 0 : i32
        %dma_wait3A_101 = tpu.memref_slice %arg20[%dma_wait3A_99, %dma_wait3A_100] : memref<10240x128xf32, #tpu.memory_space<vmem_shared>> -> memref<10240x128xf32, #tpu.memory_space<vmem_shared>>
        tpu.wait_indirect_dma semaphore(%run_scoped3A : memref<!tpu.dma_semaphore, #tpu.memory_space<semaphore_mem>>) src(%arg18 : memref<128x128xf32, #tpu.memory_space<vmem>>) dst(%dma_wait3A_101 : memref<10240x128xf32, #tpu.memory_space<vmem_shared>>)
        tpu.yield
      }) : () -> ()
    }
    %scan3A_34 = arith.constant 40 : i32
    %barrier3A_35 = arith.constant 0 : index
    tpu.barrier barrier_id(%barrier3A_35)
    %mul3A_36 = arith.constant 640 : i32
    %mul3A_37 = arith.muli %arg1, %mul3A_36 : i32
    %mul3A_38 = arith.constant 640 : i32
    %mul3A_39 = arith.muli %arg1, %mul3A_38 : i32
    "tpu.region"() ({
      %run_scoped3A = tpu.sem_alloc : memref<!tpu.dma_semaphore, #tpu.memory_space<semaphore_mem>>
      %dma_start3A_40 = arith.constant 0 : i32
      %dma_start3A_41 = tpu.memref_slice %arg8[%arg0, %mul3A_39, %dma_start3A_40] : memref<2x10240x128xf32, #tpu.memory_space<hbm>> -> memref<1x640x128xf32, #tpu.memory_space<hbm>>
      %dma_start3A_42 = tpu.memref_squeeze %dma_start3A_41 : memref<1x640x128xf32, #tpu.memory_space<hbm>> -> memref<640x128xf32, #tpu.memory_space<hbm>>
      %dma_start3A_43 = arith.constant 0 : i32
      %dma_start3A_44 = tpu.memref_slice %arg20[%mul3A_37, %dma_start3A_43] : memref<10240x128xf32, #tpu.memory_space<vmem_shared>> -> memref<640x128xf32, #tpu.memory_space<vmem_shared>>
      tpu.enqueue_dma source(%dma_start3A_44 : memref<640x128xf32, #tpu.memory_space<vmem_shared>>) target(%dma_start3A_42 : memref<640x128xf32, #tpu.memory_space<hbm>>) target_semaphore(%run_scoped3A : memref<!tpu.dma_semaphore, #tpu.memory_space<semaphore_mem>>)
      %dma_wait3A = arith.constant 0 : i32
      %dma_wait3A_45 = tpu.memref_slice %arg8[%arg0, %mul3A_39, %dma_wait3A] : memref<2x10240x128xf32, #tpu.memory_space<hbm>> -> memref<1x640x128xf32, #tpu.memory_space<hbm>>
      %dma_wait3A_46 = tpu.memref_squeeze %dma_wait3A_45 : memref<1x640x128xf32, #tpu.memory_space<hbm>> -> memref<640x128xf32, #tpu.memory_space<hbm>>
      %dma_wait3A_47 = arith.constant 0 : i32
      %dma_wait3A_48 = tpu.memref_slice %arg20[%mul3A_37, %dma_wait3A_47] : memref<10240x128xf32, #tpu.memory_space<vmem_shared>> -> memref<640x128xf32, #tpu.memory_space<vmem_shared>>
      tpu.wait_dma2 semaphore(%run_scoped3A : memref<!tpu.dma_semaphore, #tpu.memory_space<semaphore_mem>>) src(%dma_wait3A_48 : memref<640x128xf32, #tpu.memory_space<vmem_shared>>) dst(%dma_wait3A_46 : memref<640x128xf32, #tpu.memory_space<hbm>>)
      tpu.yield
    }) : () -> ()
    return
  }
}

#map = affine_map<(d0, d1) -> (0, 0)>
#map1 = affine_map<(d0, d1) -> (0, 0, 0)>
module attributes {stable_mosaic.version = 14 : i64} {
  func.func @_k2(%arg0: i32, %arg1: i32, %arg2: memref<2560x128xi32, #tpu.memory_space<hbm>>, %arg3: memref<2560x128xi32, #tpu.memory_space<hbm>>, %arg4: memref<10240x16xf32, #tpu.memory_space<hbm>>, %arg5: memref<10240x16xf32, #tpu.memory_space<hbm>>, %arg6: memref<1x16xf32, #tpu.memory_space<hbm>>, %arg7: memref<1x16xf32, #tpu.memory_space<hbm>>, %arg8: memref<10240x16xf32, #tpu.memory_space<hbm>>, %arg9: memref<327680x16xf32, #tpu.memory_space<hbm>>, %arg10: memref<2x10240x16xf32, #tpu.memory_space<hbm>>, %arg11: memref<80x128xi32, #tpu.memory_space<vmem>>, %arg12: memref<80x128xi32, #tpu.memory_space<vmem>>, %arg13: memref<128x16xf32, #tpu.memory_space<vmem>>, %arg14: memref<128x16xf32, #tpu.memory_space<vmem>>, %arg15: memref<128x16xf32, #tpu.memory_space<vmem>>, %arg16: memref<128x16xf32, #tpu.memory_space<vmem>>, %arg17: memref<16xf32, #tpu.memory_space<vmem>>, %arg18: memref<16xf32, #tpu.memory_space<vmem>>, %arg19: memref<10240x16xf32, #tpu.memory_space<vmem_shared>>, %arg20: memref<!tpu.dma_semaphore, #tpu.memory_space<semaphore_mem>>, %arg21: memref<!tpu.dma_semaphore, #tpu.memory_space<semaphore_mem>>) attributes {dimension_semantics = [#tpu.dimension_semantics<core_parallel>, #tpu.dimension_semantics<subcore_parallel>], iteration_bounds = array<i64: 2, 16>, scalar_prefetch = 0 : i64, scratch_operands = 11 : i64, tpu.core_type = #tpu.core_type<sc_vector_subcore>, window_params = [{transform_indices = #map}, {transform_indices = #map}, {transform_indices = #map}, {transform_indices = #map}, {transform_indices = #map}, {transform_indices = #map}, {transform_indices = #map}, {transform_indices = #map}, {transform_indices = #map1}]} {
    %mul3A = arith.constant 2 : i32
    %mul3A_0 = arith.muli %arg1, %mul3A : i32
    %add3A = arith.addi %mul3A_0, %arg0 : i32
    %mul3A_1 = arith.constant 640 : i32
    %mul3A_2 = arith.muli %arg1, %mul3A_1 : i32
    %mul3A_3 = arith.constant 640 : i32
    %mul3A_4 = arith.muli %arg1, %mul3A_3 : i32
    "tpu.region"() ({
      %run_scoped3A_42 = tpu.sem_alloc : memref<!tpu.dma_semaphore, #tpu.memory_space<semaphore_mem>>
      %dma_start3A_43 = arith.constant 0 : i32
      %dma_start3A_44 = tpu.memref_slice %arg19[%mul3A_4, %dma_start3A_43] : memref<10240x16xf32, #tpu.memory_space<vmem_shared>> -> memref<640x16xf32, #tpu.memory_space<vmem_shared>>
      %dma_start3A_45 = arith.constant 0 : i32
      %dma_start3A_46 = tpu.memref_slice %arg8[%mul3A_2, %dma_start3A_45] : memref<10240x16xf32, #tpu.memory_space<hbm>> -> memref<640x16xf32, #tpu.memory_space<hbm>>
      tpu.enqueue_dma source(%dma_start3A_46 : memref<640x16xf32, #tpu.memory_space<hbm>>) target(%dma_start3A_44 : memref<640x16xf32, #tpu.memory_space<vmem_shared>>) target_semaphore(%run_scoped3A_42 : memref<!tpu.dma_semaphore, #tpu.memory_space<semaphore_mem>>)
      %dma_wait3A = arith.constant 0 : i32
      %dma_wait3A_47 = tpu.memref_slice %arg19[%mul3A_4, %dma_wait3A] : memref<10240x16xf32, #tpu.memory_space<vmem_shared>> -> memref<640x16xf32, #tpu.memory_space<vmem_shared>>
      %dma_wait3A_48 = arith.constant 0 : i32
      %dma_wait3A_49 = tpu.memref_slice %arg8[%mul3A_2, %dma_wait3A_48] : memref<10240x16xf32, #tpu.memory_space<hbm>> -> memref<640x16xf32, #tpu.memory_space<hbm>>
      tpu.wait_dma2 semaphore(%run_scoped3A_42 : memref<!tpu.dma_semaphore, #tpu.memory_space<semaphore_mem>>) src(%dma_wait3A_49 : memref<640x16xf32, #tpu.memory_space<hbm>>) dst(%dma_wait3A_47 : memref<640x16xf32, #tpu.memory_space<vmem_shared>>)
      tpu.yield
    }) : () -> ()
    %run_scoped3A = arith.constant 0 : i32
    "tpu.region"() ({
      %run_scoped3A_42 = tpu.sem_alloc : memref<!tpu.dma_semaphore, #tpu.memory_space<semaphore_mem>>
      %dma_start3A_43 = arith.constant 0 : i32
      %dma_start3A_44 = tpu.memref_slice %arg6[%run_scoped3A, %dma_start3A_43] : memref<1x16xf32, #tpu.memory_space<hbm>> -> memref<1x16xf32, #tpu.memory_space<hbm>>
      %dma_start3A_45 = tpu.memref_squeeze %dma_start3A_44 : memref<1x16xf32, #tpu.memory_space<hbm>> -> memref<16xf32, #tpu.memory_space<hbm>>
      %dma_start3A_46 = arith.constant 0 : i32
      %dma_start3A_47 = tpu.memref_slice %arg6[%run_scoped3A, %dma_start3A_46] : memref<1x16xf32, #tpu.memory_space<hbm>> -> memref<1x16xf32, #tpu.memory_space<hbm>>
      %dma_start3A_48 = tpu.memref_squeeze %dma_start3A_47 : memref<1x16xf32, #tpu.memory_space<hbm>> -> memref<16xf32, #tpu.memory_space<hbm>>
      tpu.enqueue_dma source(%dma_start3A_48 : memref<16xf32, #tpu.memory_space<hbm>>) target(%arg17 : memref<16xf32, #tpu.memory_space<vmem>>) target_semaphore(%run_scoped3A_42 : memref<!tpu.dma_semaphore, #tpu.memory_space<semaphore_mem>>)
      %dma_wait3A = arith.constant 0 : i32
      %dma_wait3A_49 = tpu.memref_slice %arg6[%run_scoped3A, %dma_wait3A] : memref<1x16xf32, #tpu.memory_space<hbm>> -> memref<1x16xf32, #tpu.memory_space<hbm>>
      %dma_wait3A_50 = tpu.memref_squeeze %dma_wait3A_49 : memref<1x16xf32, #tpu.memory_space<hbm>> -> memref<16xf32, #tpu.memory_space<hbm>>
      %dma_wait3A_51 = arith.constant 0 : i32
      %dma_wait3A_52 = tpu.memref_slice %arg6[%run_scoped3A, %dma_wait3A_51] : memref<1x16xf32, #tpu.memory_space<hbm>> -> memref<1x16xf32, #tpu.memory_space<hbm>>
      %dma_wait3A_53 = tpu.memref_squeeze %dma_wait3A_52 : memref<1x16xf32, #tpu.memory_space<hbm>> -> memref<16xf32, #tpu.memory_space<hbm>>
      tpu.wait_dma2 semaphore(%run_scoped3A_42 : memref<!tpu.dma_semaphore, #tpu.memory_space<semaphore_mem>>) src(%dma_wait3A_53 : memref<16xf32, #tpu.memory_space<hbm>>) dst(%arg17 : memref<16xf32, #tpu.memory_space<vmem>>)
      tpu.yield
    }) : () -> ()
    %run_scoped3A_5 = arith.constant 0 : i32
    "tpu.region"() ({
      %run_scoped3A_42 = tpu.sem_alloc : memref<!tpu.dma_semaphore, #tpu.memory_space<semaphore_mem>>
      %dma_start3A_43 = arith.constant 0 : i32
      %dma_start3A_44 = tpu.memref_slice %arg7[%run_scoped3A_5, %dma_start3A_43] : memref<1x16xf32, #tpu.memory_space<hbm>> -> memref<1x16xf32, #tpu.memory_space<hbm>>
      %dma_start3A_45 = tpu.memref_squeeze %dma_start3A_44 : memref<1x16xf32, #tpu.memory_space<hbm>> -> memref<16xf32, #tpu.memory_space<hbm>>
      %dma_start3A_46 = arith.constant 0 : i32
      %dma_start3A_47 = tpu.memref_slice %arg7[%run_scoped3A_5, %dma_start3A_46] : memref<1x16xf32, #tpu.memory_space<hbm>> -> memref<1x16xf32, #tpu.memory_space<hbm>>
      %dma_start3A_48 = tpu.memref_squeeze %dma_start3A_47 : memref<1x16xf32, #tpu.memory_space<hbm>> -> memref<16xf32, #tpu.memory_space<hbm>>
      tpu.enqueue_dma source(%dma_start3A_48 : memref<16xf32, #tpu.memory_space<hbm>>) target(%arg18 : memref<16xf32, #tpu.memory_space<vmem>>) target_semaphore(%run_scoped3A_42 : memref<!tpu.dma_semaphore, #tpu.memory_space<semaphore_mem>>)
      %dma_wait3A = arith.constant 0 : i32
      %dma_wait3A_49 = tpu.memref_slice %arg7[%run_scoped3A_5, %dma_wait3A] : memref<1x16xf32, #tpu.memory_space<hbm>> -> memref<1x16xf32, #tpu.memory_space<hbm>>
      %dma_wait3A_50 = tpu.memref_squeeze %dma_wait3A_49 : memref<1x16xf32, #tpu.memory_space<hbm>> -> memref<16xf32, #tpu.memory_space<hbm>>
      %dma_wait3A_51 = arith.constant 0 : i32
      %dma_wait3A_52 = tpu.memref_slice %arg7[%run_scoped3A_5, %dma_wait3A_51] : memref<1x16xf32, #tpu.memory_space<hbm>> -> memref<1x16xf32, #tpu.memory_space<hbm>>
      %dma_wait3A_53 = tpu.memref_squeeze %dma_wait3A_52 : memref<1x16xf32, #tpu.memory_space<hbm>> -> memref<16xf32, #tpu.memory_space<hbm>>
      tpu.wait_dma2 semaphore(%run_scoped3A_42 : memref<!tpu.dma_semaphore, #tpu.memory_space<semaphore_mem>>) src(%dma_wait3A_53 : memref<16xf32, #tpu.memory_space<hbm>>) dst(%arg18 : memref<16xf32, #tpu.memory_space<vmem>>)
      tpu.yield
    }) : () -> ()
    %mul3A_6 = arith.constant 80 : i32
    %mul3A_7 = arith.muli %add3A, %mul3A_6 : i32
    "tpu.region"() ({
      %run_scoped3A_42 = tpu.sem_alloc : memref<!tpu.dma_semaphore, #tpu.memory_space<semaphore_mem>>
      %dma_start3A_43 = arith.constant 0 : i32
      %dma_start3A_44 = tpu.memref_slice %arg2[%mul3A_7, %dma_start3A_43] : memref<2560x128xi32, #tpu.memory_space<hbm>> -> memref<80x128xi32, #tpu.memory_space<hbm>>
      %dma_start3A_45 = arith.constant 0 : i32
      %dma_start3A_46 = tpu.memref_slice %arg2[%mul3A_7, %dma_start3A_45] : memref<2560x128xi32, #tpu.memory_space<hbm>> -> memref<80x128xi32, #tpu.memory_space<hbm>>
      tpu.enqueue_dma source(%dma_start3A_46 : memref<80x128xi32, #tpu.memory_space<hbm>>) target(%arg11 : memref<80x128xi32, #tpu.memory_space<vmem>>) target_semaphore(%run_scoped3A_42 : memref<!tpu.dma_semaphore, #tpu.memory_space<semaphore_mem>>)
      %dma_wait3A = arith.constant 0 : i32
      %dma_wait3A_47 = tpu.memref_slice %arg2[%mul3A_7, %dma_wait3A] : memref<2560x128xi32, #tpu.memory_space<hbm>> -> memref<80x128xi32, #tpu.memory_space<hbm>>
      %dma_wait3A_48 = arith.constant 0 : i32
      %dma_wait3A_49 = tpu.memref_slice %arg2[%mul3A_7, %dma_wait3A_48] : memref<2560x128xi32, #tpu.memory_space<hbm>> -> memref<80x128xi32, #tpu.memory_space<hbm>>
      tpu.wait_dma2 semaphore(%run_scoped3A_42 : memref<!tpu.dma_semaphore, #tpu.memory_space<semaphore_mem>>) src(%dma_wait3A_49 : memref<80x128xi32, #tpu.memory_space<hbm>>) dst(%arg11 : memref<80x128xi32, #tpu.memory_space<vmem>>)
      tpu.yield
    }) : () -> ()
    %mul3A_8 = arith.constant 80 : i32
    %mul3A_9 = arith.muli %add3A, %mul3A_8 : i32
    "tpu.region"() ({
      %run_scoped3A_42 = tpu.sem_alloc : memref<!tpu.dma_semaphore, #tpu.memory_space<semaphore_mem>>
      %dma_start3A_43 = arith.constant 0 : i32
      %dma_start3A_44 = tpu.memref_slice %arg3[%mul3A_9, %dma_start3A_43] : memref<2560x128xi32, #tpu.memory_space<hbm>> -> memref<80x128xi32, #tpu.memory_space<hbm>>
      %dma_start3A_45 = arith.constant 0 : i32
      %dma_start3A_46 = tpu.memref_slice %arg3[%mul3A_9, %dma_start3A_45] : memref<2560x128xi32, #tpu.memory_space<hbm>> -> memref<80x128xi32, #tpu.memory_space<hbm>>
      tpu.enqueue_dma source(%dma_start3A_46 : memref<80x128xi32, #tpu.memory_space<hbm>>) target(%arg12 : memref<80x128xi32, #tpu.memory_space<vmem>>) target_semaphore(%run_scoped3A_42 : memref<!tpu.dma_semaphore, #tpu.memory_space<semaphore_mem>>)
      %dma_wait3A = arith.constant 0 : i32
      %dma_wait3A_47 = tpu.memref_slice %arg3[%mul3A_9, %dma_wait3A] : memref<2560x128xi32, #tpu.memory_space<hbm>> -> memref<80x128xi32, #tpu.memory_space<hbm>>
      %dma_wait3A_48 = arith.constant 0 : i32
      %dma_wait3A_49 = tpu.memref_slice %arg3[%mul3A_9, %dma_wait3A_48] : memref<2560x128xi32, #tpu.memory_space<hbm>> -> memref<80x128xi32, #tpu.memory_space<hbm>>
      tpu.wait_dma2 semaphore(%run_scoped3A_42 : memref<!tpu.dma_semaphore, #tpu.memory_space<semaphore_mem>>) src(%dma_wait3A_49 : memref<80x128xi32, #tpu.memory_space<hbm>>) dst(%arg12 : memref<80x128xi32, #tpu.memory_space<vmem>>)
      tpu.yield
    }) : () -> ()
    %barrier3A = arith.constant 0 : index
    tpu.barrier barrier_id(%barrier3A)
    %get3A = arith.constant 0 : index
    %get3A_10 = tpu.vector_load %arg17[%get3A] {strides = array<i32>} : memref<16xf32, #tpu.memory_space<vmem>>, vector<16xf32>,
    %get3A_11 = arith.constant 0 : index
    %get3A_12 = tpu.vector_load %arg18[%get3A_11] {strides = array<i32>} : memref<16xf32, #tpu.memory_space<vmem>>, vector<16xf32>,
    %add3A_13 = arith.addf %get3A_10, %get3A_12 : vector<16xf32>
    %max3A = arith.constant 0.000000e+00 : f32
    %max3A_14 = vector.broadcast %max3A : f32 to vector<16xf32>
    %max3A_15 = arith.maximumf %add3A_13, %max3A_14 : vector<16xf32>
    %mul3A_16 = arith.constant 80 : i32
    %mul3A_17 = arith.muli %add3A, %mul3A_16 : i32
    %mul3A_18 = arith.constant 128 : i32
    %mul3A_19 = arith.muli %mul3A_17, %mul3A_18 : i32
    %dma_start3A = arith.constant 0 : i32
    %dma_start3A_20 = arith.constant 0 : i32
    %dma_start3A_21 = tpu.memref_slice %arg11[%dma_start3A, %dma_start3A_20] : memref<80x128xi32, #tpu.memory_space<vmem>> -> memref<1x128xi32, #tpu.memory_space<vmem>>
    %dma_start3A_22 = tpu.memref_squeeze %dma_start3A_21 : memref<1x128xi32, #tpu.memory_space<vmem>> -> memref<128xi32, #tpu.memory_space<vmem>>
    %dma_start3A_23 = arith.constant 0 : i32
    %dma_start3A_24 = arith.constant 0 : i32
    %dma_start3A_25 = tpu.memref_slice %arg4[%dma_start3A_23, %dma_start3A_24] : memref<10240x16xf32, #tpu.memory_space<hbm>> -> memref<10240x16xf32, #tpu.memory_space<hbm>>
    tpu.enqueue_indirect_dma source(%dma_start3A_25 : memref<10240x16xf32, #tpu.memory_space<hbm>>) target(%arg13 : memref<128x16xf32, #tpu.memory_space<vmem>>) offsets(%dma_start3A_22 : memref<128xi32, #tpu.memory_space<vmem>>) semaphore(%arg20 : memref<!tpu.dma_semaphore, #tpu.memory_space<semaphore_mem>>)
    %dma_start3A_26 = arith.constant 0 : i32
    %dma_start3A_27 = arith.constant 0 : i32
    %dma_start3A_28 = tpu.memref_slice %arg12[%dma_start3A_26, %dma_start3A_27] : memref<80x128xi32, #tpu.memory_space<vmem>> -> memref<1x128xi32, #tpu.memory_space<vmem>>
    %dma_start3A_29 = tpu.memref_squeeze %dma_start3A_28 : memref<1x128xi32, #tpu.memory_space<vmem>> -> memref<128xi32, #tpu.memory_space<vmem>>
    %dma_start3A_30 = arith.constant 0 : i32
    %dma_start3A_31 = arith.constant 0 : i32
    %dma_start3A_32 = tpu.memref_slice %arg5[%dma_start3A_30, %dma_start3A_31] : memref<10240x16xf32, #tpu.memory_space<hbm>> -> memref<10240x16xf32, #tpu.memory_space<hbm>>
    tpu.enqueue_indirect_dma source(%dma_start3A_32 : memref<10240x16xf32, #tpu.memory_space<hbm>>) target(%arg15 : memref<128x16xf32, #tpu.memory_space<vmem>>) offsets(%dma_start3A_29 : memref<128xi32, #tpu.memory_space<vmem>>) semaphore(%arg20 : memref<!tpu.dma_semaphore, #tpu.memory_space<semaphore_mem>>)
    %scan3A = arith.constant 0 : i32
    %scan3A_33 = arith.constant 40 : i32
    %scan3A_34 = arith.addi %scan3A, %scan3A_33 : i32
    %scan3A_35 = arith.constant 1 : i32
    scf.for %scan3A_42 = %scan3A to %scan3A_34 step %scan3A_35  : i32 {
      %mul3A_43 = arith.constant 2 : i32
      %mul3A_44 = arith.muli %scan3A_42, %mul3A_43 : i32
      %add3A_45 = arith.constant 0 : i32
      %add3A_46 = arith.addi %add3A_45, %mul3A_44 : i32
      %add3A_47 = arith.constant 0 : i32
      %add3A_48 = arith.addi %add3A_46, %add3A_47 : i32
      %dma_wait3A = arith.constant 0 : i32
      %dma_wait3A_49 = tpu.memref_slice %arg11[%add3A_48, %dma_wait3A] : memref<80x128xi32, #tpu.memory_space<vmem>> -> memref<1x128xi32, #tpu.memory_space<vmem>>
      %dma_wait3A_50 = tpu.memref_squeeze %dma_wait3A_49 : memref<1x128xi32, #tpu.memory_space<vmem>> -> memref<128xi32, #tpu.memory_space<vmem>>
      %dma_wait3A_51 = arith.constant 0 : i32
      %dma_wait3A_52 = arith.constant 0 : i32
      %dma_wait3A_53 = tpu.memref_slice %arg4[%dma_wait3A_51, %dma_wait3A_52] : memref<10240x16xf32, #tpu.memory_space<hbm>> -> memref<10240x16xf32, #tpu.memory_space<hbm>>
      tpu.wait_indirect_dma semaphore(%arg20 : memref<!tpu.dma_semaphore, #tpu.memory_space<semaphore_mem>>) src(%dma_wait3A_53 : memref<10240x16xf32, #tpu.memory_space<hbm>>) dst(%arg13 : memref<128x16xf32, #tpu.memory_space<vmem>>)
      %dma_wait3A_54 = arith.constant 0 : i32
      %dma_wait3A_55 = tpu.memref_slice %arg12[%add3A_48, %dma_wait3A_54] : memref<80x128xi32, #tpu.memory_space<vmem>> -> memref<1x128xi32, #tpu.memory_space<vmem>>
      %dma_wait3A_56 = tpu.memref_squeeze %dma_wait3A_55 : memref<1x128xi32, #tpu.memory_space<vmem>> -> memref<128xi32, #tpu.memory_space<vmem>>
      %dma_wait3A_57 = arith.constant 0 : i32
      %dma_wait3A_58 = arith.constant 0 : i32
      %dma_wait3A_59 = tpu.memref_slice %arg5[%dma_wait3A_57, %dma_wait3A_58] : memref<10240x16xf32, #tpu.memory_space<hbm>> -> memref<10240x16xf32, #tpu.memory_space<hbm>>
      tpu.wait_indirect_dma semaphore(%arg20 : memref<!tpu.dma_semaphore, #tpu.memory_space<semaphore_mem>>) src(%dma_wait3A_59 : memref<10240x16xf32, #tpu.memory_space<hbm>>) dst(%arg15 : memref<128x16xf32, #tpu.memory_space<vmem>>)
      %add3A_60 = arith.constant 1 : i32
      %add3A_61 = arith.addi %add3A_48, %add3A_60 : i32
      %lt3A = arith.constant 80 : i32
      %lt3A_62 = arith.cmpi slt, %add3A_61, %lt3A : i32
      %convert_element_type3A = arith.extui %lt3A_62 : i1 to i32
      %cond3A = arith.constant 0 : i32
      %cond3A_63 = arith.cmpi ne, %convert_element_type3A, %cond3A : i32
      scf.if %cond3A_63 {
        %add3A_96 = arith.constant 1 : i32
        %add3A_97 = arith.addi %add3A_48, %add3A_96 : i32
        %dma_start3A_98 = arith.constant 0 : i32
        %dma_start3A_99 = tpu.memref_slice %arg11[%add3A_97, %dma_start3A_98] : memref<80x128xi32, #tpu.memory_space<vmem>> -> memref<1x128xi32, #tpu.memory_space<vmem>>
        %dma_start3A_100 = tpu.memref_squeeze %dma_start3A_99 : memref<1x128xi32, #tpu.memory_space<vmem>> -> memref<128xi32, #tpu.memory_space<vmem>>
        %dma_start3A_101 = arith.constant 0 : i32
        %dma_start3A_102 = arith.constant 0 : i32
        %dma_start3A_103 = tpu.memref_slice %arg4[%dma_start3A_101, %dma_start3A_102] : memref<10240x16xf32, #tpu.memory_space<hbm>> -> memref<10240x16xf32, #tpu.memory_space<hbm>>
        tpu.enqueue_indirect_dma source(%dma_start3A_103 : memref<10240x16xf32, #tpu.memory_space<hbm>>) target(%arg14 : memref<128x16xf32, #tpu.memory_space<vmem>>) offsets(%dma_start3A_100 : memref<128xi32, #tpu.memory_space<vmem>>) semaphore(%arg21 : memref<!tpu.dma_semaphore, #tpu.memory_space<semaphore_mem>>)
        %dma_start3A_104 = arith.constant 0 : i32
        %dma_start3A_105 = tpu.memref_slice %arg12[%add3A_97, %dma_start3A_104] : memref<80x128xi32, #tpu.memory_space<vmem>> -> memref<1x128xi32, #tpu.memory_space<vmem>>
        %dma_start3A_106 = tpu.memref_squeeze %dma_start3A_105 : memref<1x128xi32, #tpu.memory_space<vmem>> -> memref<128xi32, #tpu.memory_space<vmem>>
        %dma_start3A_107 = arith.constant 0 : i32
        %dma_start3A_108 = arith.constant 0 : i32
        %dma_start3A_109 = tpu.memref_slice %arg5[%dma_start3A_107, %dma_start3A_108] : memref<10240x16xf32, #tpu.memory_space<hbm>> -> memref<10240x16xf32, #tpu.memory_space<hbm>>
        tpu.enqueue_indirect_dma source(%dma_start3A_109 : memref<10240x16xf32, #tpu.memory_space<hbm>>) target(%arg16 : memref<128x16xf32, #tpu.memory_space<vmem>>) offsets(%dma_start3A_106 : memref<128xi32, #tpu.memory_space<vmem>>) semaphore(%arg21 : memref<!tpu.dma_semaphore, #tpu.memory_space<semaphore_mem>>)
      } else {
      }
      %parallel_loop3A = arith.constant 0 : i32
      %parallel_loop3A_64 = arith.constant 128 : i32
      %parallel_loop3A_65 = arith.constant 1 : i32
      scf.for %parallel_loop3A_96 = %parallel_loop3A to %parallel_loop3A_64 step %parallel_loop3A_65  : i32 {
        %parallel_loop3A_97 = arith.index_cast %parallel_loop3A_96 : i32 to index
        %parallel_loop3A_98 = arith.constant 0 : index
        %parallel_loop3A_99 = tpu.vector_load %arg13[%parallel_loop3A_97, %parallel_loop3A_98] {strides = array<i32>} : memref<128x16xf32, #tpu.memory_space<vmem>>, vector<16xf32>,
        %parallel_loop3A_100 = arith.index_cast %parallel_loop3A_96 : i32 to index
        %parallel_loop3A_101 = arith.constant 0 : index
        %parallel_loop3A_102 = tpu.vector_load %arg15[%parallel_loop3A_100, %parallel_loop3A_101] {strides = array<i32>} : memref<128x16xf32, #tpu.memory_space<vmem>>, vector<16xf32>,
        %parallel_loop3A_103 = arith.addf %parallel_loop3A_99, %parallel_loop3A_102 : vector<16xf32>
        %parallel_loop3A_104 = arith.constant 2.000000e-01 : f32
        %parallel_loop3A_105 = vector.broadcast %parallel_loop3A_104 : f32 to vector<16xf32>
        %parallel_loop3A_106 = arith.mulf %parallel_loop3A_105, %parallel_loop3A_103 : vector<16xf32>
        %parallel_loop3A_107 = arith.maximumf %parallel_loop3A_103, %parallel_loop3A_106 : vector<16xf32>
        %parallel_loop3A_108 = arith.subf %parallel_loop3A_107, %max3A_15 : vector<16xf32>
        %parallel_loop3A_109 = math.exp %parallel_loop3A_108 : vector<16xf32>
        %parallel_loop3A_110 = arith.index_cast %parallel_loop3A_96 : i32 to index
        %parallel_loop3A_111 = arith.constant 0 : index
        %parallel_loop3A_112 = tpu.vector_load %arg13[%parallel_loop3A_110, %parallel_loop3A_111] {strides = array<i32>} : memref<128x16xf32, #tpu.memory_space<vmem>>, vector<16xf32>,
        tpu.vector_store %arg13[%parallel_loop3A_110, %parallel_loop3A_111], %parallel_loop3A_109 {strides = array<i32>} : memref<128x16xf32, #tpu.memory_space<vmem>>, vector<16xf32>,
      } {sc.loop_unroll_factor = 4 : i64, sc.parallel_access}
      %mul3A_66 = arith.constant 128 : i32
      %mul3A_67 = arith.muli %add3A_48, %mul3A_66 : i32
      %add3A_68 = arith.addi %mul3A_19, %mul3A_67 : i32
      "tpu.region"() ({
        %run_scoped3A_96 = tpu.sem_alloc : memref<!tpu.dma_semaphore, #tpu.memory_space<semaphore_mem>>
        %dma_start3A_97 = arith.constant 0 : i32
        %dma_start3A_98 = tpu.memref_slice %arg9[%add3A_68, %dma_start3A_97] : memref<327680x16xf32, #tpu.memory_space<hbm>> -> memref<128x16xf32, #tpu.memory_space<hbm>>
        %dma_start3A_99 = arith.constant 0 : i32
        %dma_start3A_100 = tpu.memref_slice %arg9[%add3A_68, %dma_start3A_99] : memref<327680x16xf32, #tpu.memory_space<hbm>> -> memref<128x16xf32, #tpu.memory_space<hbm>>
        tpu.enqueue_dma source(%arg13 : memref<128x16xf32, #tpu.memory_space<vmem>>) target(%dma_start3A_100 : memref<128x16xf32, #tpu.memory_space<hbm>>) target_semaphore(%run_scoped3A_96 : memref<!tpu.dma_semaphore, #tpu.memory_space<semaphore_mem>>)
        %dma_wait3A_101 = arith.constant 0 : i32
        %dma_wait3A_102 = tpu.memref_slice %arg9[%add3A_68, %dma_wait3A_101] : memref<327680x16xf32, #tpu.memory_space<hbm>> -> memref<128x16xf32, #tpu.memory_space<hbm>>
        %dma_wait3A_103 = arith.constant 0 : i32
        %dma_wait3A_104 = tpu.memref_slice %arg9[%add3A_68, %dma_wait3A_103] : memref<327680x16xf32, #tpu.memory_space<hbm>> -> memref<128x16xf32, #tpu.memory_space<hbm>>
        tpu.wait_dma2 semaphore(%run_scoped3A_96 : memref<!tpu.dma_semaphore, #tpu.memory_space<semaphore_mem>>) src(%arg13 : memref<128x16xf32, #tpu.memory_space<vmem>>) dst(%dma_wait3A_104 : memref<128x16xf32, #tpu.memory_space<hbm>>)
        tpu.yield
      }) : () -> ()
      "tpu.region"() ({
        %run_scoped3A_96 = tpu.sem_alloc : memref<!tpu.dma_semaphore, #tpu.memory_space<semaphore_mem>>
        %dma_start3A_97 = arith.constant 0 : i32
        %dma_start3A_98 = tpu.memref_slice %arg11[%add3A_48, %dma_start3A_97] : memref<80x128xi32, #tpu.memory_space<vmem>> -> memref<1x128xi32, #tpu.memory_space<vmem>>
        %dma_start3A_99 = tpu.memref_squeeze %dma_start3A_98 : memref<1x128xi32, #tpu.memory_space<vmem>> -> memref<128xi32, #tpu.memory_space<vmem>>
        %dma_start3A_100 = arith.constant 0 : i32
        %dma_start3A_101 = arith.constant 0 : i32
        %dma_start3A_102 = tpu.memref_slice %arg19[%dma_start3A_100, %dma_start3A_101] : memref<10240x16xf32, #tpu.memory_space<vmem_shared>> -> memref<10240x16xf32, #tpu.memory_space<vmem_shared>>
        tpu.enqueue_indirect_dma source(%arg13 : memref<128x16xf32, #tpu.memory_space<vmem>>) target(%dma_start3A_102 : memref<10240x16xf32, #tpu.memory_space<vmem_shared>>) offsets(%dma_start3A_99 : memref<128xi32, #tpu.memory_space<vmem>>) semaphore(%run_scoped3A_96 : memref<!tpu.dma_semaphore, #tpu.memory_space<semaphore_mem>>) {add = true}
        %dma_wait3A_103 = arith.constant 0 : i32
        %dma_wait3A_104 = tpu.memref_slice %arg11[%add3A_48, %dma_wait3A_103] : memref<80x128xi32, #tpu.memory_space<vmem>> -> memref<1x128xi32, #tpu.memory_space<vmem>>
        %dma_wait3A_105 = tpu.memref_squeeze %dma_wait3A_104 : memref<1x128xi32, #tpu.memory_space<vmem>> -> memref<128xi32, #tpu.memory_space<vmem>>
        %dma_wait3A_106 = arith.constant 0 : i32
        %dma_wait3A_107 = arith.constant 0 : i32
        %dma_wait3A_108 = tpu.memref_slice %arg19[%dma_wait3A_106, %dma_wait3A_107] : memref<10240x16xf32, #tpu.memory_space<vmem_shared>> -> memref<10240x16xf32, #tpu.memory_space<vmem_shared>>
        tpu.wait_indirect_dma semaphore(%run_scoped3A_96 : memref<!tpu.dma_semaphore, #tpu.memory_space<semaphore_mem>>) src(%arg13 : memref<128x16xf32, #tpu.memory_space<vmem>>) dst(%dma_wait3A_108 : memref<10240x16xf32, #tpu.memory_space<vmem_shared>>)
        tpu.yield
      }) : () -> ()
      %add3A_69 = arith.constant 1 : i32
      %add3A_70 = arith.addi %add3A_46, %add3A_69 : i32
      %dma_wait3A_71 = arith.constant 0 : i32
      %dma_wait3A_72 = tpu.memref_slice %arg11[%add3A_70, %dma_wait3A_71] : memref<80x128xi32, #tpu.memory_space<vmem>> -> memref<1x128xi32, #tpu.memory_space<vmem>>
      %dma_wait3A_73 = tpu.memref_squeeze %dma_wait3A_72 : memref<1x128xi32, #tpu.memory_space<vmem>> -> memref<128xi32, #tpu.memory_space<vmem>>
      %dma_wait3A_74 = arith.constant 0 : i32
      %dma_wait3A_75 = arith.constant 0 : i32
      %dma_wait3A_76 = tpu.memref_slice %arg4[%dma_wait3A_74, %dma_wait3A_75] : memref<10240x16xf32, #tpu.memory_space<hbm>> -> memref<10240x16xf32, #tpu.memory_space<hbm>>
      tpu.wait_indirect_dma semaphore(%arg21 : memref<!tpu.dma_semaphore, #tpu.memory_space<semaphore_mem>>) src(%dma_wait3A_76 : memref<10240x16xf32, #tpu.memory_space<hbm>>) dst(%arg14 : memref<128x16xf32, #tpu.memory_space<vmem>>)
      %dma_wait3A_77 = arith.constant 0 : i32
      %dma_wait3A_78 = tpu.memref_slice %arg12[%add3A_70, %dma_wait3A_77] : memref<80x128xi32, #tpu.memory_space<vmem>> -> memref<1x128xi32, #tpu.memory_space<vmem>>
      %dma_wait3A_79 = tpu.memref_squeeze %dma_wait3A_78 : memref<1x128xi32, #tpu.memory_space<vmem>> -> memref<128xi32, #tpu.memory_space<vmem>>
      %dma_wait3A_80 = arith.constant 0 : i32
      %dma_wait3A_81 = arith.constant 0 : i32
      %dma_wait3A_82 = tpu.memref_slice %arg5[%dma_wait3A_80, %dma_wait3A_81] : memref<10240x16xf32, #tpu.memory_space<hbm>> -> memref<10240x16xf32, #tpu.memory_space<hbm>>
      tpu.wait_indirect_dma semaphore(%arg21 : memref<!tpu.dma_semaphore, #tpu.memory_space<semaphore_mem>>) src(%dma_wait3A_82 : memref<10240x16xf32, #tpu.memory_space<hbm>>) dst(%arg16 : memref<128x16xf32, #tpu.memory_space<vmem>>)
      %add3A_83 = arith.constant 1 : i32
      %add3A_84 = arith.addi %add3A_70, %add3A_83 : i32
      %lt3A_85 = arith.constant 80 : i32
      %lt3A_86 = arith.cmpi slt, %add3A_84, %lt3A_85 : i32
      %convert_element_type3A_87 = arith.extui %lt3A_86 : i1 to i32
      %cond3A_88 = arith.constant 0 : i32
      %cond3A_89 = arith.cmpi ne, %convert_element_type3A_87, %cond3A_88 : i32
      scf.if %cond3A_89 {
        %add3A_96 = arith.constant 1 : i32
        %add3A_97 = arith.addi %add3A_70, %add3A_96 : i32
        %dma_start3A_98 = arith.constant 0 : i32
        %dma_start3A_99 = tpu.memref_slice %arg11[%add3A_97, %dma_start3A_98] : memref<80x128xi32, #tpu.memory_space<vmem>> -> memref<1x128xi32, #tpu.memory_space<vmem>>
        %dma_start3A_100 = tpu.memref_squeeze %dma_start3A_99 : memref<1x128xi32, #tpu.memory_space<vmem>> -> memref<128xi32, #tpu.memory_space<vmem>>
        %dma_start3A_101 = arith.constant 0 : i32
        %dma_start3A_102 = arith.constant 0 : i32
        %dma_start3A_103 = tpu.memref_slice %arg4[%dma_start3A_101, %dma_start3A_102] : memref<10240x16xf32, #tpu.memory_space<hbm>> -> memref<10240x16xf32, #tpu.memory_space<hbm>>
        tpu.enqueue_indirect_dma source(%dma_start3A_103 : memref<10240x16xf32, #tpu.memory_space<hbm>>) target(%arg13 : memref<128x16xf32, #tpu.memory_space<vmem>>) offsets(%dma_start3A_100 : memref<128xi32, #tpu.memory_space<vmem>>) semaphore(%arg20 : memref<!tpu.dma_semaphore, #tpu.memory_space<semaphore_mem>>)
        %dma_start3A_104 = arith.constant 0 : i32
        %dma_start3A_105 = tpu.memref_slice %arg12[%add3A_97, %dma_start3A_104] : memref<80x128xi32, #tpu.memory_space<vmem>> -> memref<1x128xi32, #tpu.memory_space<vmem>>
        %dma_start3A_106 = tpu.memref_squeeze %dma_start3A_105 : memref<1x128xi32, #tpu.memory_space<vmem>> -> memref<128xi32, #tpu.memory_space<vmem>>
        %dma_start3A_107 = arith.constant 0 : i32
        %dma_start3A_108 = arith.constant 0 : i32
        %dma_start3A_109 = tpu.memref_slice %arg5[%dma_start3A_107, %dma_start3A_108] : memref<10240x16xf32, #tpu.memory_space<hbm>> -> memref<10240x16xf32, #tpu.memory_space<hbm>>
        tpu.enqueue_indirect_dma source(%dma_start3A_109 : memref<10240x16xf32, #tpu.memory_space<hbm>>) target(%arg15 : memref<128x16xf32, #tpu.memory_space<vmem>>) offsets(%dma_start3A_106 : memref<128xi32, #tpu.memory_space<vmem>>) semaphore(%arg20 : memref<!tpu.dma_semaphore, #tpu.memory_space<semaphore_mem>>)
      } else {
      }
      %parallel_loop3A_90 = arith.constant 0 : i32
      %parallel_loop3A_91 = arith.constant 128 : i32
      %parallel_loop3A_92 = arith.constant 1 : i32
      scf.for %parallel_loop3A_96 = %parallel_loop3A_90 to %parallel_loop3A_91 step %parallel_loop3A_92  : i32 {
        %parallel_loop3A_97 = arith.index_cast %parallel_loop3A_96 : i32 to index
        %parallel_loop3A_98 = arith.constant 0 : index
        %parallel_loop3A_99 = tpu.vector_load %arg14[%parallel_loop3A_97, %parallel_loop3A_98] {strides = array<i32>} : memref<128x16xf32, #tpu.memory_space<vmem>>, vector<16xf32>,
        %parallel_loop3A_100 = arith.index_cast %parallel_loop3A_96 : i32 to index
        %parallel_loop3A_101 = arith.constant 0 : index
        %parallel_loop3A_102 = tpu.vector_load %arg16[%parallel_loop3A_100, %parallel_loop3A_101] {strides = array<i32>} : memref<128x16xf32, #tpu.memory_space<vmem>>, vector<16xf32>,
        %parallel_loop3A_103 = arith.addf %parallel_loop3A_99, %parallel_loop3A_102 : vector<16xf32>
        %parallel_loop3A_104 = arith.constant 2.000000e-01 : f32
        %parallel_loop3A_105 = vector.broadcast %parallel_loop3A_104 : f32 to vector<16xf32>
        %parallel_loop3A_106 = arith.mulf %parallel_loop3A_105, %parallel_loop3A_103 : vector<16xf32>
        %parallel_loop3A_107 = arith.maximumf %parallel_loop3A_103, %parallel_loop3A_106 : vector<16xf32>
        %parallel_loop3A_108 = arith.subf %parallel_loop3A_107, %max3A_15 : vector<16xf32>
        %parallel_loop3A_109 = math.exp %parallel_loop3A_108 : vector<16xf32>
        %parallel_loop3A_110 = arith.index_cast %parallel_loop3A_96 : i32 to index
        %parallel_loop3A_111 = arith.constant 0 : index
        %parallel_loop3A_112 = tpu.vector_load %arg14[%parallel_loop3A_110, %parallel_loop3A_111] {strides = array<i32>} : memref<128x16xf32, #tpu.memory_space<vmem>>, vector<16xf32>,
        tpu.vector_store %arg14[%parallel_loop3A_110, %parallel_loop3A_111], %parallel_loop3A_109 {strides = array<i32>} : memref<128x16xf32, #tpu.memory_space<vmem>>, vector<16xf32>,
      } {sc.loop_unroll_factor = 4 : i64, sc.parallel_access}
      %mul3A_93 = arith.constant 128 : i32
      %mul3A_94 = arith.muli %add3A_70, %mul3A_93 : i32
      %add3A_95 = arith.addi %mul3A_19, %mul3A_94 : i32
      "tpu.region"() ({
        %run_scoped3A_96 = tpu.sem_alloc : memref<!tpu.dma_semaphore, #tpu.memory_space<semaphore_mem>>
        %dma_start3A_97 = arith.constant 0 : i32
        %dma_start3A_98 = tpu.memref_slice %arg9[%add3A_95, %dma_start3A_97] : memref<327680x16xf32, #tpu.memory_space<hbm>> -> memref<128x16xf32, #tpu.memory_space<hbm>>
        %dma_start3A_99 = arith.constant 0 : i32
        %dma_start3A_100 = tpu.memref_slice %arg9[%add3A_95, %dma_start3A_99] : memref<327680x16xf32, #tpu.memory_space<hbm>> -> memref<128x16xf32, #tpu.memory_space<hbm>>
        tpu.enqueue_dma source(%arg14 : memref<128x16xf32, #tpu.memory_space<vmem>>) target(%dma_start3A_100 : memref<128x16xf32, #tpu.memory_space<hbm>>) target_semaphore(%run_scoped3A_96 : memref<!tpu.dma_semaphore, #tpu.memory_space<semaphore_mem>>)
        %dma_wait3A_101 = arith.constant 0 : i32
        %dma_wait3A_102 = tpu.memref_slice %arg9[%add3A_95, %dma_wait3A_101] : memref<327680x16xf32, #tpu.memory_space<hbm>> -> memref<128x16xf32, #tpu.memory_space<hbm>>
        %dma_wait3A_103 = arith.constant 0 : i32
        %dma_wait3A_104 = tpu.memref_slice %arg9[%add3A_95, %dma_wait3A_103] : memref<327680x16xf32, #tpu.memory_space<hbm>> -> memref<128x16xf32, #tpu.memory_space<hbm>>
        tpu.wait_dma2 semaphore(%run_scoped3A_96 : memref<!tpu.dma_semaphore, #tpu.memory_space<semaphore_mem>>) src(%arg14 : memref<128x16xf32, #tpu.memory_space<vmem>>) dst(%dma_wait3A_104 : memref<128x16xf32, #tpu.memory_space<hbm>>)
        tpu.yield
      }) : () -> ()
      "tpu.region"() ({
        %run_scoped3A_96 = tpu.sem_alloc : memref<!tpu.dma_semaphore, #tpu.memory_space<semaphore_mem>>
        %dma_start3A_97 = arith.constant 0 : i32
        %dma_start3A_98 = tpu.memref_slice %arg11[%add3A_70, %dma_start3A_97] : memref<80x128xi32, #tpu.memory_space<vmem>> -> memref<1x128xi32, #tpu.memory_space<vmem>>
        %dma_start3A_99 = tpu.memref_squeeze %dma_start3A_98 : memref<1x128xi32, #tpu.memory_space<vmem>> -> memref<128xi32, #tpu.memory_space<vmem>>
        %dma_start3A_100 = arith.constant 0 : i32
        %dma_start3A_101 = arith.constant 0 : i32
        %dma_start3A_102 = tpu.memref_slice %arg19[%dma_start3A_100, %dma_start3A_101] : memref<10240x16xf32, #tpu.memory_space<vmem_shared>> -> memref<10240x16xf32, #tpu.memory_space<vmem_shared>>
        tpu.enqueue_indirect_dma source(%arg14 : memref<128x16xf32, #tpu.memory_space<vmem>>) target(%dma_start3A_102 : memref<10240x16xf32, #tpu.memory_space<vmem_shared>>) offsets(%dma_start3A_99 : memref<128xi32, #tpu.memory_space<vmem>>) semaphore(%run_scoped3A_96 : memref<!tpu.dma_semaphore, #tpu.memory_space<semaphore_mem>>) {add = true}
        %dma_wait3A_103 = arith.constant 0 : i32
        %dma_wait3A_104 = tpu.memref_slice %arg11[%add3A_70, %dma_wait3A_103] : memref<80x128xi32, #tpu.memory_space<vmem>> -> memref<1x128xi32, #tpu.memory_space<vmem>>
        %dma_wait3A_105 = tpu.memref_squeeze %dma_wait3A_104 : memref<1x128xi32, #tpu.memory_space<vmem>> -> memref<128xi32, #tpu.memory_space<vmem>>
        %dma_wait3A_106 = arith.constant 0 : i32
        %dma_wait3A_107 = arith.constant 0 : i32
        %dma_wait3A_108 = tpu.memref_slice %arg19[%dma_wait3A_106, %dma_wait3A_107] : memref<10240x16xf32, #tpu.memory_space<vmem_shared>> -> memref<10240x16xf32, #tpu.memory_space<vmem_shared>>
        tpu.wait_indirect_dma semaphore(%run_scoped3A_96 : memref<!tpu.dma_semaphore, #tpu.memory_space<semaphore_mem>>) src(%arg14 : memref<128x16xf32, #tpu.memory_space<vmem>>) dst(%dma_wait3A_108 : memref<10240x16xf32, #tpu.memory_space<vmem_shared>>)
        tpu.yield
      }) : () -> ()
    }
    %scan3A_36 = arith.constant 40 : i32
    %barrier3A_37 = arith.constant 0 : index
    tpu.barrier barrier_id(%barrier3A_37)
    %mul3A_38 = arith.constant 640 : i32
    %mul3A_39 = arith.muli %arg1, %mul3A_38 : i32
    %mul3A_40 = arith.constant 640 : i32
    %mul3A_41 = arith.muli %arg1, %mul3A_40 : i32
    "tpu.region"() ({
      %run_scoped3A_42 = tpu.sem_alloc : memref<!tpu.dma_semaphore, #tpu.memory_space<semaphore_mem>>
      %dma_start3A_43 = arith.constant 0 : i32
      %dma_start3A_44 = tpu.memref_slice %arg10[%arg0, %mul3A_41, %dma_start3A_43] : memref<2x10240x16xf32, #tpu.memory_space<hbm>> -> memref<1x640x16xf32, #tpu.memory_space<hbm>>
      %dma_start3A_45 = tpu.memref_squeeze %dma_start3A_44 : memref<1x640x16xf32, #tpu.memory_space<hbm>> -> memref<640x16xf32, #tpu.memory_space<hbm>>
      %dma_start3A_46 = arith.constant 0 : i32
      %dma_start3A_47 = tpu.memref_slice %arg19[%mul3A_39, %dma_start3A_46] : memref<10240x16xf32, #tpu.memory_space<vmem_shared>> -> memref<640x16xf32, #tpu.memory_space<vmem_shared>>
      tpu.enqueue_dma source(%dma_start3A_47 : memref<640x16xf32, #tpu.memory_space<vmem_shared>>) target(%dma_start3A_45 : memref<640x16xf32, #tpu.memory_space<hbm>>) target_semaphore(%run_scoped3A_42 : memref<!tpu.dma_semaphore, #tpu.memory_space<semaphore_mem>>)
      %dma_wait3A = arith.constant 0 : i32
      %dma_wait3A_48 = tpu.memref_slice %arg10[%arg0, %mul3A_41, %dma_wait3A] : memref<2x10240x16xf32, #tpu.memory_space<hbm>> -> memref<1x640x16xf32, #tpu.memory_space<hbm>>
      %dma_wait3A_49 = tpu.memref_squeeze %dma_wait3A_48 : memref<1x640x16xf32, #tpu.memory_space<hbm>> -> memref<640x16xf32, #tpu.memory_space<hbm>>
      %dma_wait3A_50 = arith.constant 0 : i32
      %dma_wait3A_51 = tpu.memref_slice %arg19[%mul3A_39, %dma_wait3A_50] : memref<10240x16xf32, #tpu.memory_space<vmem_shared>> -> memref<640x16xf32, #tpu.memory_space<vmem_shared>>
      tpu.wait_dma2 semaphore(%run_scoped3A_42 : memref<!tpu.dma_semaphore, #tpu.memory_space<semaphore_mem>>) src(%dma_wait3A_51 : memref<640x16xf32, #tpu.memory_space<vmem_shared>>) dst(%dma_wait3A_49 : memref<640x16xf32, #tpu.memory_space<hbm>>)
      tpu.yield
    }) : () -> ()
    return
  }
}

module attributes {stable_mosaic.version = 14 : i64} {
  func.func @_k1_body(%arg0: i32, %arg1: memref<1024x128xf32, #tpu.memory_space<vmem>>, %arg2: memref<128x128xf32, #tpu.memory_space<vmem>>, %arg3: memref<128x16xf32, #tpu.memory_space<vmem>>, %arg4: memref<128x16xf32, #tpu.memory_space<vmem>>, %arg5: memref<1x128xf32, #tpu.memory_space<vmem>>, %arg6: memref<1x128xf32, #tpu.memory_space<vmem>>, %arg7: memref<1024x128xf32, #tpu.memory_space<vmem>>, %arg8: memref<1024x16xf32, #tpu.memory_space<vmem>>, %arg9: memref<1024x16xf32, #tpu.memory_space<vmem>>, %arg10: memref<1x16xf32, #tpu.memory_space<vmem>>, %arg11: memref<1x16xf32, #tpu.memory_space<vmem>>) attributes {dimension_semantics = [#tpu.dimension_semantics<arbitrary>], iteration_bounds = array<i64: 10>, scalar_prefetch = 0 : i64, scratch_operands = 0 : i64, tpu.core_type = #tpu.core_type<tc>, window_params = [{transform_indices = @transform_0, window_bounds = array<i64: 1024, 128>}, {pipeline_mode = #tpu.pipeline_mode<synchronous>, transform_indices = @transform_1, window_bounds = array<i64: 128, 128>}, {pipeline_mode = #tpu.pipeline_mode<synchronous>, transform_indices = @transform_2, window_bounds = array<i64: 128, 16>}, {pipeline_mode = #tpu.pipeline_mode<synchronous>, transform_indices = @transform_3, window_bounds = array<i64: 128, 16>}, {pipeline_mode = #tpu.pipeline_mode<synchronous>, transform_indices = @transform_4, window_bounds = array<i64: 1, 128>}, {pipeline_mode = #tpu.pipeline_mode<synchronous>, transform_indices = @transform_5, window_bounds = array<i64: 1, 128>}, {transform_indices = @transform_6, window_bounds = array<i64: 1024, 128>}, {transform_indices = @transform_7, window_bounds = array<i64: 1024, 16>}, {transform_indices = @transform_8, window_bounds = array<i64: 1024, 16>}, {pipeline_mode = #tpu.pipeline_mode<synchronous>, transform_indices = @transform_9, window_bounds = array<i64: 1, 16>}, {pipeline_mode = #tpu.pipeline_mode<synchronous>, transform_indices = @transform_10, window_bounds = array<i64: 1, 16>}]} {
    %get3A = arith.constant 0 : index
    %get3A_0 = arith.constant 0 : index
    %get3A_1 = vector.load %arg1[%get3A, %get3A_0] : memref<1024x128xf32, #tpu.memory_space<vmem>>, vector<1024x128xf32>
    %reduce_sum3A = arith.constant dense<0.000000e+00> : vector<1024xf32>
    %reduce_sum3A_2 = vector.multi_reduction <add>, %get3A_1, %reduce_sum3A [1] : vector<1024x128xf32> to vector<1024xf32>
    %broadcast_in_dim3A = vector.shape_cast %reduce_sum3A_2 : vector<1024xf32> to vector<1024x1xf32>
    %div3A = arith.constant 1.280000e+02 : f32
    %div3A_3 = vector.broadcast %div3A : f32 to vector<1024x1xf32>
    %div3A_4 = arith.divf %broadcast_in_dim3A, %div3A_3 : vector<1024x1xf32>
    %sub3A = vector.broadcast %div3A_4 : vector<1024x1xf32> to vector<1024x128xf32>
    %sub3A_5 = arith.subf %get3A_1, %sub3A : vector<1024x128xf32>
    %mul3A = arith.mulf %sub3A_5, %sub3A_5 : vector<1024x128xf32>
    %reduce_sum3A_6 = arith.constant dense<0.000000e+00> : vector<1024xf32>
    %reduce_sum3A_7 = vector.multi_reduction <add>, %mul3A, %reduce_sum3A_6 [1] : vector<1024x128xf32> to vector<1024xf32>
    %broadcast_in_dim3A_8 = vector.shape_cast %reduce_sum3A_7 : vector<1024xf32> to vector<1024x1xf32>
    %div3A_9 = arith.constant 1.280000e+02 : f32
    %div3A_10 = vector.broadcast %div3A_9 : f32 to vector<1024x1xf32>
    %div3A_11 = arith.divf %broadcast_in_dim3A_8, %div3A_10 : vector<1024x1xf32>
    %get3A_12 = arith.constant 0 : index
    %get3A_13 = arith.constant 0 : index
    %get3A_14 = vector.load %arg5[%get3A_12, %get3A_13] : memref<1x128xf32, #tpu.memory_space<vmem>>, vector<1x128xf32>
    %mul3A_15 = vector.broadcast %get3A_14 : vector<1x128xf32> to vector<1024x128xf32>
    %mul3A_16 = arith.mulf %mul3A_15, %sub3A_5 : vector<1024x128xf32>
    %add3A = arith.constant 9.99999974E-6 : f32
    %add3A_17 = vector.broadcast %add3A : f32 to vector<1024x1xf32>
    %add3A_18 = arith.addf %div3A_11, %add3A_17 : vector<1024x1xf32>
    %rsqrt3A = math.rsqrt %add3A_18 : vector<1024x1xf32>
    %mul3A_19 = vector.broadcast %rsqrt3A : vector<1024x1xf32> to vector<1024x128xf32>
    %mul3A_20 = arith.mulf %mul3A_16, %mul3A_19 : vector<1024x128xf32>
    %get3A_21 = arith.constant 0 : index
    %get3A_22 = arith.constant 0 : index
    %get3A_23 = vector.load %arg6[%get3A_21, %get3A_22] : memref<1x128xf32, #tpu.memory_space<vmem>>, vector<1x128xf32>
    %add3A_24 = vector.broadcast %get3A_23 : vector<1x128xf32> to vector<1024x128xf32>
    %add3A_25 = arith.addf %mul3A_20, %add3A_24 : vector<1024x128xf32>
    %get3A_26 = arith.constant 0 : index
    %get3A_27 = arith.constant 0 : index
    %get3A_28 = vector.load %arg2[%get3A_26, %get3A_27] : memref<128x128xf32, #tpu.memory_space<vmem>>, vector<128x128xf32>
    %dot_general3A = arith.constant dense<0.000000e+00> : vector<1024x128xf32>
    %dot_general3A_29 = tpu.matmul %add3A_25, %get3A_28, %dot_general3A {dimension_numbers = #tpu.dot_dimension_numbers<[1], [0], [0], [1], [0, 0, 1, 1], [], []>, transpose_lhs_hint = false} : vector<1024x128xf32>, vector<128x128xf32>, vector<1024x128xf32> -> vector<1024x128xf32>
    %swap3A = arith.constant 0 : index
    %swap3A_30 = arith.constant 0 : index
    %swap3A_31 = vector.load %arg7[%swap3A, %swap3A_30] : memref<1024x128xf32, #tpu.memory_space<vmem>>, vector<1024x128xf32>
    tpu.vector_store %arg7[%swap3A, %swap3A_30], %dot_general3A_29 {strides = array<i32>} : memref<1024x128xf32, #tpu.memory_space<vmem>>, vector<1024x128xf32>,
    %get3A_32 = arith.constant 0 : index
    %get3A_33 = arith.constant 0 : index
    %get3A_34 = vector.load %arg3[%get3A_32, %get3A_33] : memref<128x16xf32, #tpu.memory_space<vmem>>, vector<128x16xf32>
    %dot_general3A_35 = arith.constant dense<0.000000e+00> : vector<1024x16xf32>
    %dot_general3A_36 = tpu.matmul %dot_general3A_29, %get3A_34, %dot_general3A_35 {dimension_numbers = #tpu.dot_dimension_numbers<[1], [0], [0], [1], [0, 0, 1, 1], [], []>, transpose_lhs_hint = false} : vector<1024x128xf32>, vector<128x16xf32>, vector<1024x16xf32> -> vector<1024x16xf32>
    %get3A_37 = arith.constant 0 : index
    %get3A_38 = arith.constant 0 : index
    %get3A_39 = vector.load %arg4[%get3A_37, %get3A_38] : memref<128x16xf32, #tpu.memory_space<vmem>>, vector<128x16xf32>
    %dot_general3A_40 = arith.constant dense<0.000000e+00> : vector<1024x16xf32>
    %dot_general3A_41 = tpu.matmul %dot_general3A_29, %get3A_39, %dot_general3A_40 {dimension_numbers = #tpu.dot_dimension_numbers<[1], [0], [0], [1], [0, 0, 1, 1], [], []>, transpose_lhs_hint = false} : vector<1024x128xf32>, vector<128x16xf32>, vector<1024x16xf32> -> vector<1024x16xf32>
    %swap3A_42 = arith.constant 0 : index
    %swap3A_43 = arith.constant 0 : index
    %swap3A_44 = vector.load %arg8[%swap3A_42, %swap3A_43] : memref<1024x16xf32, #tpu.memory_space<vmem>>, vector<1024x16xf32>
    tpu.vector_store %arg8[%swap3A_42, %swap3A_43], %dot_general3A_36 {strides = array<i32>} : memref<1024x16xf32, #tpu.memory_space<vmem>>, vector<1024x16xf32>,
    %swap3A_45 = arith.constant 0 : index
    %swap3A_46 = arith.constant 0 : index
    %swap3A_47 = vector.load %arg9[%swap3A_45, %swap3A_46] : memref<1024x16xf32, #tpu.memory_space<vmem>>, vector<1024x16xf32>
    tpu.vector_store %arg9[%swap3A_45, %swap3A_46], %dot_general3A_41 {strides = array<i32>} : memref<1024x16xf32, #tpu.memory_space<vmem>>, vector<1024x16xf32>,
    %reduce_max3A = arith.constant dense<0xFF800000> : vector<16xf32>
    %reduce_max3A_48 = vector.multi_reduction <maximumf>, %dot_general3A_36, %reduce_max3A [0] : vector<1024x16xf32> to vector<16xf32>
    %broadcast_in_dim3A_49 = vector.shape_cast %reduce_max3A_48 : vector<16xf32> to vector<1x16xf32>
    %reduce_max3A_50 = arith.constant dense<0xFF800000> : vector<16xf32>
    %reduce_max3A_51 = vector.multi_reduction <maximumf>, %dot_general3A_41, %reduce_max3A_50 [0] : vector<1024x16xf32> to vector<16xf32>
    %broadcast_in_dim3A_52 = vector.shape_cast %reduce_max3A_51 : vector<16xf32> to vector<1x16xf32>
    %eq3A = arith.constant 0 : i32
    %eq3A_53 = arith.cmpi eq, %arg0, %eq3A : i32
    %convert_element_type3A = arith.extui %eq3A_53 : i1 to i32
    %cond3A = arith.constant 0 : i32
    %cond3A_54 = arith.cmpi ne, %convert_element_type3A, %cond3A : i32
    scf.if %cond3A_54 {
      %swap3A_59 = arith.constant 0 : index
      %swap3A_60 = arith.constant 0 : index
      %swap3A_61 = vector.load %arg10[%swap3A_59, %swap3A_60] : memref<1x16xf32, #tpu.memory_space<vmem>>, vector<1x16xf32>
      tpu.vector_store %arg10[%swap3A_59, %swap3A_60], %broadcast_in_dim3A_49 {strides = array<i32>} : memref<1x16xf32, #tpu.memory_space<vmem>>, vector<1x16xf32>,
      %swap3A_62 = arith.constant 0 : index
      %swap3A_63 = arith.constant 0 : index
      %swap3A_64 = vector.load %arg11[%swap3A_62, %swap3A_63] : memref<1x16xf32, #tpu.memory_space<vmem>>, vector<1x16xf32>
      tpu.vector_store %arg11[%swap3A_62, %swap3A_63], %broadcast_in_dim3A_52 {strides = array<i32>} : memref<1x16xf32, #tpu.memory_space<vmem>>, vector<1x16xf32>,
    } else {
    }
    %gt3A = arith.constant 0 : i32
    %gt3A_55 = arith.cmpi sgt, %arg0, %gt3A : i32
    %convert_element_type3A_56 = arith.extui %gt3A_55 : i1 to i32
    %cond3A_57 = arith.constant 0 : i32
    %cond3A_58 = arith.cmpi ne, %convert_element_type3A_56, %cond3A_57 : i32
    scf.if %cond3A_58 {
      %get3A_59 = arith.constant 0 : index
      %get3A_60 = arith.constant 0 : index
      %get3A_61 = vector.load %arg10[%get3A_59, %get3A_60] : memref<1x16xf32, #tpu.memory_space<vmem>>, vector<1x16xf32>
      %max3A = arith.maximumf %get3A_61, %broadcast_in_dim3A_49 : vector<1x16xf32>
      %swap3A_62 = arith.constant 0 : index
      %swap3A_63 = arith.constant 0 : index
      %swap3A_64 = vector.load %arg10[%swap3A_62, %swap3A_63] : memref<1x16xf32, #tpu.memory_space<vmem>>, vector<1x16xf32>
      tpu.vector_store %arg10[%swap3A_62, %swap3A_63], %max3A {strides = array<i32>} : memref<1x16xf32, #tpu.memory_space<vmem>>, vector<1x16xf32>,
      %get3A_65 = arith.constant 0 : index
      %get3A_66 = arith.constant 0 : index
      %get3A_67 = vector.load %arg11[%get3A_65, %get3A_66] : memref<1x16xf32, #tpu.memory_space<vmem>>, vector<1x16xf32>
      %max3A_68 = arith.maximumf %get3A_67, %broadcast_in_dim3A_52 : vector<1x16xf32>
      %swap3A_69 = arith.constant 0 : index
      %swap3A_70 = arith.constant 0 : index
      %swap3A_71 = vector.load %arg11[%swap3A_69, %swap3A_70] : memref<1x16xf32, #tpu.memory_space<vmem>>, vector<1x16xf32>
      tpu.vector_store %arg11[%swap3A_69, %swap3A_70], %max3A_68 {strides = array<i32>} : memref<1x16xf32, #tpu.memory_space<vmem>>, vector<1x16xf32>,
    } else {
    }
    return
  }
  func.func @transform_0(%arg0: i32) -> (i32, i32) {
    %c0_i32 = arith.constant 0 : i32
    %c0_i32_0 = arith.constant 0 : i32
    return %arg0, %c0_i32 : i32, i32
  }
  func.func @transform_1(%arg0: i32) -> (i32, i32) {
    %c0_i32 = arith.constant 0 : i32
    %c0_i32_0 = arith.constant 0 : i32
    %c0_i32_1 = arith.constant 0 : i32
    return %c0_i32, %c0_i32_0 : i32, i32
  }
  func.func @transform_2(%arg0: i32) -> (i32, i32) {
    %c0_i32 = arith.constant 0 : i32
    %c0_i32_0 = arith.constant 0 : i32
    %c0_i32_1 = arith.constant 0 : i32
    return %c0_i32, %c0_i32_0 : i32, i32
  }
  func.func @transform_3(%arg0: i32) -> (i32, i32) {
    %c0_i32 = arith.constant 0 : i32
    %c0_i32_0 = arith.constant 0 : i32
    %c0_i32_1 = arith.constant 0 : i32
    return %c0_i32, %c0_i32_0 : i32, i32
  }
  func.func @transform_4(%arg0: i32) -> (i32, i32) {
    %c0_i32 = arith.constant 0 : i32
    %c0_i32_0 = arith.constant 0 : i32
    %c0_i32_1 = arith.constant 0 : i32
    return %c0_i32, %c0_i32_0 : i32, i32
  }
  func.func @transform_5(%arg0: i32) -> (i32, i32) {
    %c0_i32 = arith.constant 0 : i32
    %c0_i32_0 = arith.constant 0 : i32
    %c0_i32_1 = arith.constant 0 : i32
    return %c0_i32, %c0_i32_0 : i32, i32
  }
  func.func @transform_6(%arg0: i32) -> (i32, i32) {
    %c0_i32 = arith.constant 0 : i32
    %c0_i32_0 = arith.constant 0 : i32
    return %arg0, %c0_i32 : i32, i32
  }
  func.func @transform_7(%arg0: i32) -> (i32, i32) {
    %c0_i32 = arith.constant 0 : i32
    %c0_i32_0 = arith.constant 0 : i32
    return %arg0, %c0_i32 : i32, i32
  }
  func.func @transform_8(%arg0: i32) -> (i32, i32) {
    %c0_i32 = arith.constant 0 : i32
    %c0_i32_0 = arith.constant 0 : i32
    return %arg0, %c0_i32 : i32, i32
  }
  func.func @transform_9(%arg0: i32) -> (i32, i32) {
    %c0_i32 = arith.constant 0 : i32
    %c0_i32_0 = arith.constant 0 : i32
    %c0_i32_1 = arith.constant 0 : i32
    return %c0_i32, %c0_i32_0 : i32, i32
  }
  func.func @transform_10(%arg0: i32) -> (i32, i32) {
    %c0_i32 = arith.constant 0 : i32
    %c0_i32_0 = arith.constant 0 : i32
    %c0_i32_1 = arith.constant 0 : i32
    return %c0_i32, %c0_i32_0 : i32, i32
  }
}

module attributes {stable_mosaic.version = 14 : i64} {
  func.func @_k3_body(%arg0: memref<2x10240x16xf32, #tpu.memory_space<vmem>>, %arg1: memref<10240x16xf32, #tpu.memory_space<vmem>>) attributes {dimension_semantics = [], scalar_prefetch = 0 : i64, scratch_operands = 0 : i64, tpu.core_type = #tpu.core_type<tc>} {
    %get3A = arith.constant 0 : index
    %get3A_0 = arith.constant 0 : index
    %get3A_1 = arith.constant 0 : index
    %get3A_2 = vector.load %arg0[%get3A, %get3A_0, %get3A_1] : memref<2x10240x16xf32, #tpu.memory_space<vmem>>, vector<1x10240x16xf32>
    %get3A_3 = vector.shape_cast %get3A_2 : vector<1x10240x16xf32> to vector<10240x16xf32>
    %get3A_4 = arith.constant 1 : index
    %get3A_5 = arith.constant 0 : index
    %get3A_6 = arith.constant 0 : index
    %get3A_7 = vector.load %arg0[%get3A_4, %get3A_5, %get3A_6] : memref<2x10240x16xf32, #tpu.memory_space<vmem>>, vector<1x10240x16xf32>
    %get3A_8 = vector.shape_cast %get3A_7 : vector<1x10240x16xf32> to vector<10240x16xf32>
    %add3A = arith.addf %get3A_3, %get3A_8 : vector<10240x16xf32>
    %iota3A = tpu.iota {dimensions = array<i32: 1>} : vector<1x16xi32>
    %lt3A = arith.constant 4 : i32
    %lt3A_9 = vector.broadcast %lt3A : i32 to vector<1x16xi32>
    %lt3A_10 = arith.cmpi slt, %iota3A, %lt3A_9 : vector<1x16xi32>
    %add3A_11 = arith.constant 1.000000e-16 : f32
    %add3A_12 = vector.broadcast %add3A_11 : f32 to vector<10240x16xf32>
    %add3A_13 = arith.addf %add3A, %add3A_12 : vector<10240x16xf32>
    %div3A = arith.constant 1.000000e+00 : f32
    %div3A_14 = vector.broadcast %div3A : f32 to vector<10240x16xf32>
    %div3A_15 = arith.divf %div3A_14, %add3A_13 : vector<10240x16xf32>
    %jit3A = arith.constant 0.000000e+00 : f32
    %broadcast_in_dim3A = vector.shape_cast %lt3A_10 : vector<1x16xi1> to vector<1x16xi1>
    %broadcast_in_dim3A_16 = vector.broadcast %broadcast_in_dim3A : vector<1x16xi1> to vector<10240x16xi1>
    %broadcast_in_dim3A_17 = vector.broadcast %jit3A : f32 to vector<10240x16xf32>
    %select_n3A = arith.select %broadcast_in_dim3A_16, %div3A_15, %broadcast_in_dim3A_17 : vector<10240x16xi1>, vector<10240x16xf32>
    %swap3A = arith.constant 0 : index
    %swap3A_18 = arith.constant 0 : index
    %swap3A_19 = vector.load %arg1[%swap3A, %swap3A_18] : memref<10240x16xf32, #tpu.memory_space<vmem>>, vector<10240x16xf32>
    tpu.vector_store %arg1[%swap3A, %swap3A_18], %select_n3A {strides = array<i32>} : memref<10240x16xf32, #tpu.memory_space<vmem>>, vector<10240x16xf32>,
    return
  }
}

module attributes {stable_mosaic.version = 14 : i64} {
  func.func @_k5_body(%arg0: i32, %arg1: memref<1000x128xf32, #tpu.memory_space<vmem>>, %arg2: memref<1x1000x128xf32, #tpu.memory_space<vmem>>, %arg3: memref<1x1000x128xf32, #tpu.memory_space<vmem>>, %arg4: memref<1x128xf32, #tpu.memory_space<vmem>>, %arg5: memref<1000x128xf32, #tpu.memory_space<vmem>>) attributes {dimension_semantics = [#tpu.dimension_semantics<arbitrary>], iteration_bounds = array<i64: 10>, scalar_prefetch = 0 : i64, scratch_operands = 0 : i64, tpu.core_type = #tpu.core_type<tc>, window_params = [{transform_indices = @transform_0, window_bounds = array<i64: 1000, 128>}, {transform_indices = @transform_1, window_bounds = array<i64: 1, 1000, 128>}, {transform_indices = @transform_2, window_bounds = array<i64: 1, 1000, 128>}, {pipeline_mode = #tpu.pipeline_mode<synchronous>, transform_indices = @transform_3, window_bounds = array<i64: 1, 128>}, {transform_indices = @transform_4, window_bounds = array<i64: 1000, 128>}]} {
    %get3A = arith.constant 0 : index
    %get3A_0 = arith.constant 0 : index
    %get3A_1 = vector.load %arg1[%get3A, %get3A_0] : memref<1000x128xf32, #tpu.memory_space<vmem>>, vector<1000x128xf32>
    %get3A_2 = arith.constant 0 : index
    %get3A_3 = arith.constant 0 : index
    %get3A_4 = arith.constant 0 : index
    %get3A_5 = vector.load %arg2[%get3A_2, %get3A_3, %get3A_4] : memref<1x1000x128xf32, #tpu.memory_space<vmem>>, vector<1x1000x128xf32>
    %get3A_6 = vector.shape_cast %get3A_5 : vector<1x1000x128xf32> to vector<1000x128xf32>
    %add3A = arith.addf %get3A_1, %get3A_6 : vector<1000x128xf32>
    %get3A_7 = arith.constant 0 : index
    %get3A_8 = arith.constant 0 : index
    %get3A_9 = arith.constant 0 : index
    %get3A_10 = vector.load %arg3[%get3A_7, %get3A_8, %get3A_9] : memref<1x1000x128xf32, #tpu.memory_space<vmem>>, vector<1x1000x128xf32>
    %get3A_11 = vector.shape_cast %get3A_10 : vector<1x1000x128xf32> to vector<1000x128xf32>
    %add3A_12 = arith.addf %add3A, %get3A_11 : vector<1000x128xf32>
    %get3A_13 = arith.constant 0 : index
    %get3A_14 = arith.constant 0 : index
    %get3A_15 = vector.load %arg4[%get3A_13, %get3A_14] : memref<1x128xf32, #tpu.memory_space<vmem>>, vector<1x128xf32>
    %add3A_16 = vector.broadcast %get3A_15 : vector<1x128xf32> to vector<1000x128xf32>
    %add3A_17 = arith.addf %add3A_12, %add3A_16 : vector<1000x128xf32>
    %swap3A = arith.constant 0 : index
    %swap3A_18 = arith.constant 0 : index
    %swap3A_19 = vector.load %arg5[%swap3A, %swap3A_18] : memref<1000x128xf32, #tpu.memory_space<vmem>>, vector<1000x128xf32>
    tpu.vector_store %arg5[%swap3A, %swap3A_18], %add3A_17 {strides = array<i32>} : memref<1000x128xf32, #tpu.memory_space<vmem>>, vector<1000x128xf32>,
    return
  }
  func.func @transform_0(%arg0: i32) -> (i32, i32) {
    %c0_i32 = arith.constant 0 : i32
    %c0_i32_0 = arith.constant 0 : i32
    return %arg0, %c0_i32 : i32, i32
  }
  func.func @transform_1(%arg0: i32) -> (i32, i32, i32) {
    %c0_i32 = arith.constant 0 : i32
    %c0_i32_0 = arith.constant 0 : i32
    %c0_i32_1 = arith.constant 0 : i32
    return %c0_i32, %arg0, %c0_i32_0 : i32, i32, i32
  }
  func.func @transform_2(%arg0: i32) -> (i32, i32, i32) {
    %c1_i32 = arith.constant 1 : i32
    %c0_i32 = arith.constant 0 : i32
    %c0_i32_0 = arith.constant 0 : i32
    return %c1_i32, %arg0, %c0_i32 : i32, i32, i32
  }
  func.func @transform_3(%arg0: i32) -> (i32, i32) {
    %c0_i32 = arith.constant 0 : i32
    %c0_i32_0 = arith.constant 0 : i32
    %c0_i32_1 = arith.constant 0 : i32
    return %c0_i32, %c0_i32_0 : i32, i32
  }
  func.func @transform_4(%arg0: i32) -> (i32, i32) {
    %c0_i32 = arith.constant 0 : i32
    %c0_i32_0 = arith.constant 0 : i32
    return %arg0, %c0_i32 : i32, i32
  }
}

</mosaic_0001>

<sc_bundles>
// kernel: kernel.10.cloned.1.call-start
scs
__scs_entry_jumppad:
0x0: {  	(pc) =	sbr.rel $0x88, $3  }
0x1: {  	(tag) =	ssettag $0x0;
	lr =	simm.s32 $0x1  }
0x2: {  	[smem:$0x3F99] =	sst lr;
	_ =	strace $0xD0000000  }
0x3: {  	_ = 	snop  }
0x4: {  	_ = 	snop  }
0x5: {  	_ = 	snop  }
0x6: {  	_ = 	snop  }
0x7: {  	_ = 	snop  }
__scs_overlays_trampoline_lowered:
0x8: {  	[smem:$0x3FA8] =	sst s0  }
0x9: {  	[smem:$0x3FA9] =	sst s1  }
0xa: {  	[smem:$0x3FAA] =	sst s2  }
0xb: {  	[smem:$0x3FAB] =	sst s3  }
0xc: {  	[smem:$0x3FAC] =	sst s4  }
0xd: {  	[smem:$0x3FAD] =	sst s5  }
0xe: {  	[smem:$0x3FAE] =	sst s6  }
0xf: {  	[smem:$0x3FAF] =	sst s7  }
0x10: {  	[smem:$0x3FB0] =	sst s8  }
0x11: {  	[smem:$0x3FB1] =	sst s9;
	s0 =	simm.s32 @!p0 $0x0  }
0x12: {  	s1 =	sld [smem:$0x3F97];
	s0 =	simm.s32 @p0 $0x1  }
0x13: {  	[smem:$0x3FB2] =	sst s0;
	s0 =	simm.s32 @!p1 $0x0  }
0x14: {  	s2 =	sld [smem:$0x3F96];
	s0 =	simm.s32 @p1 $0x1  }
0x15: {  	[smem:$0x3FB3] =	sst s0;
	s0 =	simm.s32 @!p2 $0x0  }
0x16: {  	s3 =	sld [smem:$0x3FDB];
	s0 =	simm.s32 @p2 $0x1  }
0x17: {  	s4 =	simm.s32 $0x1BF5;
	[smem:$0x3FB5] =	sst s0  }
0x18: {  	s0 =	sld [smem:$0x3F98];
	_ =	swait.ge [sflag:s4], $0x0  }
0x19: {  	s7 =	sld [smem:$0x3F99]  }
0x1a: {  	s8 =	sadd.s32 $0xFFFFE003, lr  }
0x1b: {  	s9 =	sadd.s32 $0xFFFFFEF7, lr;
	s5 =	simm.s32 $0xFFFFFFFF;
	p2 =	slt.u32 s8, $0xFFFFF086  }
0x1c: {  	p1 =	slt.u32 s9, $0xF7A;
	s5 =	simm.s32 @!p2 $0x0  }
0x1d: {  	s5 =	simm.s32 @p1 $0x1;
	p0 =	seq.s32 s7, s2  }
0x1e: {  	s7 =	smul.u32 @!p0 $0xF7A, s2;
	p2 =	seq.s32 @!p0 s5, $0x0  }
0x1f: {  	s9 =	smul.u32 $0xF7A, s1;
	s8 =	simm.s32 @!p0 $0x1BF5;
	p2 =	por !p2, p0  }
0x20: {  	[sflag:s8] =	ssyncset.s32 @!p0 $0xFFFFF086;
	s6 =	sadd.s32 @!p0 s3, s7;
	s7 =	simm.s32 @!p0 $0x108  }
0x21: {  	s3 =	sadd.s32 s3, s9;
	s6 =	sadd.s32 @!p0 $0x88, s6;
	s7 =	simm.s32 @p2 $0x1082  }
0x22: {  	[simem:s7], [sflag:s8] =	dma.local @!p0 [hbm:s6], $0xF7A  }
0x23: {  	s9 =	sor.u32 $0xD0000000, s2;
	s6 =	simm.s32 $0x108;
	_ =	swait.ge @!p0 [sflag:s8], $0x0  }
0x24: {  	s3 =	sadd.s32 $0x88, s3;
	s6 =	simm.s32 @!p1 $0x1082;
	[sflag:s4] =	ssyncset.s32 $0xFFFFF086  }
0x25: {  	[simem:s6], [sflag:s4] =	dma.local [hbm:s3], $0xF7A  }
0x26: {  	[smem:$0x3F99] =	sst s1;
	(tag) =	ssettag s2;
	_ =	strace s9  }
0x27: {  	s1 =	sld [smem:$0x3FA9]  }
0x28: {  	s2 =	sld [smem:$0x3FAA]  }
0x29: {  	s4 =	sld [smem:$0x3FAC]  }
0x2a: {  	p0 =	seq.s32 s5, $0x0;
	s5 =	sld [smem:$0x3FAD]  }
0x2b: {  	s6 =	sld [smem:$0x3FAE]  }
0x2c: {  	s7 =	sld [smem:$0x3FAF]  }
0x2d: {  	s3 =	simm.s32 $0x108;
	s8 =	sld [smem:$0x3FB0]  }
0x2e: {  	s3 =	simm.s32 @!p0 $0x1082;
	s9 =	sld [smem:$0x3FB1]  }
0x2f: {  	lr =	sadd.s32 s0, s3;
	s0 =	sld [smem:$0x3FA8]  }
0x30: {  	s3 =	sld [smem:$0x3FAB]  }
0x31: {  	[smem:$0x3FB4] =	sst s10  }
0x32: {  	s10 =	sld [smem:$0x3FB2];
	_ =	sdelay $0x3  }
0x33: {  	p0 =	seq.s32 s10, $0x1;
	s10 =	sld [smem:$0x3FB4];
	_ =	sdelay $0x3  }
0x34: {  	[smem:$0x3FB4] =	sst s10  }
0x35: {  	s10 =	sld [smem:$0x3FB3];
	_ =	sdelay $0x3  }
0x36: {  	p1 =	seq.s32 s10, $0x1;
	s10 =	sld [smem:$0x3FB4];
	_ =	sdelay $0x3  }
0x37: {  	[smem:$0x3FB4] =	sst s10  }
0x38: {  	s10 =	sld [smem:$0x3FB5]  }
0x39: {  	_ = 	snop;
	(pc) =	sbr.ind lr, $3  }
0x3a: {  	_ = 	snop  }
0x3b: {  	_ = 	snop  }
0x3c: {  	p2 =	seq.s32 s10, $0x1;
	s10 =	sld [smem:$0x3FB4]  }
0x3d: {  	_ =	shalt  }
0x3e: {  	_ =	shalt  }
0x3f: {  	_ =	shalt  }
0x40: {  	_ =	shalt  }
0x41: {  	_ =	shalt  }
0x42: {  	_ =	shalt  }
0x43: {  	_ =	shalt  }
0x44: {  	_ =	shalt  }
0x45: {  	_ =	shalt  }
0x46: {  	_ =	shalt  }
0x47: {  	_ =	shalt  }
0x48: {  	_ =	shalt  }
0x49: {  	_ =	shalt  }
0x4a: {  	_ =	shalt  }
0x4b: {  	_ =	shalt  }
0x4c: {  	_ =	shalt  }
0x4d: {  	_ =	shalt  }
0x4e: {  	_ =	shalt  }
0x4f: {  	_ =	shalt  }
0x50: {  	_ =	shalt  }
0x51: {  	_ =	shalt  }
0x52: {  	_ =	shalt  }
0x53: {  	_ =	shalt  }
0x54: {  	_ =	shalt  }
0x55: {  	_ =	shalt  }
0x56: {  	_ =	shalt  }
0x57: {  	_ =	shalt  }
0x58: {  	_ =	shalt  }
0x59: {  	_ =	shalt  }
0x5a: {  	_ =	shalt  }
0x5b: {  	_ =	shalt  }
0x5c: {  	_ =	shalt  }
0x5d: {  	_ =	shalt  }
0x5e: {  	_ =	shalt  }
0x5f: {  	_ =	shalt  }
0x60: {  	_ =	shalt  }
0x61: {  	_ =	shalt  }
0x62: {  	_ =	shalt  }
0x63: {  	_ =	shalt  }
0x64: {  	_ =	shalt  }
0x65: {  	_ =	shalt  }
0x66: {  	_ =	shalt  }
0x67: {  	_ =	shalt  }
0x68: {  	_ =	shalt  }
0x69: {  	_ =	shalt  }
0x6a: {  	_ =	shalt  }
0x6b: {  	_ =	shalt  }
0x6c: {  	_ =	shalt  }
0x6d: {  	_ =	shalt  }
0x6e: {  	_ =	shalt  }
0x6f: {  	_ =	shalt  }
0x70: {  	_ =	shalt  }
0x71: {  	_ =	shalt  }
0x72: {  	_ =	shalt  }
0x73: {  	_ =	shalt  }
0x74: {  	_ =	shalt  }
0x75: {  	_ =	shalt  }
0x76: {  	_ =	shalt  }
0x77: {  	_ =	shalt  }
0x78: {  	_ =	shalt  }
0x79: {  	_ =	shalt  }
0x7a: {  	_ =	shalt  }
0x7b: {  	_ =	shalt  }
0x7c: {  	_ =	shalt  }
0x7d: {  	_ =	shalt  }
0x7e: {  	_ =	shalt  }
0x7f: {  	_ =	shalt  }
0x80: {  	_ =	shalt  }
0x81: {  	_ =	shalt  }
0x82: {  	_ =	shalt  }
0x83: {  	_ =	shalt  }
0x84: {  	_ =	shalt  }
0x85: {  	_ =	shalt  }
0x86: {  	_ =	shalt  }
0x87: {  	_ =	shalt  }
.Lfunc_end0:
.L_simem_size_0:
called_computation.1_lowered:
.L_overlay_start_0:
0x88: {  	s2 =	sld [smem:$0x3FD9]  }
0x89: {  	s3 =	sld [smem:$0x3FFE];
	_ =	sdelay $0x1  }
0x8a: {  	s1 =	srdreg.scid  }
0x8b: {  	s0 =	sand.u32 $0x1, s1  }
0x8c: {  	s17 =	sshll.u32 s0, $0xA;
	s2 =	sadd.s32 s3, s2  }
0x8d: {  	s2 =	sadd.s32 s2, s17  }
0x8e: {  	[smem:$0x3FC0] =	sst s2  }
0x8f: {  	_ = 	snop  }
0x90: {  	s2 =	sld [smem:$0x3FD0];
	(tm) =	ssettm $0x1  }
0x91: {  	s18 =	sld [smem:$0x3FFB];
	_ =	sdelay $0x3  }
0x92: {  	_ =	strace s18  }
0x93: {  	s3 =	sld [smem:$0x3FFC];
	_ =	sdelay $0x3  }
0x94: {  	_ =	strace s3  }
0x95: {  	s3 =	sld [smem:$0x3FFD];
	_ =	sdelay $0x3  }
0x96: {  	_ =	strace s3  }
0x97: {  	_ =	strace $0x8FFFFFFF  }
0x98: {  	s19 =	sld [smem:$0x3FDB];
	_ =	sdelay $0x1  }
0x99: {  	s4 =	simm.s32 $_scs_section_size  }
0x9a: {  	s5 =	simm.s32 $_size__tile_overlayer_lowered;
	s6 =	simm.s32 $_tile_overlayer_lowered  }
0x9b: {  	s22 =	simm.s32 $0x1BFF;
	s21 =	sshll.u32 s6, $0x1;
	s3 =	sadd.s32 s4, s19  }
0x9c: {  	s7 =	simm.s32 $0x0;
	s20 =	sshll.u32 s5, $0x1;
	s5 =	sadd.s32 s21, s3  }
0x9d: {  	[timem:s7], [sflag:s22] =	dma.local [hbm:s5], s20  }
0x9e: {  	_ =	swait.ge [sflag:s22], s20  }
0x9f: {  	s4 =	ssub.s32 $0x0, s20;
	[sflag:s22] =	ssyncset.done $0x0  }
0xa0: {  	[sflag:s22] =	ssyncadd.s32 s4;
	_ =	sdelay $0x1  }
0xa1: {  	s23 =	simm.s32 $0x1B8B  }
0xa2: {  	_ =	swait.ge [sflag:s23], $0x1  }
0xa3: {  	[sflag:s23] =	ssyncset.done $0x0  }
0xa4: {  	s25 =	simm.s32 $0x1B8E;
	s24 =	sld [smem:$0x3FFE];
	[sflag:s23] =	ssyncadd.s32 $0xFFFFFFFF  }
0xa5: {  	s26 =	simm.s32 $execute0_lowered;
	[smem:$0x3FD2] =	sst s25  }
0xa6: {  	s5 =	sshll.u32 s26, $0x1;
	_ =	strace $0x80000049;
	[dreg:$0x1] =	wrdreg $0xFFFFFFFF  }
0xa7: {  	s28 =	simm.s32 $_size_execute0_lowered;
	s3 =	sadd.s32 s3, s5;
	[dreg:$0x0] =	wrdreg $0x0  }
0xa8: {  	s5 =	sshll.u32 s28, $0x1;
	[dreg:$0x2] =	wrdreg s3  }
0xa9: {  	[dreg:$0x3] =	wrdreg s5  }
0xaa: {  	[dreg:$0x4] =	wrdreg $0xC0  }
0xab: {  	_ =	task [dreg:s7], $0x5FFFF  }
0xac: {  	[dreg:$0x1] =	wrdreg $0xFFFFFFFF  }
0xad: {  	[dreg:$0x0] =	wrdreg $0x60  }
0xae: {  	[dreg:$0x2] =	wrdreg s24  }
0xaf: {  	[dreg:$0x3] =	wrdreg s2  }
0xb0: {  	[dreg:$0x4] =	wrdreg $0xA2800  }
0xb1: {  	[dreg:$0x5] =	wrdreg $0x9  }
0xb2: {  	_ =	task.clear_ibuf [dreg:s7], $0x6FFFF;
	_ =	strace $0x90000049  }
0xb3: {  	s29 =	simm.s32 $0x9;
	_ =	strace $0x8000004B  }
0xb4: {  	_ =	swait.ge [sflag:s29], $0x1  }
0xb5: {  	[sflag:s29] =	ssyncadd.s32 $0xFFFFFFFF  }
0xb6: {  	_ =	strace $0x9000004B  }
0xb7: {  	_ =	sfence  }
0xb8: {  	s30 =	sld [smem:$0x0];
	_ =	sdelay $0x2  }
0xb9: {  	s31 =	sshll.u32 s1, $0xD;
	s1 =	sshrl.u32 s1, $0x2  }
0xba: {  	s3 =	sand.u32 $0x4000, s31;
	s1 =	sadd.s32 s1, s30  }
0xbb: {  	s0 =	sor.u32 s3, s0;
	s1 =	sshll.u32 s1, $0x11  }
0xbc: {  	s0 =	sor.u32 s1, s0  }
0xbd: {  	s0 =	sadd.s32 $0x8F2B, s0  }
0xbe: {  	[sflag:s0] =	ssyncadd.remote.s32 $0x1  }
0xbf: {  	_ =	sfence.sel $0xFFFF  }
0xc0: {  	[dreg:$0x0] =	wrdreg $0xFFFFFFFF;
	(pc) =	sbr.abs _section_cstart, $3  }
0xc1: {  	[dreg:$0x1] =	wrdreg $0xFFFFFFFF  }
0xc2: {  	_ =	task.clear_ibuf [dreg:s7], $0x2FFFF;
	_ =	strace $0x9FFFFFFF  }
0xc3: {  	(tm) =	ssettm $0x7FFFFFFF  }
tec
execute0_lowered:
.L_overlay_start_1:
0x0: {  	(tag) =	ssettag $0x1  }
0x1: {  	s0 =	rddreg [dreg:$0x0]  }
0x2: {  	s1 =	rddreg [dreg:$0x1]  }
0x3: {  	s3 =	rddreg [dreg:$0x2];
	s4 =	simm.s32 $0x0  }
0x4: {  	s15 =	stileid.u32;
	s6 =	srdreg.scid;
	s19 =	simm.s32 $0x3  }
0x5: {  	s21 =	simm.s32 $0x200;
	s28 =	simm.s32 $0xA00;
	s29 =	simm.s32 $0x1A00  }
0x6: {  	s30 =	simm.s32 $0x6200;
	s31 =	simm.s32 $0xA200;
	[smem:$0x7FF] =	sst s4  }
0x7: {  	s2 =	smul.u32 $0x14000, s15;
	s5 =	sadd.s32 $0x34800, s0;
	s9 =	sand.u32 $0x1, s6  }
0x8: {  	s6 =	sadd.s32 $0x2400, s0;
	s7 =	sadd.s32 $0x4D800, s0;
	s13 =	sshll.u32 s15, $0x1  }
0x9: {  	s11 =	smul.u32 $0x140000, s9;
	s12 =	ssub.s32 $0x2, s9;
	s9 =	sor.u32 s9, s13  }
0xa: {  	s8 =	sadd.s32 $0x2A400, s0;
	s22 =	sshll.u32 s15, $0x6;
	s13 =	smul.u32 $0x500, s9  }
0xb: {  	_ =	strace $0x8000004A;
	s10 =	sshrl.u32 s2, $0x3;
	s23 =	smul.u32 $0x5000, s9  }
0xc: {  	s14 =	sshrl.u32 s12, $0x1;
	s15 =	smul.u32 $0x28000, s9;
	s10 =	sadd.s32 s10, s0  }
0xd: {  	s11 =	sadd.s32 s2, s11;
	s12 =	ssub.s32 s12, s14;
	s2 =	sadd.s32 s2, s3  }
0xe: {  	s11 =	sshrl.u32 s11, $0x3;
	s10 =	sadd.s32 $0xED800, s10;
	s24 =	sadd.s32 s5, s13  }
0xf: {  	s13 =	sadd.s32 s1, s13;
	s25 =	sadd.s32 s7, s23;
	[dreg:$0x4] =	wrdreg s10  }
0x10: {  	s26 =	smax.u32 s12, $0x1;
	s18 =	sshrl.u32 s2, $0x3;
	[dreg:$0x5] =	wrdreg s24  }
0x11: {  	s23 =	simm.s32 $0x1200;
	s2 =	simm.s32 $0x0;
	[dreg:$0x6] =	wrdreg s13  }
0x12: {  	s0 =	sadd.s32 s11, s0;
	s10 =	sor.u32 $0x1C03, s22;
	[dreg:$0x7] =	wrdreg s25  }
0x13: {  	s11 =	smul.u32 $0x50, s9;
	[dreg:$0x9] =	wrdreg s26;
	s22 =	simm.s32 $0x80  }
0x14: {  	v0 =	vlaneseq.u32;
	s24 =	simm.s32 $0x2200;
	s25 =	simm.s32 $0x1;
	s0 =	sadd.s32 $0x115800, s0  }
0x15: {  	v0 =	vmul.u32 $0x10, v0;
	s26 =	simm.s32 $0x180;
	[dreg:$0x8] =	wrdreg s0;
	s0 =	simm.s32 $0x2  }
.LBB2_1:
0x16: {  	s9 =	rddreg [dreg:$0x4]  }
0x17: {  	[spmem:s18], [sflag:s10] =	dma.local [hbm:s9], $0x2800  }
0x18: {  	_ =	swait.ge [sflag:s19], $0x2800  }
0x19: {  	[sflag:s19] =	ssyncset.done $0x0  }
0x1a: {  	[sflag:s19] =	ssyncadd.s32 $0xFFFFD800  }
0x1b: {  	[bflag:$0x0] =	sbarrier.arrive $0xFFFF  }
0x1c: {  	s16 =	rddreg [dreg:$0x5]  }
0x1d: {  	[tilespmem:s4], [sflag:$0x3] =	stream.linear.gather [hbm4b:s16+s4], $0x80, $0x38;
	[tilespmem:$0x1E280] =	vst v63  }
0x1e: {  	_ =	swait.ge [sflag:s19], $0x80  }
0x1f: {  	[sflag:s19] =	ssyncset.done $0x0  }
0x20: {  	s12 =	simm.s32 $0x100;
	s17 =	rddreg [dreg:$0x6];
	[sflag:s19] =	ssyncadd.s32 $0xFFFFFF80  }
0x21: {  	[tilespmem:s12], [sflag:$0x3] =	stream.linear.gather [hbm4b:s17+s4], $0x80, $0x38;
	[tilespmem:$0x1E280] =	vst v63  }
0x22: {  	_ =	swait.ge [sflag:s19], $0x80  }
0x23: {  	[sflag:s19] =	ssyncset.done $0x0  }
0x24: {  	s20 =	rddreg [dreg:$0x7];
	[sflag:s19] =	ssyncadd.s32 $0xFFFFFF80  }
0x25: {  	[tilespmem:s21], [sflag:$0x1] =	stream.linear.gather [hbm4b:s20+s4], $0x800, $0x38;
	[tilespmem:$0x1E280] =	vst v63  }
0x26: {  	_ = 	snop  }
0x27: {  	[tilespmem:s23], [sflag:$0x1] =	stream.indirect.gather [hbm4b:s8+s22], $0x10, s4, s22, $0xb8;
	[tilespmem:$0x1E280] =	vst v63  }
0x28: {  	s20 =	simm.s32 $0x0  }
0x29: {  	[tilespmem:s24], [sflag:$0x1] =	stream.indirect.gather [hbm4b:s6+s22], $0x80, s12, s22, $0xb8;
	[tilespmem:$0x1E280] =	vst v63  }
.LBB2_2:
0x2a: {  	_ =	swait.ge [sflag:s25], $0x800  }
0x2b: {  	[sflag:s25] =	ssyncset.done $0x0  }
0x2c: {  	[sflag:s25] =	ssyncadd.s32 $0xFFFFF800  }
0x2d: {  	_ =	swait.ge [sflag:s25], $0x800  }
0x2e: {  	s9 =	sshllo.u32 s20, $0x1;
	[sflag:s25] =	ssyncset.done $0x0  }
0x2f: {  	s12 =	sadd.s32 s11, s9;
	[sflag:s25] =	ssyncadd.s32 $0xFFFFF800  }
0x30: {  	s12 =	sshll.u32 s12, $0x4;
	_ =	swait.ge [sflag:s25], $0x4000  }
0x31: {  	s12 =	sand.u32 $0x1FFFFFF0, s12;
	[sflag:s25] =	ssyncset.done $0x0  }
0x32: {  	s14 =	simm.s32 $0x0;
	s13 =	sadd.s32 s5, s12;
	[sflag:s25] =	ssyncadd.s32 $0xFFFFC000  }
0x33: {  	[tilespmem:s22], [sflag:$0x3] =	stream.linear.gather [hbm4b:s13+s14], $0x80, $0x38;
	[tilespmem:$0x1E280] =	vst v63  }
0x34: {  	_ =	swait.ge [sflag:s19], $0x80  }
0x35: {  	[sflag:s19] =	ssyncset.done $0x0  }
0x36: {  	s9 =	sshll.u32 s9, $0xB;
	s12 =	sadd.s32 s1, s12;
	[sflag:s19] =	ssyncadd.s32 $0xFFFFFF80  }
0x37: {  	[tilespmem:s26], [sflag:$0x3] =	stream.linear.gather [hbm4b:s12+s14], $0x80, $0x38;
	[tilespmem:$0x1E280] =	vst v63  }
0x38: {  	s9 =	sadd.s32 s15, s9;
	_ =	swait.ge [sflag:s19], $0x80  }
0x39: {  	v1 =	vmov s14;
	s9 =	sshrl.u32 s9, $0x3;
	s13 =	simm.s32 $0x10;
	[sflag:s19] =	ssyncset.done $0x0  }
0x3a: {  	v2 =	vshll.u32 v1, $0x4;
	s9 =	sadd.s32 s7, s9;
	v3 =	vmov s13;
	[sflag:s19] =	ssyncadd.s32 $0xFFFFFF80  }
0x3b: {  	v2 =	vor.u32 v0, v2;
	v3 =	vshll.u32 v3, $0x4;
	[tilespmem:s28], [sflag:$0x2] =	stream.linear.gather [hbm4b:s9+s14], $0x800, $0x38;
	[tilespmem:$0x1E280] =	vst v63  }
0x3c: {  	v3 =	vor.u32 v0, v3  }
0x3d: {  	v4 =	vor.u32 $0x3, v3;
	[tilespmem:s29], [sflag:$0x2] =	stream.indirect.gather [hbm4b:s8+s22], $0x10, s22, s22, $0xb8;
	[tilespmem:$0x1E280] =	vst v63  }
0x3e: {  	_ = 	snop  }
0x3f: {  	v5 =	vor.u32 $0x2, v3;
	[tilespmem:s30], [sflag:$0x2] =	stream.indirect.gather [hbm4b:s6+s22], $0x80, s26, s22, $0xb8;
	[tilespmem:$0x1E280] =	vst v63  }
0x40: {  	v10 =	vld.idx.msk [tilespmem:v2+s21+$0x0], $0xffff  }
0x41: {  	v6 =	vor.u32 $0x2, v2;
	v11 =	vld.idx.msk [tilespmem:v3+s23+$0x0], $0xffff  }
0x42: {  	v15 =	vld.idx.msk [tilespmem:v4+s21+$0x0], $0xffff  }
0x43: {  	v16 =	vld.idx.msk [tilespmem:v4+s23+$0x0], $0xffff  }
0x44: {  	s16 =	simm.s32 $0x20;
	v8 =	vor.u32 $0x1, v2;
	v12 =	vld.idx.msk [tilespmem:v5+s23+$0x0], $0xffff  }
0x45: {  	v7 =	vmov s16;
	v5 =	vld.idx.msk [tilespmem:v5+s21+$0x0], $0xffff  }
0x46: {  	v7 =	vshll.u32 v7, $0x4;
	v17 =	vld.idx.msk [tilespmem:v6+s23+$0x0], $0xffff  }
0x47: {  	v7 =	vor.u32 v0, v7;
	v13 =	vld.idx.msk [tilespmem:v2+s23+$0x0], $0xffff  }
0x48: {  	v4 =	vor.u32 $0x1, v3;
	v18 =	vld.idx.msk [tilespmem:v3+s21+$0x0], $0xffff  }
0x49: {  	s17 =	simm.s32 $0x30;
	v20 =	vld.idx.msk [tilespmem:v8+s23+$0x0], $0xffff  }
0x4a: {  	v2 =	vor.u32 $0x3, v2;
	v3 =	vmov s17;
	v21 =	vld.idx.msk [tilespmem:v8+s21+$0x0], $0xffff  }
0x4b: {  	v22 =	vld.idx.msk [tilespmem:v6+s21+$0x0], $0xffff;
	v3 =	vshll.u32 v3, $0x4  }
0x4c: {  	v8 =	vor.u32 v0, v3;
	v3 =	vld.idx.msk [tilespmem:v7+s21+$0x0], $0xffff  }
0x4d: {  	v23 =	vor.u32 $0x3, v8;
	v19 =	vld.idx.msk [tilespmem:v4+s23+$0x0], $0xffff  }
0x4e: {  	v24 =	vld.idx.msk [tilespmem:v4+s21+$0x0], $0xffff  }
0x4f: {  	v25 =	vor.u32 $0x2, v8;
	v26 =	vld.idx.msk [tilespmem:v2+s23+$0x0], $0xffff  }
0x50: {  	v27 =	vld.idx.msk [tilespmem:v2+s21+$0x0], $0xffff  }
0x51: {  	v6 =	vor.u32 $0x2, v7;
	v9 =	vld.idx.msk [tilespmem:v8+s23+$0x0], $0xffff  }
0x52: {  	v14 =	vmul.f32 v12, v5;
	v2 =	vld.idx.msk [tilespmem:v23+s21+$0x0], $0xffff  }
0x53: {  	v5 =	vor.u32 $0x3, v7;
	v28 =	vmul.f32 v13, v10;
	v29 =	vmul.f32 v11, v18;
	v4 =	vld.idx.msk [tilespmem:v23+s23+$0x0], $0xffff  }
0x54: {  	v10 =	vor.u32 $0x1, v8;
	v11 =	vmul.f32 v20, v21;
	v13 =	vld.idx.msk [tilespmem:v25+s23+$0x0], $0xffff;
	v20 =	vmul.f32 v19, v24  }
0x55: {  	s13 =	simm.s32 $0xA210;
	v12 =	vor.u32 $0x1, v7;
	v16 =	vmul.f32 v16, v15;
	v18 =	vmul.f32 v17, v22;
	v15 =	vld.idx.msk [tilespmem:v25+s21+$0x0], $0xffff  }
0x56: {  	s12 =	simm.s32 $0xA210;
	s9 =	sshll.u32 s20, $0x1;
	s14 =	simm.s32 $0x40;
	v19 =	vadd.f32 v11, v28;
	v11 =	vld.idx.msk [tilespmem:v6+s23+$0x0], $0xffff;
	v17 =	vmul.f32 v26, v27;
	v20 =	vadd.f32 v20, v29  }
.LBB2_3:
0x57: {  	s16 =	smov.u32 s14  }
0x58: {  	v21 =	vmov s14;
	s17 =	sadd.s32 $0x10, s14;
	v22 =	vld.idx.msk [tilespmem:v7+s23+$0x0], $0xffff;
	v18 =	vadd.f32 v18, v19;
	s12 =	sadd.s32 $0x20, s12;
	s16 =	sadd.s32 $0x20, s14  }
0x59: {  	p0 =	slt.u32 s14, $0x60;
	v7 =	vshll.u32 v21, $0x4;
	v19 =	vmov s17;
	v14 =	vadd.f32 v14, v20;
	v21 =	vld.idx.msk [tilespmem:v8+s21+$0x0], $0xffff  }
0x5a: {  	v7 =	vor.u32 v0, v7;
	v8 =	vshll.u32 v19, $0x4;
	v17 =	vadd.f32 v17, v18;
	v19 =	vld.idx.msk [tilespmem:v10+s23+$0x0], $0xffff  }
0x5b: {  	v18 =	vor.u32 $0x2, v7;
	v8 =	vor.u32 v0, v8;
	v14 =	vadd.f32 v16, v14;
	v20 =	vld.idx.msk [tilespmem:v12+s23+$0x0], $0xffff  }
0x5c: {  	v16 =	vor.u32 $0x3, v7;
	v23 =	vor.u32 $0x1, v8;
	v24 =	vor.u32 $0x2, v8;
	v25 =	vld.idx.msk [tilespmem:v12+s21+$0x0], $0xffff  }
0x5d: {  	v17 =	vmul.f32 $2.500000000e-01, v17;
	v12 =	vor.u32 $0x1, v7;
	v27 =	vmul.f32 $2.500000000e-01, v14;
	v26 =	vld.idx.msk [tilespmem:v6+s21+$0x0], $0xffff;
	v6 =	vmovc v18  }
0x5e: {  	v14 =	vmul.f32 v13, v15;
	v18 =	vor.u32 $0x3, v8;
	v28 =	vld.idx.msk [tilespmem:v10+s21+$0x0], $0xffff;
	v10 =	vmov v23  }
0x5f: {  	v22 =	vmul.f32 v22, v3;
	v21 =	vmul.f32 v9, v21;
	v3 =	vld.idx.msk [tilespmem:v7+s21+$0x0], $0xffff;
	[tilespmem:s13+$0x0] =	vst v27  }
0x60: {  	v23 =	vld.idx.msk [tilespmem:v5+s23+$0x0], $0xffff;
	[tilespmem:s13+$0xFFFFFFF0] =	vst v17;
	s13 =	smov.u32 s12  }
0x61: {  	v17 =	vld.idx.msk [tilespmem:v5+s21+$0x0], $0xffff;
	v5 =	vmov v16  }
0x62: {  	v9 =	vld.idx.msk [tilespmem:v8+s23+$0x0], $0xffff  }
.Ltmp0:
0x63: {  	v16 =	vmul.f32 v4, v2;
	v2 =	vld.idx.msk [tilespmem:v18+s21+$0x0], $0xffff;
	(pc) =	sbr.rel @p0 .LBB2_3-.Ltmp0, $4  }
0x64: {  	v20 =	vmul.f32 v20, v25;
	v4 =	vld.idx.msk [tilespmem:v18+s23+$0x0], $0xffff;
	v18 =	vmul.f32 v11, v26  }
0x65: {  	v25 =	vmul.f32 v19, v28;
	v13 =	vld.idx.msk [tilespmem:v24+s23+$0x0], $0xffff  }
0x66: {  	v19 =	vadd.f32 v20, v22;
	v15 =	vld.idx.msk [tilespmem:v24+s21+$0x0], $0xffff  }
0x67: {  	s14 =	smov.u32 s16;
	v20 =	vadd.f32 v25, v21;
	v17 =	vmul.f32 v23, v17;
	v11 =	vld.idx.msk [tilespmem:v6+s23+$0x0], $0xffff  }
0x68: {  	_ =	sdelay $0x3  }
0x69: {  	v7 =	vld.idx.msk [tilespmem:v7+s23+$0x0], $0xffff  }
0x6a: {  	v8 =	vld.idx.msk [tilespmem:v8+s21+$0x0], $0xffff  }
0x6b: {  	v21 =	vld.idx.msk [tilespmem:v10+s23+$0x0], $0xffff  }
0x6c: {  	v22 =	vld.idx.msk [tilespmem:v12+s23+$0x0], $0xffff  }
0x6d: {  	v10 =	vld.idx.msk [tilespmem:v10+s21+$0x0], $0xffff  }
0x6e: {  	v12 =	vld.idx.msk [tilespmem:v12+s21+$0x0], $0xffff  }
0x6f: {  	v6 =	vld.idx.msk [tilespmem:v6+s21+$0x0], $0xffff  }
0x70: {  	v23 =	vld.idx.msk [tilespmem:v5+s23+$0x0], $0xffff  }
0x71: {  	v5 =	vld.idx.msk [tilespmem:v5+s21+$0x0], $0xffff  }
0x72: {  	v18 =	vadd.f32 v18, v19;
	v8 =	vmul.f32 v9, v8;
	v9 =	vmul.f32 v21, v10  }
0x73: {  	v1 =	vand.u32 $0xFFFFFFFC, v1;
	v3 =	vmul.f32 v7, v3;
	v7 =	vmul.f32 v22, v12  }
0x74: {  	v14 =	vadd.f32 v14, v20;
	v13 =	vmul.f32 v13, v15;
	v8 =	vadd.f32 v9, v8  }
0x75: {  	v2 =	vmul.f32 v4, v2;
	v6 =	vmul.f32 v11, v6;
	v3 =	vadd.f32 v7, v3  }
0x76: {  	v10 =	vadd.f32 v16, v14;
	v4 =	vmul.f32 v23, v5;
	v5 =	vadd.f32 v13, v8  }
0x77: {  	s14 =	simm.s32 $0x2;
	v1 =	vbroadcast v1, $0x0;
	v12 =	vadd.f32 v17, v18;
	v3 =	vadd.f32 v6, v3  }
0x78: {  	v9 =	vmul.f32 $2.500000000e-01, v10;
	v6 =	vmov s14;
	v2 =	vadd.f32 v2, v5  }
0x79: {  	v5 =	vand.u32 $0xFFFFFFFE, v6;
	v6 =	vmul.f32 $2.500000000e-01, v12;
	v3 =	vadd.f32 v4, v3  }
0x7a: {  	[tilespmem:s13+$0x0] =	vst v9;
	v2 =	vmul.f32 $2.500000000e-01, v2  }
0x7b: {  	s12 =	sadd.s32 $0x20, s12;
	[tilespmem:s13+$0xFFFFFFF0] =	vst v6;
	v3 =	vmul.f32 $2.500000000e-01, v3  }
0x7c: {  	v4 =	vbroadcast v5, $0x0;
	[tilespmem:s12+$0x0] =	vst v2  }
0x7d: {  	[tilespmem:s12+$0xFFFFFFF0] =	vst v3  }
0x7e: {  	s12 =	simm.s32 $0x2300;
	v1 =	vld.idx.msk [tilespmem:v1+s31+$0x0], $0xffff  }
0x7f: {  	v5 =	vld [tilespmem:s12+$0xFFFFFF00]  }
0x80: {  	v6 =	vld [tilespmem:s12+$0xFFFFFF10]  }
0x81: {  	s16 =	simm.s32 $0x1;
	v7 =	vld [tilespmem:s12+$0xFFFFFF20]  }
0x82: {  	v3 =	vmov s16;
	v2 =	vld.idx.msk [tilespmem:v4+s31+$0x0], $0xffff  }
0x83: {  	v3 =	vand.u32 $0xFFFFFFFD, v3;
	v4 =	vld [tilespmem:s12+$0x70]  }
0x84: {  	v8 =	vld [tilespmem:s12+$0xFFFFFF30];
	v3 =	vbroadcast v3, $0x0  }
0x85: {  	v9 =	vld [tilespmem:s12+$0xFFFFFF40]  }
0x86: {  	v10 =	vld [tilespmem:s12+$0xFFFFFF50]  }
0x87: {  	v11 =	vld [tilespmem:s12+$0xFFFFFF60];
	v5 =	vmul.f32 v5, v1  }
0x88: {  	v13 =	vld [tilespmem:s12+$0x40];
	v4 =	vmul.f32 v4, v2  }
0x89: {  	[tilespmem:s12+$0xFFFFFF00] =	vst v5;
	v5 =	vmul.f32 v6, v1;
	v6 =	vld [tilespmem:s12+$0xFFFFFF70]  }
0x8a: {  	v3 =	vld.idx.msk [tilespmem:v3+s31+$0x0], $0xffff;
	[tilespmem:s12+$0x70] =	vst v4;
	v4 =	vmul.f32 v7, v1  }
0x8b: {  	v7 =	vld [tilespmem:s12+$0xFFFFFF80];
	[tilespmem:s12+$0xFFFFFF10] =	vst v5;
	v5 =	vmul.f32 v8, v1  }
0x8c: {  	v8 =	vld [tilespmem:s12+$0xFFFFFF90];
	[tilespmem:s12+$0xFFFFFF20] =	vst v4;
	v4 =	vmul.f32 v9, v1  }
0x8d: {  	v9 =	vld [tilespmem:s12+$0xFFFFFFA0];
	[tilespmem:s12+$0xFFFFFF30] =	vst v5;
	v5 =	vmul.f32 v10, v1  }
0x8e: {  	v10 =	vld [tilespmem:s12+$0xFFFFFFB0];
	v6 =	vmul.f32 v6, v1;
	[tilespmem:s12+$0xFFFFFF40] =	vst v4  }
0x8f: {  	v4 =	vmul.f32 v11, v1;
	v11 =	vld [tilespmem:s12+$0xFFFFFFC0];
	[tilespmem:s12+$0xFFFFFF50] =	vst v5  }
0x90: {  	v5 =	vmul.f32 v7, v3;
	v7 =	vld [tilespmem:s12+$0xFFFFFFD0];
	[tilespmem:s12+$0xFFFFFF70] =	vst v6  }
0x91: {  	s17 =	simm.s32 $0x3;
	v8 =	vmul.f32 v8, v3;
	[tilespmem:s12+$0xFFFFFF60] =	vst v4;
	v4 =	vld [tilespmem:s12+$0xFFFFFFE0]  }
0x92: {  	v12 =	vmov s17;
	v6 =	vld [tilespmem:s12+$0xFFFFFFF0];
	[tilespmem:s12+$0xFFFFFF80] =	vst v5;
	v5 =	vmul.f32 v9, v3  }
0x93: {  	[tilespmem:s12+$0xFFFFFF90] =	vst v8;
	v8 =	vmul.f32 v10, v3;
	v9 =	vld [tilespmem:s12+$0x0]  }
0x94: {  	v10 =	vld [tilespmem:s12+$0x10];
	[tilespmem:s12+$0xFFFFFFA0] =	vst v5;
	v5 =	vmul.f32 v11, v3  }
0x95: {  	[tilespmem:s12+$0xFFFFFFB0] =	vst v8;
	v8 =	vld [tilespmem:s12+$0x20];
	v7 =	vmul.f32 v7, v3  }
0x96: {  	v11 =	vld [tilespmem:s12+$0x30];
	[tilespmem:s12+$0xFFFFFFC0] =	vst v5;
	v4 =	vmul.f32 v4, v3  }
0x97: {  	v1 =	vld.idx.msk [tilespmem:v12+s31+$0x0], $0xffff;
	v3 =	vmul.f32 v6, v3;
	[tilespmem:s12+$0xFFFFFFD0] =	vst v7  }
0x98: {  	v5 =	vmul.f32 v9, v2;
	[tilespmem:s12+$0xFFFFFFE0] =	vst v4;
	v4 =	vld [tilespmem:s12+$0x50]  }
0x99: {  	s14 =	simm.s32 $0x4;
	v6 =	vmul.f32 v10, v2;
	[tilespmem:s12+$0xFFFFFFF0] =	vst v3;
	v3 =	vld [tilespmem:s12+$0x60]  }
0x9a: {  	s16 =	simm.s32 $0x7;
	v7 =	vmov s14;
	[tilespmem:s12+$0x0] =	vst v5;
	v9 =	vmul.f32 v8, v2;
	v8 =	vld [tilespmem:s12+$0x80]  }
0x9b: {  	s17 =	simm.s32 $0x5;
	v12 =	vand.u32 $0xFFFFFFFC, v7;
	v7 =	vld [tilespmem:s12+$0x90];
	v5 =	vmov s16;
	[tilespmem:s12+$0x10] =	vst v6;
	v10 =	vmul.f32 v11, v2  }
0x9c: {  	s13 =	simm.s32 $0x2300;
	s14 =	simm.s32 $0x8;
	v6 =	vbroadcast v12, $0x0;
	v12 =	vmov s17;
	s16 =	simm.s32 $0x6;
	v11 =	vmul.f32 v13, v2;
	[tilespmem:s12+$0x20] =	vst v9;
	v9 =	vld [tilespmem:s12+$0xA0]  }
.LBB2_5:
0x9d: {  	p0 =	slt.u32 s14, $0x7C;
	v12 =	vand.u32 $0xFFFFFFFD, v12;
	v13 =	vmov s16;
	[tilespmem:s12+$0x30] =	vst v10;
	v4 =	vmul.f32 v4, v2;
	v10 =	vld [tilespmem:s12+$0xB0]  }
0x9e: {  	v12 =	vbroadcast v12, $0x0;
	v13 =	vand.u32 $0xFFFFFFFE, v13;
	[tilespmem:s12+$0x40] =	vst v11;
	v2 =	vmul.f32 v3, v2;
	v3 =	vld [tilespmem:s12+$0xC0]  }
0x9f: {  	v11 =	vbroadcast v13, $0x0;
	[tilespmem:s12+$0x50] =	vst v4;
	v4 =	vmul.f32 v8, v1;
	v8 =	vld [tilespmem:s12+$0xD0]  }
0xa0: {  	[tilespmem:s12+$0x60] =	vst v2;
	v2 =	vmul.f32 v7, v1;
	v7 =	vld [tilespmem:s12+$0xE0]  }
0xa1: {  	[tilespmem:s12+$0x80] =	vst v4;
	v4 =	vmul.f32 v9, v1;
	v9 =	vld [tilespmem:s12+$0xF0]  }
0xa2: {  	v5 =	vld.idx.msk [tilespmem:v5+s31+$0x0], $0xffff;
	[tilespmem:s12+$0x90] =	vst v2;
	v2 =	vmul.f32 v10, v1  }
0xa3: {  	v6 =	vld.idx.msk [tilespmem:v6+s31+$0x0], $0xffff;
	[tilespmem:s12+$0xA0] =	vst v4;
	v3 =	vmul.f32 v3, v1  }
0xa4: {  	v4 =	vld.idx.msk [tilespmem:v12+s31+$0x0], $0xffff;
	[tilespmem:s12+$0xB0] =	vst v2;
	v8 =	vmul.f32 v8, v1  }
0xa5: {  	s12 =	sadd.s32 $0x200, s12;
	v2 =	vld.idx.msk [tilespmem:v11+s31+$0x0], $0xffff;
	[tilespmem:s13+$0xC0] =	vst v3;
	v3 =	vmul.f32 v7, v1  }
0xa6: {  	v7 =	vld [tilespmem:s12+$0x70];
	[tilespmem:s13+$0xD0] =	vst v8;
	v9 =	vmul.f32 v9, v1  }
0xa7: {  	v8 =	vld [tilespmem:s12+$0xFFFFFF00];
	[tilespmem:s13+$0xE0] =	vst v3  }
0xa8: {  	v1 =	vmov v5;
	v3 =	vld [tilespmem:s12+$0xFFFFFF10];
	[tilespmem:s13+$0xF0] =	vst v9;
	s13 =	smov.u32 s12  }
0xa9: {  	v5 =	vld [tilespmem:s12+$0xFFFFFF20]  }
0xaa: {  	v9 =	vld [tilespmem:s12+$0xFFFFFF30]  }
0xab: {  	v10 =	vld [tilespmem:s12+$0xFFFFFF40];
	v7 =	vmul.f32 v7, v2  }
0xac: {  	v8 =	vmul.f32 v8, v6;
	v11 =	vld [tilespmem:s12+$0xFFFFFF50]  }
0xad: {  	v3 =	vmul.f32 v3, v6;
	v12 =	vld [tilespmem:s12+$0xFFFFFF60];
	[tilespmem:s12+$0x70] =	vst v7  }
0xae: {  	[tilespmem:s12+$0xFFFFFF00] =	vst v8;
	v5 =	vmul.f32 v5, v6;
	v7 =	vld [tilespmem:s12+$0xFFFFFF70]  }
0xaf: {  	[tilespmem:s12+$0xFFFFFF10] =	vst v3;
	v3 =	vmul.f32 v9, v6;
	v8 =	vld [tilespmem:s12+$0xFFFFFF80]  }
0xb0: {  	[tilespmem:s12+$0xFFFFFF20] =	vst v5;
	v5 =	vmul.f32 v10, v6;
	v9 =	vld [tilespmem:s12+$0xFFFFFF90]  }
0xb1: {  	[tilespmem:s12+$0xFFFFFF30] =	vst v3;
	v3 =	vmul.f32 v11, v6;
	v10 =	vld [tilespmem:s12+$0xFFFFFFA0]  }
0xb2: {  	[tilespmem:s12+$0xFFFFFF40] =	vst v5;
	v5 =	vmul.f32 v12, v6;
	v11 =	vld [tilespmem:s12+$0xFFFFFFB0]  }
0xb3: {  	[tilespmem:s12+$0xFFFFFF50] =	vst v3;
	v3 =	vmul.f32 v7, v6;
	v6 =	vld [tilespmem:s12+$0xFFFFFFC0]  }
0xb4: {  	[tilespmem:s12+$0xFFFFFF60] =	vst v5;
	v5 =	vmul.f32 v8, v4;
	v7 =	vld [tilespmem:s12+$0xFFFFFFD0]  }
0xb5: {  	[tilespmem:s12+$0xFFFFFF70] =	vst v3;
	v3 =	vmul.f32 v9, v4;
	v8 =	vld [tilespmem:s12+$0xFFFFFFE0]  }
0xb6: {  	[tilespmem:s12+$0xFFFFFF80] =	vst v5;
	v5 =	vmul.f32 v10, v4;
	v9 =	vld [tilespmem:s12+$0xFFFFFFF0]  }
0xb7: {  	[tilespmem:s12+$0xFFFFFF90] =	vst v3;
	v3 =	vmul.f32 v11, v4;
	v10 =	vld [tilespmem:s12+$0x0]  }
0xb8: {  	[tilespmem:s12+$0xFFFFFFA0] =	vst v5;
	v5 =	vmul.f32 v6, v4;
	v6 =	vld [tilespmem:s12+$0x10]  }
0xb9: {  	[tilespmem:s12+$0xFFFFFFB0] =	vst v3;
	v3 =	vmul.f32 v7, v4;
	v7 =	vld [tilespmem:s12+$0x20]  }
0xba: {  	[tilespmem:s12+$0xFFFFFFC0] =	vst v5;
	v5 =	vmul.f32 v8, v4;
	v11 =	vld [tilespmem:s12+$0x30]  }
0xbb: {  	[tilespmem:s12+$0xFFFFFFD0] =	vst v3;
	v3 =	vmul.f32 v9, v4;
	v9 =	vld [tilespmem:s12+$0x40]  }
.Ltmp1:
0xbc: {  	[tilespmem:s12+$0xFFFFFFE0] =	vst v5;
	v5 =	vmul.f32 v10, v2;
	v4 =	vld [tilespmem:s12+$0x50];
	(pc) =	sbr.rel @p0 .LBB2_5-.Ltmp1, $4  }
0xbd: {  	[tilespmem:s12+$0xFFFFFFF0] =	vst v3;
	v6 =	vmul.f32 v6, v2;
	v3 =	vld [tilespmem:s12+$0x60]  }
0xbe: {  	s16 =	sadd.s32 $0x3, s14;
	v10 =	vmov s14;
	[tilespmem:s12+$0x0] =	vst v5;
	v13 =	vmul.f32 v7, v2;
	v8 =	vld [tilespmem:s12+$0x80]  }
0xbf: {  	s17 =	sadd.s32 $0x1, s14;
	v12 =	vand.u32 $0xFFFFFFFC, v10;
	v5 =	vmov s16;
	[tilespmem:s12+$0x10] =	vst v6;
	v10 =	vmul.f32 v11, v2;
	v7 =	vld [tilespmem:s12+$0x90]  }
0xc0: {  	s16 =	sadd.s32 $0x2, s14;
	s14 =	sadd.s32 $0x4, s14;
	v6 =	vbroadcast v12, $0x0;
	v12 =	vmov s17;
	[tilespmem:s12+$0x20] =	vst v13;
	v11 =	vmul.f32 v9, v2;
	v9 =	vld [tilespmem:s12+$0xA0]  }
0xc1: {  	v13 =	vld [tilespmem:s12+$0xB0]  }
0xc2: {  	v15 =	vld [tilespmem:s12+$0xC0]  }
0xc3: {  	v14 =	vmov s16;
	v16 =	vld [tilespmem:s12+$0xD0]  }
0xc4: {  	v17 =	vld [tilespmem:s12+$0xE0];
	[tilespmem:s12+$0x30] =	vst v10;
	v4 =	vmul.f32 v4, v2;
	v14 =	vand.u32 $0xFFFFFFFE, v14  }
0xc5: {  	v12 =	vand.u32 $0xFFFFFFFD, v12;
	v5 =	vld.idx.msk [tilespmem:v5+s31+$0x0], $0xffff;
	[tilespmem:s12+$0x40] =	vst v11;
	v2 =	vmul.f32 v3, v2;
	v14 =	vbroadcast v14, $0x0  }
0xc6: {  	s14 =	sadd.s32 $0x200, s12;
	v12 =	vbroadcast v12, $0x0;
	v3 =	vld.idx.msk [tilespmem:v6+s31+$0x0], $0xffff;
	v8 =	vmul.f32 v8, v1;
	[tilespmem:s12+$0x50] =	vst v4  }
0xc7: {  	v10 =	vld [tilespmem:s14+$0xFFFFFF00];
	v4 =	vmul.f32 v7, v1;
	[tilespmem:s12+$0x60] =	vst v2  }
0xc8: {  	[tilespmem:s12+$0x80] =	vst v8;
	v8 =	vld [tilespmem:s12+$0xF0];
	v2 =	vmul.f32 v9, v1  }
0xc9: {  	v11 =	vld [tilespmem:s14+$0xFFFFFF10];
	[tilespmem:s12+$0x90] =	vst v4;
	v4 =	vmul.f32 v13, v1  }
0xca: {  	v9 =	vld [tilespmem:s14+$0x70];
	[tilespmem:s12+$0xA0] =	vst v2;
	v2 =	vmul.f32 v15, v1  }
0xcb: {  	[tilespmem:s12+$0xB0] =	vst v4;
	v4 =	vmul.f32 v16, v1;
	v7 =	vld.idx.msk [tilespmem:v14+s31+$0x0], $0xffff  }
0xcc: {  	v6 =	vld.idx.msk [tilespmem:v12+s31+$0x0], $0xffff;
	[tilespmem:s13+$0xC0] =	vst v2;
	v2 =	vmul.f32 v17, v1  }
0xcd: {  	v12 =	vld [tilespmem:s14+$0xFFFFFF20];
	[tilespmem:s13+$0xD0] =	vst v4;
	v1 =	vmul.f32 v8, v1  }
0xce: {  	v4 =	vld [tilespmem:s14+$0xFFFFFF30];
	[tilespmem:s13+$0xE0] =	vst v2  }
0xcf: {  	v2 =	vld [tilespmem:s14+$0xFFFFFF40];
	[tilespmem:s13+$0xF0] =	vst v1;
	v1 =	vmul.f32 v10, v3  }
0xd0: {  	v8 =	vmul.f32 v9, v7;
	v9 =	vld [tilespmem:s14+$0xFFFFFF50]  }
0xd1: {  	v10 =	vmul.f32 v11, v3;
	v11 =	vld [tilespmem:s14+$0xFFFFFF60];
	[tilespmem:s14+$0xFFFFFF00] =	vst v1  }
0xd2: {  	v1 =	vmul.f32 v12, v3;
	[tilespmem:s14+$0x70] =	vst v8;
	v8 =	vld [tilespmem:s14+$0xFFFFFF70]  }
0xd3: {  	[tilespmem:s14+$0xFFFFFF10] =	vst v10;
	v10 =	vld [tilespmem:s14+$0xFFFFFF80];
	v4 =	vmul.f32 v4, v3  }
0xd4: {  	[tilespmem:s14+$0xFFFFFF20] =	vst v1;
	v1 =	vmul.f32 v2, v3;
	v2 =	vld [tilespmem:s14+$0xFFFFFF90]  }
0xd5: {  	[tilespmem:s14+$0xFFFFFF30] =	vst v4;
	v4 =	vmul.f32 v9, v3;
	v9 =	vld [tilespmem:s14+$0xFFFFFFA0]  }
0xd6: {  	[tilespmem:s14+$0xFFFFFF40] =	vst v1;
	v1 =	vmul.f32 v11, v3;
	v11 =	vld [tilespmem:s14+$0xFFFFFFB0]  }
0xd7: {  	[tilespmem:s14+$0xFFFFFF50] =	vst v4;
	v3 =	vmul.f32 v8, v3;
	v4 =	vld [tilespmem:s14+$0xFFFFFFC0]  }
0xd8: {  	[tilespmem:s14+$0xFFFFFF60] =	vst v1;
	v1 =	vmul.f32 v10, v6;
	v8 =	vld [tilespmem:s14+$0xFFFFFFD0]  }
0xd9: {  	v2 =	vmul.f32 v2, v6;
	[tilespmem:s14+$0xFFFFFF70] =	vst v3;
	v3 =	vld [tilespmem:s14+$0xFFFFFFE0]  }
0xda: {  	[tilespmem:s14+$0xFFFFFF80] =	vst v1;
	v1 =	vmul.f32 v9, v6;
	v9 =	vld [tilespmem:s14+$0xFFFFFFF0]  }
0xdb: {  	v10 =	vld [tilespmem:s14+$0x0];
	[tilespmem:s14+$0xFFFFFF90] =	vst v2;
	v2 =	vmul.f32 v11, v6  }
0xdc: {  	[tilespmem:s14+$0xFFFFFFA0] =	vst v1;
	v1 =	vmul.f32 v4, v6;
	v4 =	vld [tilespmem:s14+$0x10]  }
0xdd: {  	[tilespmem:s14+$0xFFFFFFB0] =	vst v2;
	v2 =	vmul.f32 v8, v6;
	v8 =	vld [tilespmem:s14+$0x20]  }
0xde: {  	[tilespmem:s14+$0xFFFFFFC0] =	vst v1;
	v1 =	vmul.f32 v3, v6;
	v3 =	vld [tilespmem:s14+$0x30]  }
0xdf: {  	[tilespmem:s14+$0xFFFFFFD0] =	vst v2;
	v2 =	vmul.f32 v9, v6;
	v6 =	vld [tilespmem:s14+$0x40]  }
0xe0: {  	v9 =	vld [tilespmem:s14+$0x50];
	[tilespmem:s14+$0xFFFFFFE0] =	vst v1;
	v1 =	vmul.f32 v10, v7  }
0xe1: {  	[tilespmem:s14+$0xFFFFFFF0] =	vst v2;
	v2 =	vmul.f32 v4, v7;
	v4 =	vld [tilespmem:s14+$0x60]  }
0xe2: {  	[tilespmem:s14+$0x0] =	vst v1;
	v1 =	vmul.f32 v8, v7;
	v8 =	vld [tilespmem:s14+$0x80]  }
0xe3: {  	[tilespmem:s14+$0x10] =	vst v2;
	v2 =	vmul.f32 v3, v7;
	v3 =	vld [tilespmem:s14+$0x90]  }
0xe4: {  	[tilespmem:s14+$0x20] =	vst v1;
	v1 =	vmul.f32 v6, v7;
	v6 =	vld [tilespmem:s14+$0xA0]  }
0xe5: {  	[tilespmem:s14+$0x30] =	vst v2;
	v2 =	vmul.f32 v9, v7;
	v9 =	vld [tilespmem:s14+$0xB0]  }
0xe6: {  	[tilespmem:s14+$0x40] =	vst v1;
	v1 =	vmul.f32 v4, v7;
	v4 =	vld [tilespmem:s14+$0xC0]  }
0xe7: {  	v7 =	vld [tilespmem:s14+$0xD0];
	[tilespmem:s14+$0x50] =	vst v2;
	v2 =	vmul.f32 v8, v5  }
0xe8: {  	[tilespmem:s14+$0x60] =	vst v1;
	v1 =	vmul.f32 v3, v5;
	v3 =	vld [tilespmem:s14+$0xE0]  }
0xe9: {  	[tilespmem:s14+$0x80] =	vst v2;
	v2 =	vmul.f32 v6, v5;
	v6 =	vld [tilespmem:s14+$0xF0]  }
0xea: {  	[tilespmem:s14+$0x90] =	vst v1;
	v1 =	vmul.f32 v9, v5  }
0xeb: {  	[tilespmem:s14+$0xA0] =	vst v2;
	v2 =	vmul.f32 v4, v5  }
0xec: {  	[tilespmem:s14+$0xB0] =	vst v1;
	v1 =	vmul.f32 v7, v5  }
0xed: {  	[tilespmem:s14+$0xC0] =	vst v2;
	v2 =	vmul.f32 v3, v5  }
0xee: {  	[tilespmem:s14+$0xD0] =	vst v1;
	v1 =	vmul.f32 v6, v5  }
0xef: {  	[tilespmem:s14+$0xE0] =	vst v2  }
0xf0: {  	[tilespmem:s14+$0xF0] =	vst v1  }
0xf1: {  	[spmem:s3] =	stream.indirect.scatter.add.f32 [tilespmem:s24], [sflag:$0x3], $0x80, s4, s22, $0xb8;
	[tilespmem:$0x1E280] =	vst v63  }
0xf2: {  	_ =	swait.ge [sflag:s19], $0x4000  }
0xf3: {  	[sflag:s19] =	ssyncset.done $0x0  }
0xf4: {  	[sflag:s19] =	ssyncadd.s32 $0xFFFFC000  }
0xf5: {  	_ =	swait.ge [sflag:s0], $0x800  }
0xf6: {  	[sflag:s0] =	ssyncset.done $0x0  }
0xf7: {  	[sflag:s0] =	ssyncadd.s32 $0xFFFFF800  }
0xf8: {  	p0 =	seq.s32 s20, $0x27;
	_ =	swait.ge [sflag:s0], $0x800  }
0xf9: {  	s9 =	sadd.s32 @!p0 $0x2, s9;
	[sflag:s0] =	ssyncset.done $0x0  }
0xfa: {  	s12 =	sadd.s32 @!p0 s11, s9;
	[sflag:s0] =	ssyncadd.s32 $0xFFFFF800  }
0xfb: {  	s12 =	sshll.u32 @!p0 s12, $0x4;
	_ =	swait.ge [sflag:s0], $0x4000  }
0xfc: {  	s12 =	sand.u32 @!p0 $0x1FFFFFE0, s12;
	[sflag:s0] =	ssyncset.done $0x0  }
0xfd: {  	s13 =	sadd.s32 @!p0 s5, s12;
	s14 =	simm.s32 @!p0 $0x0;
	[sflag:s0] =	ssyncadd.s32 $0xFFFFC000  }
0xfe: {  	[tilespmem:s14], [sflag:$0x3] =	stream.linear.gather @!p0 [hbm4b:s13+s14], $0x80, $0x38;
	[tilespmem:$0x1E280] =	vst v63  }
0xff: {  	s13 =	simm.s32 @!p0 $0x3  }
0x100: {  	_ =	swait.ge @!p0 [sflag:s13], $0x80  }
0x101: {  	s16 =	simm.s32 @!p0 $0x100;
	[sflag:s13] =	ssyncset.done @!p0 $0x0  }
0x102: {  	s9 =	sshll.u32 @!p0 s9, $0xB;
	s12 =	sadd.s32 @!p0 s1, s12;
	[sflag:s13] =	ssyncadd.s32 @!p0 $0xFFFFFF80  }
0x103: {  	[tilespmem:s16], [sflag:$0x3] =	stream.linear.gather @!p0 [hbm4b:s12+s14], $0x80, $0x38;
	[tilespmem:$0x1E280] =	vst v63  }
0x104: {  	s17 =	simm.s32 $0x0;
	s9 =	sadd.s32 @!p0 s15, s9;
	_ =	swait.ge @!p0 [sflag:s13], $0x80  }
0x105: {  	s9 =	sshrl.u32 @!p0 s9, $0x3;
	v1 =	vmov s17;
	s17 =	simm.s32 $0x10;
	[sflag:s13] =	ssyncset.done @!p0 $0x0  }
0x106: {  	s9 =	sadd.s32 @!p0 s7, s9;
	v2 =	vshll.u32 v1, $0x4;
	v3 =	vmov s17;
	[sflag:s13] =	ssyncadd.s32 @!p0 $0xFFFFFF80;
	s13 =	simm.s32 @!p0 $0x200  }
0x107: {  	v2 =	vor.u32 v0, v2;
	v3 =	vshll.u32 v3, $0x4;
	[tilespmem:s13], [sflag:$0x1] =	stream.linear.gather @!p0 [hbm4b:s9+s14], $0x800, $0x38;
	[tilespmem:$0x1E280] =	vst v63  }
0x108: {  	v3 =	vor.u32 v0, v3;
	s12 =	simm.s32 @!p0 $0x1200;
	s9 =	simm.s32 @!p0 $0x80  }
0x109: {  	v4 =	vor.u32 $0x3, v3;
	[tilespmem:s12], [sflag:$0x1] =	stream.indirect.gather @!p0 [hbm4b:s8+s9], $0x10, s14, s9, $0xb8;
	[tilespmem:$0x1E280] =	vst v63  }
0x10a: {  	s12 =	simm.s32 @!p0 $0x2200  }
0x10b: {  	v5 =	vor.u32 $0x2, v3;
	[tilespmem:s12], [sflag:$0x1] =	stream.indirect.gather @!p0 [hbm4b:s6+s9], $0x80, s16, s9, $0xb8;
	[tilespmem:$0x1E280] =	vst v63  }
0x10c: {  	v10 =	vld.idx.msk [tilespmem:v2+s28+$0x0], $0xffff  }
0x10d: {  	v6 =	vor.u32 $0x2, v2;
	v11 =	vld.idx.msk [tilespmem:v3+s29+$0x0], $0xffff  }
0x10e: {  	v15 =	vld.idx.msk [tilespmem:v4+s28+$0x0], $0xffff  }
0x10f: {  	v16 =	vld.idx.msk [tilespmem:v4+s29+$0x0], $0xffff  }
0x110: {  	v8 =	vor.u32 $0x1, v2;
	v12 =	vld.idx.msk [tilespmem:v5+s29+$0x0], $0xffff  }
0x111: {  	v5 =	vld.idx.msk [tilespmem:v5+s28+$0x0], $0xffff  }
0x112: {  	v17 =	vld.idx.msk [tilespmem:v6+s29+$0x0], $0xffff  }
0x113: {  	v4 =	vor.u32 $0x1, v3;
	v13 =	vld.idx.msk [tilespmem:v2+s29+$0x0], $0xffff  }
0x114: {  	s16 =	simm.s32 $0x20;
	v18 =	vld.idx.msk [tilespmem:v3+s28+$0x0], $0xffff  }
0x115: {  	s17 =	simm.s32 $0x30;
	v7 =	vmov s16;
	v2 =	vor.u32 $0x3, v2;
	v20 =	vld.idx.msk [tilespmem:v8+s29+$0x0], $0xffff  }
0x116: {  	v3 =	vmov s17;
	v21 =	vld.idx.msk [tilespmem:v8+s28+$0x0], $0xffff;
	v7 =	vshll.u32 v7, $0x4  }
0x117: {  	v22 =	vld.idx.msk [tilespmem:v6+s28+$0x0], $0xffff;
	v3 =	vshll.u32 v3, $0x4;
	v7 =	vor.u32 v0, v7  }
0x118: {  	v8 =	vor.u32 v0, v3;
	v19 =	vld.idx.msk [tilespmem:v4+s29+$0x0], $0xffff  }
0x119: {  	v23 =	vor.u32 $0x3, v8;
	v24 =	vld.idx.msk [tilespmem:v4+s28+$0x0], $0xffff  }
0x11a: {  	v26 =	vld.idx.msk [tilespmem:v2+s29+$0x0], $0xffff  }
0x11b: {  	v25 =	vor.u32 $0x2, v8;
	v27 =	vld.idx.msk [tilespmem:v2+s28+$0x0], $0xffff  }
0x11c: {  	v3 =	vld.idx.msk [tilespmem:v7+s28+$0x0], $0xffff  }
0x11d: {  	v6 =	vor.u32 $0x2, v7;
	v9 =	vld.idx.msk [tilespmem:v8+s29+$0x0], $0xffff  }
0x11e: {  	v14 =	vmul.f32 v12, v5;
	v2 =	vld.idx.msk [tilespmem:v23+s28+$0x0], $0xffff  }
0x11f: {  	v5 =	vor.u32 $0x3, v7;
	v28 =	vmul.f32 v13, v10;
	v29 =	vmul.f32 v11, v18;
	v4 =	vld.idx.msk [tilespmem:v23+s29+$0x0], $0xffff  }
0x120: {  	v10 =	vor.u32 $0x1, v8;
	v11 =	vmul.f32 v20, v21;
	v13 =	vld.idx.msk [tilespmem:v25+s29+$0x0], $0xffff;
	v20 =	vmul.f32 v19, v24  }
0x121: {  	v12 =	vor.u32 $0x1, v7;
	v16 =	vmul.f32 v16, v15;
	v18 =	vmul.f32 v17, v22;
	v15 =	vld.idx.msk [tilespmem:v25+s28+$0x0], $0xffff  }
0x122: {  	s14 =	simm.s32 $0x40;
	s9 =	simm.s32 $0xA210;
	s12 =	simm.s32 $0xA210;
	v19 =	vadd.f32 v11, v28;
	v11 =	vld.idx.msk [tilespmem:v6+s29+$0x0], $0xffff;
	v17 =	vmul.f32 v26, v27;
	v20 =	vadd.f32 v20, v29  }
.LBB2_7:
0x123: {  	s13 =	smov.u32 s14  }
0x124: {  	v21 =	vmov s14;
	s16 =	sadd.s32 $0x10, s14;
	v22 =	vld.idx.msk [tilespmem:v7+s29+$0x0], $0xffff;
	v18 =	vadd.f32 v18, v19;
	s9 =	sadd.s32 $0x20, s9;
	s13 =	sadd.s32 $0x20, s14  }
0x125: {  	p0 =	slt.u32 s14, $0x60;
	v7 =	vshll.u32 v21, $0x4;
	v19 =	vmov s16;
	v14 =	vadd.f32 v14, v20;
	v21 =	vld.idx.msk [tilespmem:v8+s28+$0x0], $0xffff  }
0x126: {  	v7 =	vor.u32 v0, v7;
	v8 =	vshll.u32 v19, $0x4;
	v17 =	vadd.f32 v17, v18;
	v19 =	vld.idx.msk [tilespmem:v10+s29+$0x0], $0xffff  }
0x127: {  	v18 =	vor.u32 $0x2, v7;
	v8 =	vor.u32 v0, v8;
	v14 =	vadd.f32 v16, v14;
	v20 =	vld.idx.msk [tilespmem:v12+s29+$0x0], $0xffff  }
0x128: {  	v16 =	vor.u32 $0x3, v7;
	v23 =	vor.u32 $0x1, v8;
	v24 =	vor.u32 $0x2, v8;
	v25 =	vld.idx.msk [tilespmem:v12+s28+$0x0], $0xffff  }
0x129: {  	v17 =	vmul.f32 $2.500000000e-01, v17;
	v12 =	vor.u32 $0x1, v7;
	v27 =	vmul.f32 $2.500000000e-01, v14;
	v26 =	vld.idx.msk [tilespmem:v6+s28+$0x0], $0xffff;
	v6 =	vmovc v18  }
0x12a: {  	v14 =	vmul.f32 v13, v15;
	v18 =	vor.u32 $0x3, v8;
	v28 =	vld.idx.msk [tilespmem:v10+s28+$0x0], $0xffff;
	v10 =	vmov v23  }
0x12b: {  	v22 =	vmul.f32 v22, v3;
	v21 =	vmul.f32 v9, v21;
	v3 =	vld.idx.msk [tilespmem:v7+s28+$0x0], $0xffff;
	[tilespmem:s12+$0x0] =	vst v27  }
0x12c: {  	v23 =	vld.idx.msk [tilespmem:v5+s29+$0x0], $0xffff;
	[tilespmem:s12+$0xFFFFFFF0] =	vst v17;
	s12 =	smov.u32 s9  }
0x12d: {  	v17 =	vld.idx.msk [tilespmem:v5+s28+$0x0], $0xffff;
	v5 =	vmov v16  }
0x12e: {  	v9 =	vld.idx.msk [tilespmem:v8+s29+$0x0], $0xffff  }
.Ltmp2:
0x12f: {  	v16 =	vmul.f32 v4, v2;
	v2 =	vld.idx.msk [tilespmem:v18+s28+$0x0], $0xffff;
	(pc) =	sbr.rel @p0 .LBB2_7-.Ltmp2, $4  }
0x130: {  	v20 =	vmul.f32 v20, v25;
	v4 =	vld.idx.msk [tilespmem:v18+s29+$0x0], $0xffff;
	v18 =	vmul.f32 v11, v26  }
0x131: {  	v25 =	vmul.f32 v19, v28;
	v13 =	vld.idx.msk [tilespmem:v24+s29+$0x0], $0xffff  }
0x132: {  	v19 =	vadd.f32 v20, v22;
	v15 =	vld.idx.msk [tilespmem:v24+s28+$0x0], $0xffff  }
0x133: {  	s14 =	smov.u32 s13;
	v20 =	vadd.f32 v25, v21;
	v17 =	vmul.f32 v23, v17;
	v11 =	vld.idx.msk [tilespmem:v6+s29+$0x0], $0xffff  }
0x134: {  	_ =	sdelay $0x3  }
0x135: {  	v7 =	vld.idx.msk [tilespmem:v7+s29+$0x0], $0xffff  }
0x136: {  	v8 =	vld.idx.msk [tilespmem:v8+s28+$0x0], $0xffff  }
0x137: {  	v21 =	vld.idx.msk [tilespmem:v10+s29+$0x0], $0xffff  }
0x138: {  	v22 =	vld.idx.msk [tilespmem:v12+s29+$0x0], $0xffff  }
0x139: {  	v10 =	vld.idx.msk [tilespmem:v10+s28+$0x0], $0xffff  }
0x13a: {  	v12 =	vld.idx.msk [tilespmem:v12+s28+$0x0], $0xffff  }
0x13b: {  	v6 =	vld.idx.msk [tilespmem:v6+s28+$0x0], $0xffff  }
0x13c: {  	v23 =	vld.idx.msk [tilespmem:v5+s29+$0x0], $0xffff  }
0x13d: {  	v5 =	vld.idx.msk [tilespmem:v5+s28+$0x0], $0xffff  }
0x13e: {  	v18 =	vadd.f32 v18, v19;
	v8 =	vmul.f32 v9, v8;
	v9 =	vmul.f32 v21, v10  }
0x13f: {  	v1 =	vand.u32 $0xFFFFFFFC, v1;
	v3 =	vmul.f32 v7, v3;
	v7 =	vmul.f32 v22, v12  }
0x140: {  	v14 =	vadd.f32 v14, v20;
	v13 =	vmul.f32 v13, v15;
	v8 =	vadd.f32 v9, v8  }
0x141: {  	v2 =	vmul.f32 v4, v2;
	v6 =	vmul.f32 v11, v6;
	v3 =	vadd.f32 v7, v3  }
0x142: {  	v10 =	vadd.f32 v16, v14;
	v4 =	vmul.f32 v23, v5;
	v5 =	vadd.f32 v13, v8  }
0x143: {  	s13 =	simm.s32 $0x2;
	v1 =	vbroadcast v1, $0x0;
	v12 =	vadd.f32 v17, v18;
	v3 =	vadd.f32 v6, v3  }
0x144: {  	v9 =	vmul.f32 $2.500000000e-01, v10;
	v6 =	vmov s13;
	v2 =	vadd.f32 v2, v5  }
0x145: {  	v5 =	vand.u32 $0xFFFFFFFE, v6;
	v6 =	vmul.f32 $2.500000000e-01, v12;
	v3 =	vadd.f32 v4, v3  }
0x146: {  	[tilespmem:s12+$0x0] =	vst v9;
	v2 =	vmul.f32 $2.500000000e-01, v2  }
0x147: {  	s9 =	sadd.s32 $0x20, s9;
	[tilespmem:s12+$0xFFFFFFF0] =	vst v6;
	v3 =	vmul.f32 $2.500000000e-01, v3  }
0x148: {  	v4 =	vbroadcast v5, $0x0;
	[tilespmem:s9+$0x0] =	vst v2  }
0x149: {  	[tilespmem:s9+$0xFFFFFFF0] =	vst v3  }
0x14a: {  	s9 =	simm.s32 $0x6300;
	v1 =	vld.idx.msk [tilespmem:v1+s31+$0x0], $0xffff  }
0x14b: {  	v5 =	vld [tilespmem:s9+$0xFFFFFF00]  }
0x14c: {  	v6 =	vld [tilespmem:s9+$0xFFFFFF10]  }
0x14d: {  	s17 =	simm.s32 $0x1;
	v7 =	vld [tilespmem:s9+$0xFFFFFF20]  }
0x14e: {  	v3 =	vmov s17;
	v2 =	vld.idx.msk [tilespmem:v4+s31+$0x0], $0xffff  }
0x14f: {  	v3 =	vand.u32 $0xFFFFFFFD, v3;
	v4 =	vld [tilespmem:s9+$0x70]  }
0x150: {  	v8 =	vld [tilespmem:s9+$0xFFFFFF30];
	v3 =	vbroadcast v3, $0x0  }
0x151: {  	v9 =	vld [tilespmem:s9+$0xFFFFFF40]  }
0x152: {  	v10 =	vld [tilespmem:s9+$0xFFFFFF50]  }
0x153: {  	v11 =	vld [tilespmem:s9+$0xFFFFFF60];
	v5 =	vmul.f32 v5, v1  }
0x154: {  	v13 =	vld [tilespmem:s9+$0x40];
	v4 =	vmul.f32 v4, v2  }
0x155: {  	[tilespmem:s9+$0xFFFFFF00] =	vst v5;
	v5 =	vmul.f32 v6, v1;
	v6 =	vld [tilespmem:s9+$0xFFFFFF70]  }
0x156: {  	v3 =	vld.idx.msk [tilespmem:v3+s31+$0x0], $0xffff;
	[tilespmem:s9+$0x70] =	vst v4;
	v4 =	vmul.f32 v7, v1  }
0x157: {  	v7 =	vld [tilespmem:s9+$0xFFFFFF80];
	[tilespmem:s9+$0xFFFFFF10] =	vst v5;
	v5 =	vmul.f32 v8, v1  }
0x158: {  	v8 =	vld [tilespmem:s9+$0xFFFFFF90];
	[tilespmem:s9+$0xFFFFFF20] =	vst v4;
	v4 =	vmul.f32 v9, v1  }
0x159: {  	v9 =	vld [tilespmem:s9+$0xFFFFFFA0];
	[tilespmem:s9+$0xFFFFFF30] =	vst v5;
	v5 =	vmul.f32 v10, v1  }
0x15a: {  	v10 =	vld [tilespmem:s9+$0xFFFFFFB0];
	v6 =	vmul.f32 v6, v1;
	[tilespmem:s9+$0xFFFFFF40] =	vst v4  }
0x15b: {  	v4 =	vmul.f32 v11, v1;
	v11 =	vld [tilespmem:s9+$0xFFFFFFC0];
	[tilespmem:s9+$0xFFFFFF50] =	vst v5  }
0x15c: {  	v5 =	vmul.f32 v7, v3;
	v7 =	vld [tilespmem:s9+$0xFFFFFFD0];
	[tilespmem:s9+$0xFFFFFF70] =	vst v6  }
0x15d: {  	s13 =	simm.s32 $0x3;
	v8 =	vmul.f32 v8, v3;
	[tilespmem:s9+$0xFFFFFF60] =	vst v4;
	v4 =	vld [tilespmem:s9+$0xFFFFFFE0]  }
0x15e: {  	v12 =	vmov s13;
	v6 =	vld [tilespmem:s9+$0xFFFFFFF0];
	[tilespmem:s9+$0xFFFFFF80] =	vst v5;
	v5 =	vmul.f32 v9, v3  }
0x15f: {  	[tilespmem:s9+$0xFFFFFF90] =	vst v8;
	v8 =	vmul.f32 v10, v3;
	v9 =	vld [tilespmem:s9+$0x0]  }
0x160: {  	v10 =	vld [tilespmem:s9+$0x10];
	[tilespmem:s9+$0xFFFFFFA0] =	vst v5;
	v5 =	vmul.f32 v11, v3  }
0x161: {  	[tilespmem:s9+$0xFFFFFFB0] =	vst v8;
	v8 =	vld [tilespmem:s9+$0x20];
	v7 =	vmul.f32 v7, v3  }
0x162: {  	v11 =	vld [tilespmem:s9+$0x30];
	[tilespmem:s9+$0xFFFFFFC0] =	vst v5;
	v4 =	vmul.f32 v4, v3  }
0x163: {  	v1 =	vld.idx.msk [tilespmem:v12+s31+$0x0], $0xffff;
	v3 =	vmul.f32 v6, v3;
	[tilespmem:s9+$0xFFFFFFD0] =	vst v7  }
0x164: {  	v5 =	vmul.f32 v9, v2;
	[tilespmem:s9+$0xFFFFFFE0] =	vst v4;
	v4 =	vld [tilespmem:s9+$0x50]  }
0x165: {  	s14 =	simm.s32 $0x4;
	v6 =	vmul.f32 v10, v2;
	[tilespmem:s9+$0xFFFFFFF0] =	vst v3;
	v3 =	vld [tilespmem:s9+$0x60]  }
0x166: {  	s16 =	simm.s32 $0x7;
	v7 =	vmov s14;
	[tilespmem:s9+$0x0] =	vst v5;
	v9 =	vmul.f32 v8, v2;
	v8 =	vld [tilespmem:s9+$0x80]  }
0x167: {  	s17 =	simm.s32 $0x5;
	v12 =	vand.u32 $0xFFFFFFFC, v7;
	v7 =	vld [tilespmem:s9+$0x90];
	v5 =	vmov s16;
	[tilespmem:s9+$0x10] =	vst v6;
	v10 =	vmul.f32 v11, v2  }
0x168: {  	s13 =	simm.s32 $0x8;
	s12 =	simm.s32 $0x6300;
	s14 =	simm.s32 $0x6;
	v6 =	vbroadcast v12, $0x0;
	v12 =	vmov s17;
	v11 =	vmul.f32 v13, v2;
	[tilespmem:s9+$0x20] =	vst v9;
	v9 =	vld [tilespmem:s9+$0xA0]  }
.LBB2_9:
0x169: {  	p0 =	slt.u32 s13, $0x7C;
	v12 =	vand.u32 $0xFFFFFFFD, v12;
	v13 =	vmov s14;
	[tilespmem:s9+$0x30] =	vst v10;
	v4 =	vmul.f32 v4, v2;
	v10 =	vld [tilespmem:s9+$0xB0]  }
0x16a: {  	v12 =	vbroadcast v12, $0x0;
	v13 =	vand.u32 $0xFFFFFFFE, v13;
	[tilespmem:s9+$0x40] =	vst v11;
	v2 =	vmul.f32 v3, v2;
	v3 =	vld [tilespmem:s9+$0xC0]  }
0x16b: {  	v11 =	vbroadcast v13, $0x0;
	[tilespmem:s9+$0x50] =	vst v4;
	v4 =	vmul.f32 v8, v1;
	v8 =	vld [tilespmem:s9+$0xD0]  }
0x16c: {  	[tilespmem:s9+$0x60] =	vst v2;
	v2 =	vmul.f32 v7, v1;
	v7 =	vld [tilespmem:s9+$0xE0]  }
0x16d: {  	[tilespmem:s9+$0x80] =	vst v4;
	v4 =	vmul.f32 v9, v1;
	v9 =	vld [tilespmem:s9+$0xF0]  }
0x16e: {  	v5 =	vld.idx.msk [tilespmem:v5+s31+$0x0], $0xffff;
	[tilespmem:s9+$0x90] =	vst v2;
	v2 =	vmul.f32 v10, v1  }
0x16f: {  	v6 =	vld.idx.msk [tilespmem:v6+s31+$0x0], $0xffff;
	[tilespmem:s9+$0xA0] =	vst v4;
	v3 =	vmul.f32 v3, v1  }
0x170: {  	v4 =	vld.idx.msk [tilespmem:v12+s31+$0x0], $0xffff;
	[tilespmem:s9+$0xB0] =	vst v2;
	v8 =	vmul.f32 v8, v1  }
0x171: {  	s9 =	sadd.s32 $0x200, s9;
	v2 =	vld.idx.msk [tilespmem:v11+s31+$0x0], $0xffff;
	[tilespmem:s12+$0xC0] =	vst v3;
	v3 =	vmul.f32 v7, v1  }
0x172: {  	v7 =	vld [tilespmem:s9+$0x70];
	[tilespmem:s12+$0xD0] =	vst v8;
	v9 =	vmul.f32 v9, v1  }
0x173: {  	v8 =	vld [tilespmem:s9+$0xFFFFFF00];
	[tilespmem:s12+$0xE0] =	vst v3  }
0x174: {  	v1 =	vmov v5;
	v3 =	vld [tilespmem:s9+$0xFFFFFF10];
	[tilespmem:s12+$0xF0] =	vst v9;
	s12 =	smov.u32 s9  }
0x175: {  	v5 =	vld [tilespmem:s9+$0xFFFFFF20]  }
0x176: {  	v9 =	vld [tilespmem:s9+$0xFFFFFF30]  }
0x177: {  	v10 =	vld [tilespmem:s9+$0xFFFFFF40];
	v7 =	vmul.f32 v7, v2  }
0x178: {  	v8 =	vmul.f32 v8, v6;
	v11 =	vld [tilespmem:s9+$0xFFFFFF50]  }
0x179: {  	v3 =	vmul.f32 v3, v6;
	v12 =	vld [tilespmem:s9+$0xFFFFFF60];
	[tilespmem:s9+$0x70] =	vst v7  }
0x17a: {  	[tilespmem:s9+$0xFFFFFF00] =	vst v8;
	v5 =	vmul.f32 v5, v6;
	v7 =	vld [tilespmem:s9+$0xFFFFFF70]  }
0x17b: {  	[tilespmem:s9+$0xFFFFFF10] =	vst v3;
	v3 =	vmul.f32 v9, v6;
	v8 =	vld [tilespmem:s9+$0xFFFFFF80]  }
0x17c: {  	[tilespmem:s9+$0xFFFFFF20] =	vst v5;
	v5 =	vmul.f32 v10, v6;
	v9 =	vld [tilespmem:s9+$0xFFFFFF90]  }
0x17d: {  	[tilespmem:s9+$0xFFFFFF30] =	vst v3;
	v3 =	vmul.f32 v11, v6;
	v10 =	vld [tilespmem:s9+$0xFFFFFFA0]  }
0x17e: {  	[tilespmem:s9+$0xFFFFFF40] =	vst v5;
	v5 =	vmul.f32 v12, v6;
	v11 =	vld [tilespmem:s9+$0xFFFFFFB0]  }
0x17f: {  	[tilespmem:s9+$0xFFFFFF50] =	vst v3;
	v3 =	vmul.f32 v7, v6;
	v6 =	vld [tilespmem:s9+$0xFFFFFFC0]  }
0x180: {  	[tilespmem:s9+$0xFFFFFF60] =	vst v5;
	v5 =	vmul.f32 v8, v4;
	v7 =	vld [tilespmem:s9+$0xFFFFFFD0]  }
0x181: {  	[tilespmem:s9+$0xFFFFFF70] =	vst v3;
	v3 =	vmul.f32 v9, v4;
	v8 =	vld [tilespmem:s9+$0xFFFFFFE0]  }
0x182: {  	[tilespmem:s9+$0xFFFFFF80] =	vst v5;
	v5 =	vmul.f32 v10, v4;
	v9 =	vld [tilespmem:s9+$0xFFFFFFF0]  }
0x183: {  	[tilespmem:s9+$0xFFFFFF90] =	vst v3;
	v3 =	vmul.f32 v11, v4;
	v10 =	vld [tilespmem:s9+$0x0]  }
0x184: {  	[tilespmem:s9+$0xFFFFFFA0] =	vst v5;
	v5 =	vmul.f32 v6, v4;
	v6 =	vld [tilespmem:s9+$0x10]  }
0x185: {  	[tilespmem:s9+$0xFFFFFFB0] =	vst v3;
	v3 =	vmul.f32 v7, v4;
	v7 =	vld [tilespmem:s9+$0x20]  }
0x186: {  	[tilespmem:s9+$0xFFFFFFC0] =	vst v5;
	v5 =	vmul.f32 v8, v4;
	v11 =	vld [tilespmem:s9+$0x30]  }
0x187: {  	[tilespmem:s9+$0xFFFFFFD0] =	vst v3;
	v3 =	vmul.f32 v9, v4;
	v9 =	vld [tilespmem:s9+$0x40]  }
.Ltmp3:
0x188: {  	[tilespmem:s9+$0xFFFFFFE0] =	vst v5;
	v5 =	vmul.f32 v10, v2;
	v4 =	vld [tilespmem:s9+$0x50];
	(pc) =	sbr.rel @p0 .LBB2_9-.Ltmp3, $4  }
0x189: {  	[tilespmem:s9+$0xFFFFFFF0] =	vst v3;
	v6 =	vmul.f32 v6, v2;
	v3 =	vld [tilespmem:s9+$0x60]  }
0x18a: {  	s14 =	sadd.s32 $0x3, s13;
	v10 =	vmov s13;
	[tilespmem:s9+$0x0] =	vst v5;
	v13 =	vmul.f32 v7, v2;
	v8 =	vld [tilespmem:s9+$0x80]  }
0x18b: {  	s16 =	sadd.s32 $0x1, s13;
	v12 =	vand.u32 $0xFFFFFFFC, v10;
	v5 =	vmov s14;
	[tilespmem:s9+$0x10] =	vst v6;
	v10 =	vmul.f32 v11, v2;
	v7 =	vld [tilespmem:s9+$0x90]  }
0x18c: {  	s14 =	sadd.s32 $0x2, s13;
	s13 =	sadd.s32 $0x4, s13;
	v6 =	vbroadcast v12, $0x0;
	v12 =	vmov s16;
	[tilespmem:s9+$0x20] =	vst v13;
	v11 =	vmul.f32 v9, v2;
	v9 =	vld [tilespmem:s9+$0xA0]  }
0x18d: {  	v13 =	vld [tilespmem:s9+$0xB0]  }
0x18e: {  	v15 =	vld [tilespmem:s9+$0xC0]  }
0x18f: {  	v16 =	vld [tilespmem:s9+$0xD0]  }
0x190: {  	v17 =	vld [tilespmem:s9+$0xE0]  }
0x191: {  	v29 =	vld [tilespmem:s9+$0xF0];
	[tilespmem:s9+$0x30] =	vst v10;
	v4 =	vmul.f32 v4, v2  }
0x192: {  	v5 =	vld.idx.msk [tilespmem:v5+s31+$0x0], $0xffff;
	[tilespmem:s9+$0x40] =	vst v11;
	v2 =	vmul.f32 v3, v2  }
0x193: {  	s13 =	sadd.s32 $0x200, s9;
	v3 =	vld.idx.msk [tilespmem:v6+s31+$0x0], $0xffff;
	v8 =	vmul.f32 v8, v1;
	[tilespmem:s9+$0x50] =	vst v4  }
0x194: {  	v14 =	vmov s14;
	v34 =	vld [tilespmem:s13+$0x70];
	v30 =	vmul.f32 v7, v1;
	[tilespmem:s9+$0x60] =	vst v2  }
0x195: {  	v14 =	vand.u32 $0xFFFFFFFE, v14;
	v35 =	vld [tilespmem:s13+$0xFFFFFF00];
	[tilespmem:s9+$0x80] =	vst v8;
	v2 =	vmul.f32 v9, v1  }
0x196: {  	v37 =	vld [tilespmem:s13+$0xFFFFFF10];
	v14 =	vbroadcast v14, $0x0;
	[tilespmem:s9+$0x90] =	vst v30;
	v33 =	vmul.f32 v13, v1  }
0x197: {  	v38 =	vld [tilespmem:s13+$0xFFFFFF20];
	[tilespmem:s9+$0xA0] =	vst v2;
	v2 =	vmul.f32 v15, v1  }
0x198: {  	v12 =	vand.u32 $0xFFFFFFFD, v12;
	v39 =	vld [tilespmem:s13+$0xFFFFFF30];
	v36 =	vmul.f32 v16, v1;
	[tilespmem:s9+$0xB0] =	vst v33  }
0x199: {  	v12 =	vbroadcast v12, $0x0;
	v41 =	vld [tilespmem:s13+$0xFFFFFF50];
	[tilespmem:s12+$0xC0] =	vst v2;
	v2 =	vmul.f32 v17, v1  }
0x19a: {  	v43 =	vld [tilespmem:s13+$0xFFFFFF60];
	[tilespmem:s12+$0xD0] =	vst v36;
	v1 =	vmul.f32 v29, v1  }
0x19b: {  	v42 =	vmul.f32 v37, v3;
	[tilespmem:s12+$0xE0] =	vst v2;
	v2 =	vld [tilespmem:s13+$0xFFFFFF40]  }
0x19c: {  	v32 =	vld.idx.msk [tilespmem:v14+s31+$0x0], $0xffff;
	[tilespmem:s12+$0xF0] =	vst v1;
	v1 =	vmul.f32 v35, v3  }
0x19d: {  	v44 =	vld [tilespmem:s13+$0xFFFFFF70];
	v4 =	vmul.f32 v39, v3;
	[tilespmem:s13+$0xFFFFFF10] =	vst v42  }
0x19e: {  	v45 =	vld [tilespmem:s13+$0xFFFFFF80];
	[tilespmem:s13+$0xFFFFFF00] =	vst v1;
	v1 =	vmul.f32 v38, v3  }
0x19f: {  	v46 =	vmul.f32 v41, v3;
	v31 =	vld.idx.msk [tilespmem:v12+s31+$0x0], $0xffff;
	[tilespmem:s13+$0xFFFFFF30] =	vst v4  }
0x1a0: {  	[tilespmem:s13+$0xFFFFFF20] =	vst v1;
	v1 =	vmul.f32 v2, v3;
	v2 =	vld [tilespmem:s13+$0xFFFFFF90]  }
0x1a1: {  	v47 =	vld [tilespmem:s13+$0xFFFFFFA0];
	[tilespmem:s13+$0xFFFFFF50] =	vst v46;
	v40 =	vmul.f32 v34, v32  }
0x1a2: {  	v48 =	vld [tilespmem:s13+$0xFFFFFFB0];
	[tilespmem:s13+$0xFFFFFF40] =	vst v1;
	v1 =	vmul.f32 v43, v3  }
0x1a3: {  	v49 =	vld [tilespmem:s13+$0xFFFFFFC0];
	[tilespmem:s13+$0x70] =	vst v40;
	v3 =	vmul.f32 v44, v3  }
0x1a4: {  	v50 =	vld [tilespmem:s13+$0xFFFFFFD0];
	[tilespmem:s13+$0xFFFFFF60] =	vst v1;
	v1 =	vmul.f32 v45, v31  }
0x1a5: {  	[tilespmem:s13+$0xFFFFFF70] =	vst v3;
	v3 =	vld [tilespmem:s13+$0xFFFFFFE0];
	v2 =	vmul.f32 v2, v31  }
0x1a6: {  	v51 =	vld [tilespmem:s13+$0xFFFFFFF0];
	[tilespmem:s13+$0xFFFFFF80] =	vst v1;
	v1 =	vmul.f32 v47, v31  }
0x1a7: {  	v52 =	vld [tilespmem:s13+$0x0];
	[tilespmem:s13+$0xFFFFFF90] =	vst v2;
	v2 =	vmul.f32 v48, v31  }
0x1a8: {  	v53 =	vld [tilespmem:s13+$0x10];
	[tilespmem:s13+$0xFFFFFFA0] =	vst v1;
	v1 =	vmul.f32 v49, v31  }
0x1a9: {  	v54 =	vld [tilespmem:s13+$0x20];
	[tilespmem:s13+$0xFFFFFFB0] =	vst v2;
	v2 =	vmul.f32 v50, v31  }
0x1aa: {  	[tilespmem:s13+$0xFFFFFFC0] =	vst v1;
	v1 =	vmul.f32 v3, v31;
	v3 =	vld [tilespmem:s13+$0x30]  }
0x1ab: {  	v55 =	vld [tilespmem:s13+$0x40];
	[tilespmem:s13+$0xFFFFFFD0] =	vst v2;
	v2 =	vmul.f32 v51, v31  }
0x1ac: {  	v56 =	vld [tilespmem:s13+$0x50];
	[tilespmem:s13+$0xFFFFFFE0] =	vst v1;
	v1 =	vmul.f32 v52, v32  }
0x1ad: {  	v57 =	vld [tilespmem:s13+$0x60];
	[tilespmem:s13+$0xFFFFFFF0] =	vst v2;
	v2 =	vmul.f32 v53, v32  }
0x1ae: {  	v58 =	vld [tilespmem:s13+$0x80];
	[tilespmem:s13+$0x0] =	vst v1;
	v1 =	vmul.f32 v54, v32  }
0x1af: {  	[tilespmem:s13+$0x10] =	vst v2;
	v2 =	vmul.f32 v3, v32;
	v3 =	vld [tilespmem:s13+$0x90]  }
0x1b0: {  	v59 =	vld [tilespmem:s13+$0xA0];
	[tilespmem:s13+$0x20] =	vst v1;
	v1 =	vmul.f32 v55, v32  }
0x1b1: {  	v60 =	vld [tilespmem:s13+$0xB0];
	[tilespmem:s13+$0x30] =	vst v2;
	v2 =	vmul.f32 v56, v32  }
0x1b2: {  	v61 =	vld [tilespmem:s13+$0xC0];
	[tilespmem:s13+$0x40] =	vst v1;
	v1 =	vmul.f32 v57, v32  }
0x1b3: {  	v62 =	vld [tilespmem:s13+$0xD0];
	[tilespmem:s13+$0x50] =	vst v2;
	v2 =	vmul.f32 v58, v5  }
0x1b4: {  	[tilespmem:s13+$0x60] =	vst v1;
	v1 =	vmul.f32 v3, v5;
	v3 =	vld [tilespmem:s13+$0xE0]  }
0x1b5: {  	v63 =	vld [tilespmem:s13+$0xF0];
	[tilespmem:s13+$0x80] =	vst v2;
	v2 =	vmul.f32 v59, v5  }
0x1b6: {  	[tilespmem:s13+$0x90] =	vst v1;
	v1 =	vmul.f32 v60, v5  }
0x1b7: {  	[tilespmem:s13+$0xA0] =	vst v2;
	v2 =	vmul.f32 v61, v5  }
0x1b8: {  	[tilespmem:s13+$0xB0] =	vst v1;
	v1 =	vmul.f32 v62, v5  }
0x1b9: {  	[tilespmem:s13+$0xC0] =	vst v2;
	v2 =	vmul.f32 v3, v5  }
0x1ba: {  	s20 =	sadd.s32 $0x1, s20;
	[tilespmem:s13+$0xD0] =	vst v1;
	v1 =	vmul.f32 v63, v5  }
0x1bb: {  	p0 =	sne.s32 s20, $0x28;
	[tilespmem:s13+$0xE0] =	vst v2  }
.Ltmp4:
0x1bc: {  	[tilespmem:s13+$0xF0] =	vst v1;
	(pc) =	sbr.rel @p0 .LBB2_2-.Ltmp4, $4  }
0x1bd: {  	[spmem:s3] =	stream.indirect.scatter.add.f32 [tilespmem:s30], [sflag:$0x3], $0x80, s22, s22, $0xb8;
	[tilespmem:$0x1E280] =	vst v63  }
0x1be: {  	_ =	swait.ge [sflag:s19], $0x4000  }
0x1bf: {  	[sflag:s19] =	ssyncset.done $0x0  }
0x1c0: {  	[sflag:s19] =	ssyncadd.s32 $0xFFFFC000  }
0x1c1: {  	[bflag:$0x0] =	sbarrier.arrive $0xFFFF  }
0x1c2: {  	s9 =	rddreg [dreg:$0x8]  }
0x1c3: {  	[hbm:s9], [sflag:s10] =	dma.local [spmem:s18], $0x2800  }
0x1c4: {  	_ =	swait.ge [sflag:s19], $0x2800  }
0x1c5: {  	s2 =	sadd.s32 $0x1, s2;
	s20 =	rddreg [dreg:$0x9]  }
0x1c6: {  	p0 =	sne.s32 s2, s20  }
.Ltmp5:
0x1c7: {  	_ = 	snop;
	(pc) =	sbr.rel @p0 .LBB2_1-.Ltmp5, $3  }
0x1c8: {  	_ =	sdelay $0x1  }
0x1c9: {  	[sflag:s19] =	ssyncset.done $0x0  }
0x1ca: {  	[sflag:s19] =	ssyncadd.s32 $0xFFFFD800  }
0x1cb: {  	_ =	sfence.sel $0x180000  }
0x1cc: {  	[bflag:$0x0] =	sbarrier.arrive $0xFFFF  }
0x1cd: {  	_ =	strace $0x9000004A  }
0x1ce: {  	s0 =	stileid.u32;
	[bflag:$0x2] =	sbarrier.arrive $0xFFFF  }
0x1cf: {  	p0 =	sne.s32 s0, $0x0;
	s0 =	rddreg [dreg:$0x3]  }
0x1d0: {  	s0 =	sadd.s32 @!p0 $0x100000, s0  }
0x1d1: {  	[sflag:s0] =	ssyncadd.tile.s32 @!p0 $0x1;
	_ =	shalt  }
.Lfunc_end2:
_tile_overlayer_lowered:
.L_overlay_start_2:
0x1d2: {  	(tag) =	ssettag $0x2  }
0x1d3: {  	s0 =	rddreg [dreg:$0x0];
	s2 =	stileid.u32  }
0x1d4: {  	s1 =	rddreg [dreg:$0x1];
	p0 =	sne.s32 s2, $0x0  }
0x1d5: {  	s3 =	rddreg [dreg:$0x2];
	[bflag:$0x3] =	sbarrier.arrive $0xFFFF;
	s2 =	simm.s32 @!p0 $0x1C03  }
0x1d6: {  	[timem:s3], [sflag:s2] =	dma.local @!p0 [hbm:s0], s1  }
0x1d7: {  	s0 =	simm.s32 @!p0 $0x3  }
0x1d8: {  	_ =	swait.ge @!p0 [sflag:s0], s1  }
0x1d9: {  	s1 =	ssub.s32 @!p0 $0x0, s1;
	[sflag:s0] =	ssyncset.done @!p0 $0x0  }
0x1da: {  	[sflag:s0] =	ssyncadd.s32 @!p0 s1  }
0x1db: {  	[bflag:$0x3] =	sbarrier.arrive $0xFFFF  }
0x1dc: {  	_ =	shalt  }

// kernel: kernel.7.cloned.1.call-start
scs
__scs_entry_jumppad:
0x0: {  	(pc) =	sbr.rel $0x88, $3  }
0x1: {  	(tag) =	ssettag $0x0;
	lr =	simm.s32 $0x1  }
0x2: {  	[smem:$0x3F99] =	sst lr;
	_ =	strace $0xD0000000  }
0x3: {  	_ = 	snop  }
0x4: {  	_ = 	snop  }
0x5: {  	_ = 	snop  }
0x6: {  	_ = 	snop  }
0x7: {  	_ = 	snop  }
__scs_overlays_trampoline_lowered:
0x8: {  	[smem:$0x3FA8] =	sst s0  }
0x9: {  	[smem:$0x3FA9] =	sst s1  }
0xa: {  	[smem:$0x3FAA] =	sst s2  }
0xb: {  	[smem:$0x3FAB] =	sst s3  }
0xc: {  	[smem:$0x3FAC] =	sst s4  }
0xd: {  	[smem:$0x3FAD] =	sst s5  }
0xe: {  	[smem:$0x3FAE] =	sst s6  }
0xf: {  	[smem:$0x3FAF] =	sst s7  }
0x10: {  	[smem:$0x3FB0] =	sst s8  }
0x11: {  	[smem:$0x3FB1] =	sst s9;
	s0 =	simm.s32 @!p0 $0x0  }
0x12: {  	s1 =	sld [smem:$0x3F97];
	s0 =	simm.s32 @p0 $0x1  }
0x13: {  	[smem:$0x3FB2] =	sst s0;
	s0 =	simm.s32 @!p1 $0x0  }
0x14: {  	s2 =	sld [smem:$0x3F96];
	s0 =	simm.s32 @p1 $0x1  }
0x15: {  	[smem:$0x3FB3] =	sst s0;
	s0 =	simm.s32 @!p2 $0x0  }
0x16: {  	s3 =	sld [smem:$0x3FDB];
	s0 =	simm.s32 @p2 $0x1  }
0x17: {  	s4 =	simm.s32 $0x1BF5;
	[smem:$0x3FB5] =	sst s0  }
0x18: {  	s0 =	sld [smem:$0x3F98];
	_ =	swait.ge [sflag:s4], $0x0  }
0x19: {  	s7 =	sld [smem:$0x3F99]  }
0x1a: {  	s8 =	sadd.s32 $0xFFFFE003, lr  }
0x1b: {  	s9 =	sadd.s32 $0xFFFFFEF7, lr;
	s5 =	simm.s32 $0xFFFFFFFF;
	p2 =	slt.u32 s8, $0xFFFFF086  }
0x1c: {  	p1 =	slt.u32 s9, $0xF7A;
	s5 =	simm.s32 @!p2 $0x0  }
0x1d: {  	s5 =	simm.s32 @p1 $0x1;
	p0 =	seq.s32 s7, s2  }
0x1e: {  	s7 =	smul.u32 @!p0 $0xF7A, s2;
	p2 =	seq.s32 @!p0 s5, $0x0  }
0x1f: {  	s9 =	smul.u32 $0xF7A, s1;
	s8 =	simm.s32 @!p0 $0x1BF5;
	p2 =	por !p2, p0  }
0x20: {  	[sflag:s8] =	ssyncset.s32 @!p0 $0xFFFFF086;
	s6 =	sadd.s32 @!p0 s3, s7;
	s7 =	simm.s32 @!p0 $0x108  }
0x21: {  	s3 =	sadd.s32 s3, s9;
	s6 =	sadd.s32 @!p0 $0x88, s6;
	s7 =	simm.s32 @p2 $0x1082  }
0x22: {  	[simem:s7], [sflag:s8] =	dma.local @!p0 [hbm:s6], $0xF7A  }
0x23: {  	s9 =	sor.u32 $0xD0000000, s2;
	s6 =	simm.s32 $0x108;
	_ =	swait.ge @!p0 [sflag:s8], $0x0  }
0x24: {  	s3 =	sadd.s32 $0x88, s3;
	s6 =	simm.s32 @!p1 $0x1082;
	[sflag:s4] =	ssyncset.s32 $0xFFFFF086  }
0x25: {  	[simem:s6], [sflag:s4] =	dma.local [hbm:s3], $0xF7A  }
0x26: {  	[smem:$0x3F99] =	sst s1;
	(tag) =	ssettag s2;
	_ =	strace s9  }
0x27: {  	s1 =	sld [smem:$0x3FA9]  }
0x28: {  	s2 =	sld [smem:$0x3FAA]  }
0x29: {  	s4 =	sld [smem:$0x3FAC]  }
0x2a: {  	p0 =	seq.s32 s5, $0x0;
	s5 =	sld [smem:$0x3FAD]  }
0x2b: {  	s6 =	sld [smem:$0x3FAE]  }
0x2c: {  	s7 =	sld [smem:$0x3FAF]  }
0x2d: {  	s3 =	simm.s32 $0x108;
	s8 =	sld [smem:$0x3FB0]  }
0x2e: {  	s3 =	simm.s32 @!p0 $0x1082;
	s9 =	sld [smem:$0x3FB1]  }
0x2f: {  	lr =	sadd.s32 s0, s3;
	s0 =	sld [smem:$0x3FA8]  }
0x30: {  	s3 =	sld [smem:$0x3FAB]  }
0x31: {  	[smem:$0x3FB4] =	sst s10  }
0x32: {  	s10 =	sld [smem:$0x3FB2];
	_ =	sdelay $0x3  }
0x33: {  	p0 =	seq.s32 s10, $0x1;
	s10 =	sld [smem:$0x3FB4];
	_ =	sdelay $0x3  }
0x34: {  	[smem:$0x3FB4] =	sst s10  }
0x35: {  	s10 =	sld [smem:$0x3FB3];
	_ =	sdelay $0x3  }
0x36: {  	p1 =	seq.s32 s10, $0x1;
	s10 =	sld [smem:$0x3FB4];
	_ =	sdelay $0x3  }
0x37: {  	[smem:$0x3FB4] =	sst s10  }
0x38: {  	s10 =	sld [smem:$0x3FB5]  }
0x39: {  	_ = 	snop;
	(pc) =	sbr.ind lr, $3  }
0x3a: {  	_ = 	snop  }
0x3b: {  	_ = 	snop  }
0x3c: {  	p2 =	seq.s32 s10, $0x1;
	s10 =	sld [smem:$0x3FB4]  }
0x3d: {  	_ =	shalt  }
0x3e: {  	_ =	shalt  }
0x3f: {  	_ =	shalt  }
0x40: {  	_ =	shalt  }
0x41: {  	_ =	shalt  }
0x42: {  	_ =	shalt  }
0x43: {  	_ =	shalt  }
0x44: {  	_ =	shalt  }
0x45: {  	_ =	shalt  }
0x46: {  	_ =	shalt  }
0x47: {  	_ =	shalt  }
0x48: {  	_ =	shalt  }
0x49: {  	_ =	shalt  }
0x4a: {  	_ =	shalt  }
0x4b: {  	_ =	shalt  }
0x4c: {  	_ =	shalt  }
0x4d: {  	_ =	shalt  }
0x4e: {  	_ =	shalt  }
0x4f: {  	_ =	shalt  }
0x50: {  	_ =	shalt  }
0x51: {  	_ =	shalt  }
0x52: {  	_ =	shalt  }
0x53: {  	_ =	shalt  }
0x54: {  	_ =	shalt  }
0x55: {  	_ =	shalt  }
0x56: {  	_ =	shalt  }
0x57: {  	_ =	shalt  }
0x58: {  	_ =	shalt  }
0x59: {  	_ =	shalt  }
0x5a: {  	_ =	shalt  }
0x5b: {  	_ =	shalt  }
0x5c: {  	_ =	shalt  }
0x5d: {  	_ =	shalt  }
0x5e: {  	_ =	shalt  }
0x5f: {  	_ =	shalt  }
0x60: {  	_ =	shalt  }
0x61: {  	_ =	shalt  }
0x62: {  	_ =	shalt  }
0x63: {  	_ =	shalt  }
0x64: {  	_ =	shalt  }
0x65: {  	_ =	shalt  }
0x66: {  	_ =	shalt  }
0x67: {  	_ =	shalt  }
0x68: {  	_ =	shalt  }
0x69: {  	_ =	shalt  }
0x6a: {  	_ =	shalt  }
0x6b: {  	_ =	shalt  }
0x6c: {  	_ =	shalt  }
0x6d: {  	_ =	shalt  }
0x6e: {  	_ =	shalt  }
0x6f: {  	_ =	shalt  }
0x70: {  	_ =	shalt  }
0x71: {  	_ =	shalt  }
0x72: {  	_ =	shalt  }
0x73: {  	_ =	shalt  }
0x74: {  	_ =	shalt  }
0x75: {  	_ =	shalt  }
0x76: {  	_ =	shalt  }
0x77: {  	_ =	shalt  }
0x78: {  	_ =	shalt  }
0x79: {  	_ =	shalt  }
0x7a: {  	_ =	shalt  }
0x7b: {  	_ =	shalt  }
0x7c: {  	_ =	shalt  }
0x7d: {  	_ =	shalt  }
0x7e: {  	_ =	shalt  }
0x7f: {  	_ =	shalt  }
0x80: {  	_ =	shalt  }
0x81: {  	_ =	shalt  }
0x82: {  	_ =	shalt  }
0x83: {  	_ =	shalt  }
0x84: {  	_ =	shalt  }
0x85: {  	_ =	shalt  }
0x86: {  	_ =	shalt  }
0x87: {  	_ =	shalt  }
.Lfunc_end0:
.L_simem_size_0:
called_computation_lowered:
.L_overlay_start_0:
0x88: {  	s2 =	sld [smem:$0x3FD9]  }
0x89: {  	s3 =	sld [smem:$0x3FFE];
	_ =	sdelay $0x1  }
0x8a: {  	s1 =	srdreg.scid  }
0x8b: {  	s0 =	sand.u32 $0x1, s1  }
0x8c: {  	s17 =	sshll.u32 s0, $0xA;
	s2 =	sadd.s32 s3, s2  }
0x8d: {  	s2 =	sadd.s32 s2, s17  }
0x8e: {  	[smem:$0x3FC0] =	sst s2  }
0x8f: {  	_ = 	snop  }
0x90: {  	s2 =	sld [smem:$0x3FD0];
	(tm) =	ssettm $0x1  }
0x91: {  	s18 =	sld [smem:$0x3FFB];
	_ =	sdelay $0x3  }
0x92: {  	_ =	strace s18  }
0x93: {  	s3 =	sld [smem:$0x3FFC];
	_ =	sdelay $0x3  }
0x94: {  	_ =	strace s3  }
0x95: {  	s3 =	sld [smem:$0x3FFD];
	_ =	sdelay $0x3  }
0x96: {  	_ =	strace s3  }
0x97: {  	_ =	strace $0x8FFFFFFF  }
0x98: {  	s19 =	sld [smem:$0x3FDB];
	_ =	sdelay $0x1  }
0x99: {  	s4 =	simm.s32 $_scs_section_size  }
0x9a: {  	s5 =	simm.s32 $_size__tile_overlayer_lowered;
	s6 =	simm.s32 $_tile_overlayer_lowered  }
0x9b: {  	s22 =	simm.s32 $0x1BFF;
	s21 =	sshll.u32 s6, $0x1;
	s3 =	sadd.s32 s4, s19  }
0x9c: {  	s7 =	simm.s32 $0x0;
	s20 =	sshll.u32 s5, $0x1;
	s5 =	sadd.s32 s21, s3  }
0x9d: {  	[timem:s7], [sflag:s22] =	dma.local [hbm:s5], s20  }
0x9e: {  	_ =	swait.ge [sflag:s22], s20  }
0x9f: {  	s4 =	ssub.s32 $0x0, s20;
	[sflag:s22] =	ssyncset.done $0x0  }
0xa0: {  	[sflag:s22] =	ssyncadd.s32 s4;
	_ =	sdelay $0x1  }
0xa1: {  	s23 =	simm.s32 $0x1B8B  }
0xa2: {  	_ =	swait.ge [sflag:s23], $0x1  }
0xa3: {  	[sflag:s23] =	ssyncset.done $0x0  }
0xa4: {  	s25 =	simm.s32 $0x1B8E;
	s24 =	sld [smem:$0x3FFE];
	[sflag:s23] =	ssyncadd.s32 $0xFFFFFFFF  }
0xa5: {  	s26 =	simm.s32 $execute0_lowered;
	[smem:$0x3FD2] =	sst s25  }
0xa6: {  	s5 =	sshll.u32 s26, $0x1;
	_ =	strace $0x80000046;
	[dreg:$0x1] =	wrdreg $0xFFFFFFFF  }
0xa7: {  	s28 =	simm.s32 $_size_execute0_lowered;
	s3 =	sadd.s32 s3, s5;
	[dreg:$0x0] =	wrdreg $0x0  }
0xa8: {  	s5 =	sshll.u32 s28, $0x1;
	[dreg:$0x2] =	wrdreg s3  }
0xa9: {  	[dreg:$0x3] =	wrdreg s5  }
0xaa: {  	[dreg:$0x4] =	wrdreg $0xC0  }
0xab: {  	_ =	task [dreg:s7], $0x5FFFF  }
0xac: {  	[dreg:$0x1] =	wrdreg $0xFFFFFFFF  }
0xad: {  	[dreg:$0x0] =	wrdreg $0x60  }
0xae: {  	[dreg:$0x2] =	wrdreg s24  }
0xaf: {  	[dreg:$0x3] =	wrdreg s2  }
0xb0: {  	[dreg:$0x4] =	wrdreg $0x70200  }
0xb1: {  	[dreg:$0x5] =	wrdreg $0x9  }
0xb2: {  	_ =	task.clear_ibuf [dreg:s7], $0x6FFFF;
	_ =	strace $0x90000046  }
0xb3: {  	s29 =	simm.s32 $0x9;
	_ =	strace $0x80000048  }
0xb4: {  	_ =	swait.ge [sflag:s29], $0x1  }
0xb5: {  	[sflag:s29] =	ssyncadd.s32 $0xFFFFFFFF  }
0xb6: {  	_ =	strace $0x90000048  }
0xb7: {  	_ =	sfence  }
0xb8: {  	s30 =	sld [smem:$0x0];
	_ =	sdelay $0x2  }
0xb9: {  	s31 =	sshll.u32 s1, $0xD;
	s1 =	sshrl.u32 s1, $0x2  }
0xba: {  	s3 =	sand.u32 $0x4000, s31;
	s1 =	sadd.s32 s1, s30  }
0xbb: {  	s0 =	sor.u32 s3, s0;
	s1 =	sshll.u32 s1, $0x11  }
0xbc: {  	s0 =	sor.u32 s1, s0  }
0xbd: {  	s0 =	sadd.s32 $0x8F2B, s0  }
0xbe: {  	[sflag:s0] =	ssyncadd.remote.s32 $0x1  }
0xbf: {  	_ =	sfence.sel $0xFFFF  }
0xc0: {  	[dreg:$0x0] =	wrdreg $0xFFFFFFFF;
	(pc) =	sbr.abs _section_cstart, $3  }
0xc1: {  	[dreg:$0x1] =	wrdreg $0xFFFFFFFF  }
0xc2: {  	_ =	task.clear_ibuf [dreg:s7], $0x2FFFF;
	_ =	strace $0x9FFFFFFF  }
0xc3: {  	(tm) =	ssettm $0x7FFFFFFF  }
tec
execute0_lowered:
.L_overlay_start_1:
0x0: {  	(tag) =	ssettag $0x1  }
0x1: {  	s0 =	rddreg [dreg:$0x0]  }
0x2: {  	s1 =	srdreg.scid;
	s6 =	rddreg [dreg:$0x1]  }
0x3: {  	s14 =	stileid.u32;
	s2 =	rddreg [dreg:$0x2]  }
0x4: {  	s18 =	simm.s32 $0x3;
	s22 =	simm.s32 $0x80;
	s23 =	simm.s32 $0x5000  }
0x5: {  	s28 =	simm.s32 $0x6800;
	s29 =	simm.s32 $0x2;
	s30 =	simm.s32 $0x0  }
0x6: {  	s1 =	sand.u32 $0x1, s1;
	s3 =	sshll.u32 s14, $0x1;
	s10 =	smul.u32 $0x2800, s14  }
0x7: {  	s4 =	sadd.s32 $0x2A800, s0;
	s5 =	sadd.s32 $0x2F800, s0;
	s11 =	sadd.s32 $0x2A400, s0  }
0x8: {  	s24 =	sadd.s32 $0x2A600, s0;
	s31 =	sshll.u32 s14, $0x6;
	s7 =	sor.u32 s1, s3  }
0x9: {  	s3 =	simm.s32 $0x0;
	s8 =	smul.u32 $0x28000, s1;
	s1 =	ssub.s32 $0x2, s1  }
0xa: {  	s9 =	smul.u32 $0x500, s7;
	[smem:$0x7FF] =	sst s3;
	s25 =	sshrl.u32 s10, $0x3  }
0xb: {  	s26 =	sshrl.u32 s1, $0x1;
	_ =	strace $0x80000047;
	[dreg:$0x4] =	wrdreg s11  }
0xc: {  	s17 =	sadd.s32 s10, s2;
	s14 =	smul.u32 $0x28000, s7;
	[dreg:$0x5] =	wrdreg s24  }
0xd: {  	s8 =	sadd.s32 s10, s8;
	s11 =	sadd.s32 s25, s0;
	s1 =	ssub.s32 s1, s26  }
0xe: {  	s10 =	sor.u32 $0x1C03, s31;
	s17 =	sshrl.u32 s17, $0x3;
	s25 =	simm.s32 $0x1  }
0xf: {  	s26 =	simm.s32 $0x5800;
	s12 =	sadd.s32 s9, s0;
	s13 =	sshrl.u32 s8, $0x3  }
0x10: {  	s8 =	sadd.s32 $0x4D800, s0;
	s11 =	sadd.s32 $0x3E800, s11;
	s16 =	smax.u32 s1, $0x1  }
0x11: {  	s0 =	sadd.s32 s13, s0;
	[dreg:$0x6] =	wrdreg s11;
	s11 =	smul.u32 $0x2800, s7  }
0x12: {  	s12 =	sadd.s32 $0x34800, s12;
	s13 =	sadd.s32 s6, s9;
	s15 =	sadd.s32 $0x43800, s0  }
.LBB2_1:
0x13: {  	s0 =	rddreg [dreg:$0x6]  }
0x14: {  	[spmem:s17], [sflag:s10] =	dma.local [hbm:s0], $0x500  }
0x15: {  	_ =	swait.ge [sflag:s18], $0x500  }
0x16: {  	[sflag:s18] =	ssyncset.done $0x0  }
0x17: {  	s1 =	simm.s32 $0x7000;
	s9 =	rddreg [dreg:$0x4];
	[sflag:s18] =	ssyncadd.s32 $0xFFFFFB00  }
0x18: {  	[tilespmem:s1], [sflag:$0x3] =	stream.linear.gather [hbm4b:s9+s3], $0x10, $0x38;
	[tilespmem:$0x9820] =	vst v63  }
0x19: {  	_ =	swait.ge [sflag:s18], $0x10  }
0x1a: {  	[sflag:s18] =	ssyncset.done $0x0  }
0x1b: {  	s20 =	simm.s32 $0x7010;
	s19 =	rddreg [dreg:$0x5];
	[sflag:s18] =	ssyncadd.s32 $0xFFFFFFF0  }
0x1c: {  	[tilespmem:s20], [sflag:$0x3] =	stream.linear.gather [hbm4b:s19+s3], $0x10, $0x38;
	[tilespmem:$0x9820] =	vst v63  }
0x1d: {  	_ =	swait.ge [sflag:s18], $0x10  }
0x1e: {  	[sflag:s18] =	ssyncset.done $0x0  }
0x1f: {  	[sflag:s18] =	ssyncadd.s32 $0xFFFFFFF0  }
0x20: {  	[tilespmem:s3], [sflag:$0x3] =	stream.linear.gather [hbm4b:s12+s3], $0x2800, $0x38;
	[tilespmem:$0x9820] =	vst v63  }
0x21: {  	_ =	swait.ge [sflag:s18], $0x2800  }
0x22: {  	[sflag:s18] =	ssyncset.done $0x0  }
0x23: {  	s21 =	simm.s32 $0x2800;
	[sflag:s18] =	ssyncadd.s32 $0xFFFFD800  }
0x24: {  	[tilespmem:s21], [sflag:$0x3] =	stream.linear.gather [hbm4b:s13+s3], $0x2800, $0x38;
	[tilespmem:$0x9820] =	vst v63  }
0x25: {  	_ =	swait.ge [sflag:s18], $0x2800  }
0x26: {  	[sflag:s18] =	ssyncset.done $0x0  }
0x27: {  	[sflag:s18] =	ssyncadd.s32 $0xFFFFD800  }
0x28: {  	[bflag:$0x0] =	sbarrier.arrive $0xFFFF  }
0x29: {  	v0 =	vld [tilespmem:$0x7000]  }
0x2a: {  	v1 =	vld [tilespmem:$0x7010];
	_ =	sdelay $0x4  }
0x2b: {  	[tilespmem:s23], [sflag:$0x1] =	stream.indirect.gather [hbm4b:s4+s22], $0x10, s3, s22, $0xb8;
	v0 =	vadd.f32 v1, v0;
	[tilespmem:$0x9820] =	vst v63  }
0x2c: {  	s24 =	simm.s32 $0x6000;
	s31 =	simm.s32 $0x0  }
0x2d: {  	[tilespmem:s24], [sflag:$0x1] =	stream.indirect.gather [hbm4b:s5+s22], $0x10, s21, s22, $0xb8;
	v0 =	vmax.f32 v0, $0.0e+00;
	[tilespmem:$0x9820] =	vst v63  }
.LBB2_2:
0x2e: {  	_ =	swait.ge [sflag:s25], $0x800  }
0x2f: {  	[sflag:s25] =	ssyncset.done $0x0  }
0x30: {  	[sflag:s25] =	ssyncadd.s32 $0xFFFFF800  }
0x31: {  	_ =	swait.ge [sflag:s25], $0x800  }
0x32: {  	s0 =	sshll.u32 s31, $0x8;
	[sflag:s25] =	ssyncset.done $0x0  }
0x33: {  	s1 =	sor.u32 $0x80, s0;
	[sflag:s25] =	ssyncadd.s32 $0xFFFFF800  }
0x34: {  	[tilespmem:s26], [sflag:$0x2] =	stream.indirect.gather [hbm4b:s4+s22], $0x10, s1, s22, $0xb8;
	[tilespmem:$0x9820] =	vst v63  }
0x35: {  	s20 =	simm.s32 $0x5020;
	s6 =	sadd.s32 $0x2880, s0  }
0x36: {  	[tilespmem:s28], [sflag:$0x2] =	stream.indirect.gather [hbm4b:s5+s22], $0x10, s6, s22, $0xb8;
	[tilespmem:$0x9820] =	vst v63  }
0x37: {  	s7 =	simm.s32 $0x6020;
	v1 =	vld [tilespmem:s20+$0xFFFFFFE0]  }
0x38: {  	v2 =	vld [tilespmem:s7+$0x10]  }
0x39: {  	v3 =	vld [tilespmem:s20+$0x10]  }
0x3a: {  	v4 =	vld [tilespmem:s7+$0x0]  }
0x3b: {  	v5 =	vld [tilespmem:s20+$0x0]  }
0x3c: {  	v6 =	vld [tilespmem:s7+$0xFFFFFFF0]  }
0x3d: {  	v7 =	vld [tilespmem:s20+$0xFFFFFFF0]  }
0x3e: {  	s9 =	simm.s32 $0x6060;
	v8 =	vld [tilespmem:s7+$0xFFFFFFE0]  }
0x3f: {  	s19 =	simm.s32 $0x5060;
	v10 =	vld [tilespmem:s9+$0x10]  }
0x40: {  	v11 =	vld [tilespmem:s19+$0x10]  }
0x41: {  	v14 =	vld [tilespmem:s19+$0xFFFFFFF0];
	v2 =	vadd.f32 v2, v3;
	v3 =	vadd.f32 v4, v5  }
0x42: {  	v4 =	vld [tilespmem:s9+$0x0];
	v5 =	vadd.f32 v6, v7  }
0x43: {  	v6 =	vld [tilespmem:s19+$0x0];
	v12 =	vmul.f32 $2.000000030e-01, v3  }
0x44: {  	v1 =	vadd.f32 v8, v1;
	v8 =	vld [tilespmem:s9+$0xFFFFFFF0];
	v7 =	vmul.f32 $2.000000030e-01, v2;
	v13 =	vmul.f32 $2.000000030e-01, v5  }
0x45: {  	s21 =	simm.s32 $0x60A0;
	v9 =	vld [tilespmem:s19+$0xFFFFFFE0];
	v10 =	vadd.f32 v10, v11;
	v3 =	vmax.f32 v3, v12  }
0x46: {  	v15 =	vld [tilespmem:s21+$0x0];
	v2 =	vmax.f32 v2, v7;
	v5 =	vmax.f32 v5, v13;
	v3 =	vsub.f32 v3, v0  }
0x47: {  	v7 =	vmul.f32 $2.000000030e-01, v1;
	v12 =	vld [tilespmem:s9+$0xFFFFFFE0];
	v2 =	vsub.f32 v2, v0;
	v5 =	vsub.f32 v5, v0  }
0x48: {  	s24 =	simm.s32 $0x50A0;
	v16 =	vld [tilespmem:s21+$0xFFFFFFE0];
	v4 =	vadd.f32 v4, v6;
	v6 =	vmul.f32 $2.000000030e-01, v10;
	v3 =	vmul.f32 $1.442695020e+00, v3  }
0x49: {  	v11 =	vld [tilespmem:s24+$0xFFFFFFE0];
	v8 =	vadd.f32 v8, v14;
	v5 =	vmul.f32 $1.442695020e+00, v5;
	v2 =	vmul.f32 $1.442695020e+00, v2  }
0x4a: {  	v13 =	vld [tilespmem:s24+$0x10];
	v1 =	vmax.f32 v1, v7;
	v14 =	vmul.f32 $2.000000030e-01, v4;
	(erf) = vpow2.f32 v3  }
0x4b: {  	v7 =	vld [tilespmem:s21+$0x10];
	v1 =	vsub.f32 v1, v0;
	(erf) = vpow2.f32 v5;
	v5 =	vmul.f32 $2.000000030e-01, v8  }
0x4c: {  	v6 =	vmax.f32 v10, v6;
	v3 =	vld [tilespmem:s24+$0x0];
	v9 =	vadd.f32 v12, v9;
	v4 =	vmax.f32 v4, v14  }
0x4d: {  	v10 =	vld [tilespmem:s21+$0xFFFFFFF0];
	v14 =	vmul.f32 $1.442695020e+00, v1;
	(erf) = vpow2.f32 v2;
	v5 =	vmax.f32 v8, v5  }
0x4e: {  	v12 =	vld [tilespmem:s24+$0xFFFFFFF0];
	v4 =	vsub.f32 v4, v0;
	v8 =	vsub.f32 v5, v0  }
0x4f: {  	s7 =	simm.s32 $0x50E0;
	v6 =	vsub.f32 v6, v0;
	v2 =	vmul.f32 $2.000000030e-01, v9;
	(erf) = vpow2.f32 v14  }
0x50: {  	s9 =	simm.s32 $0x60E0;
	v1 =	vld [tilespmem:s7+$0xFFFFFFE0];
	v13 =	vadd.f32 v7, v13;
	v4 =	vmul.f32 $1.442695020e+00, v4;
	v8 =	vmul.f32 $1.442695020e+00, v8  }
0x51: {  	v7 =	vmax.f32 v9, v2;
	v2 =	vld [tilespmem:s9+$0x10];
	v9 =	vadd.f32 v16, v11;
	v14 =	vadd.f32 v15, v3  }
0x52: {  	v5 =	vld [tilespmem:s7+$0x10];
	v11 =	vmul.f32 $1.442695020e+00, v6;
	v15 =	vmul.f32 $2.000000030e-01, v13;
	v17 =	vsub.f32 v7, v0  }
0x53: {  	v6 =	vld [tilespmem:s7+$0x0];
	v7 =	vadd.f32 v10, v12;
	(erf) = vpow2.f32 v4;
	v12 =	vmul.f32 $2.000000030e-01, v14  }
0x54: {  	v3 =	vld [tilespmem:s9+$0x0];
	v10 =	vmax.f32 v13, v15;
	(erf) = vpow2.f32 v8;
	v8 =	vpop (erf)  }
0x55: {  	s6 =	simm.s32 $0x50E0;
	s21 =	simm.s32 $0xC;
	v4 =	vld [tilespmem:s9+$0xFFFFFFF0];
	v13 =	vmul.f32 $2.000000030e-01, v7;
	v12 =	vmax.f32 v14, v12;
	(erf) = vpow2.f32 v11;
	[tilespmem:s20+$0x0] =	vst v8;
	v16 =	vpop (erf)  }
0x56: {  	v15 =	vmul.f32 $1.442695020e+00, v17;
	v14 =	vmul.f32 $2.000000030e-01, v9;
	v12 =	vsub.f32 v12, v0;
	v8 =	vld [tilespmem:s7+$0xFFFFFFF0];
	[tilespmem:s20+$0xFFFFFFF0] =	vst v16;
	v11 =	vpop (erf)  }
.LBB2_3:
0x57: {  	s21 =	sadd.s32 $0x4, s21;
	v16 =	vld [tilespmem:s9+$0xFFFFFFE0];
	v17 =	vadd.f32 v2, v5;
	s7 =	sadd.s32 $0x40, s7;
	v2 =	vmax.f32 v7, v13;
	v7 =	vsub.f32 v10, v0;
	[tilespmem:s20+$0x10] =	vst v11  }
0x58: {  	s9 =	sadd.s32 $0x40, s9;
	v11 =	vmovc v1;
	p0 =	slt.u32 s21, $0x7C;
	v9 =	vmax.f32 v9, v14;
	v10 =	vsub.f32 v2, v0;
	(erf) = vpow2.f32 v15;
	v1 =	vld [tilespmem:s7+$0xFFFFFFE0]  }
0x59: {  	v2 =	vld [tilespmem:s9+$0x10];
	v14 =	vadd.f32 v3, v6;
	v13 =	vmul.f32 $2.000000030e-01, v17;
	v6 =	vmul.f32 $1.442695020e+00, v12;
	v3 =	vpop (erf)  }
.Ltmp0:
0x5a: {  	v15 =	vsub.f32 v9, v0;
	v18 =	vmul.f32 $1.442695020e+00, v7;
	v5 =	vld [tilespmem:s7+$0x10];
	v12 =	vmul.f32 $1.442695020e+00, v10;
	[tilespmem:s20+$0xFFFFFFE0] =	vst v3;
	s20 =	smov.u32 s19;
	s19 =	smov.u32 s24;
	(pc) =	sbr.rel @p0 .LBB2_3-.Ltmp0, $4  }
0x5b: {  	s24 =	smov.u32 s6;
	s6 =	smov.u32 s7;
	v3 =	vld [tilespmem:s9+$0x0];
	v7 =	vadd.f32 v4, v8;
	v8 =	vmul.f32 $2.000000030e-01, v14;
	(erf) = vpow2.f32 v6  }
0x5c: {  	v10 =	vmax.f32 v17, v13;
	v6 =	vld [tilespmem:s7+$0x0];
	v9 =	vadd.f32 v16, v11;
	(erf) = vpow2.f32 v12;
	v11 =	vpop (erf)  }
0x5d: {  	v4 =	vld [tilespmem:s9+$0xFFFFFFF0];
	v13 =	vmul.f32 $2.000000030e-01, v7;
	v12 =	vmax.f32 v14, v8;
	(erf) = vpow2.f32 v18;
	[tilespmem:s20+$0x0] =	vst v11;
	v11 =	vpop (erf)  }
0x5e: {  	v15 =	vmul.f32 $1.442695020e+00, v15;
	v8 =	vld [tilespmem:s7+$0xFFFFFFF0];
	v14 =	vmul.f32 $2.000000030e-01, v9;
	v12 =	vsub.f32 v12, v0;
	[tilespmem:s20+$0xFFFFFFF0] =	vst v11;
	v11 =	vpop (erf)  }
0x5f: {  	v16 =	vld [tilespmem:s9+$0xFFFFFFE0];
	v2 =	vadd.f32 v2, v5  }
0x60: {  	v5 =	vmax.f32 v7, v13;
	v7 =	vsub.f32 v10, v0;
	v9 =	vmax.f32 v9, v14  }
0x61: {  	(erf) = vpow2.f32 v15;
	v10 =	vmul.f32 $1.442695020e+00, v12;
	v3 =	vadd.f32 v3, v6  }
0x62: {  	v5 =	vsub.f32 v5, v0;
	v6 =	vmul.f32 $2.000000030e-01, v2;
	v7 =	vmul.f32 $1.442695020e+00, v7  }
0x63: {  	v4 =	vadd.f32 v4, v8;
	v8 =	vsub.f32 v9, v0;
	v9 =	vmul.f32 $2.000000030e-01, v3  }
0x64: {  	v5 =	vmul.f32 $1.442695020e+00, v5;
	(erf) = vpow2.f32 v10;
	v1 =	vadd.f32 v16, v1  }
0x65: {  	v2 =	vmax.f32 v2, v6;
	v10 =	vmul.f32 $2.000000030e-01, v4;
	v3 =	vmax.f32 v3, v9  }
0x66: {  	(erf) = vpow2.f32 v5;
	v5 =	vmul.f32 $2.000000030e-01, v1;
	v3 =	vsub.f32 v3, v0  }
0x67: {  	v2 =	vsub.f32 v2, v0;
	v6 =	vmul.f32 $1.442695020e+00, v8;
	v4 =	vmax.f32 v4, v10  }
0x68: {  	v4 =	vsub.f32 v4, v0;
	v1 =	vmax.f32 v1, v5;
	v3 =	vmul.f32 $1.442695020e+00, v3  }
0x69: {  	(erf) = vpow2.f32 v7;
	v2 =	vmul.f32 $1.442695020e+00, v2;
	v1 =	vsub.f32 v1, v0  }
0x6a: {  	(erf) = vpow2.f32 v6;
	v4 =	vmul.f32 $1.442695020e+00, v4  }
0x6b: {  	[tilespmem:s20+$0x10] =	vst v11;
	v5 =	vpop (erf);
	(erf) = vpow2.f32 v3;
	v1 =	vmul.f32 $1.442695020e+00, v1  }
0x6c: {  	[tilespmem:s20+$0xFFFFFFE0] =	vst v5;
	v3 =	vpop (erf);
	(erf) = vpow2.f32 v4  }
0x6d: {  	[tilespmem:s19+$0x0] =	vst v3;
	v3 =	vpop (erf);
	(erf) = vpow2.f32 v2  }
0x6e: {  	[tilespmem:s19+$0xFFFFFFF0] =	vst v3;
	v2 =	vpop (erf);
	(erf) = vpow2.f32 v1  }
0x6f: {  	v1 =	vpop (erf);
	[tilespmem:s19+$0x10] =	vst v2  }
0x70: {  	v2 =	vpop (erf);
	[tilespmem:s19+$0xFFFFFFE0] =	vst v1  }
0x71: {  	v1 =	vpop (erf);
	[tilespmem:s24+$0x0] =	vst v2  }
0x72: {  	[tilespmem:s24+$0xFFFFFFF0] =	vst v1;
	v1 =	vpop (erf)  }
0x73: {  	[tilespmem:s24+$0x10] =	vst v1;
	v1 =	vpop (erf)  }
0x74: {  	[tilespmem:s24+$0xFFFFFFE0] =	vst v1;
	v1 =	vpop (erf)  }
0x75: {  	s7 =	sshll.u32 s31, $0xC;
	[tilespmem:s6+$0x0] =	vst v1;
	v1 =	vpop (erf)  }
0x76: {  	s7 =	sadd.s32 s14, s7;
	[tilespmem:s6+$0xFFFFFFF0] =	vst v1;
	v1 =	vpop (erf)  }
0x77: {  	s7 =	sshrl.u32 s7, $0x3;
	[tilespmem:s6+$0x10] =	vst v1;
	v1 =	vpop (erf)  }
0x78: {  	s9 =	sadd.s32 s8, s7;
	[tilespmem:s6+$0xFFFFFFE0] =	vst v1  }
0x79: {  	[hbm4b:s9+s3] =	stream.linear.scatter [tilespmem:s23], [sflag:$0x3], $0x800, $0x38;
	[tilespmem:$0x9820] =	vst v63  }
0x7a: {  	_ =	swait.ge [sflag:s18], $0x800  }
0x7b: {  	[sflag:s18] =	ssyncset.done $0x0  }
0x7c: {  	s19 =	sand.u32 $0x3FFFFF00, s0;
	[sflag:s18] =	ssyncadd.s32 $0xFFFFF800  }
0x7d: {  	[spmem:s2] =	stream.indirect.scatter.add.f32 [tilespmem:s23], [sflag:$0x3], $0x10, s19, s22, $0xb8;
	[tilespmem:$0x9820] =	vst v63  }
0x7e: {  	_ =	swait.ge [sflag:s18], $0x800  }
0x7f: {  	[sflag:s18] =	ssyncset.done $0x0  }
0x80: {  	[sflag:s18] =	ssyncadd.s32 $0xFFFFF800  }
0x81: {  	_ =	swait.ge [sflag:s29], $0x800  }
0x82: {  	[sflag:s29] =	ssyncset.done $0x0  }
0x83: {  	[sflag:s29] =	ssyncadd.s32 $0xFFFFF800  }
0x84: {  	p0 =	seq.s32 s31, $0x27;
	_ =	swait.ge [sflag:s29], $0x800  }
0x85: {  	s7 =	simm.s32 @!p0 $0x80;
	[sflag:s29] =	ssyncset.done $0x0  }
0x86: {  	s6 =	sadd.s32 @!p0 $0x100, s0;
	s9 =	simm.s32 @!p0 $0x5000;
	[sflag:s29] =	ssyncadd.s32 $0xFFFFF800  }
0x87: {  	[tilespmem:s9], [sflag:$0x1] =	stream.indirect.gather @!p0 [hbm4b:s4+s7], $0x10, s6, s7, $0xb8;
	[tilespmem:$0x9820] =	vst v63  }
0x88: {  	s0 =	sadd.s32 @!p0 $0x2900, s0;
	s19 =	simm.s32 $0x5820;
	s6 =	simm.s32 @!p0 $0x6000  }
0x89: {  	[tilespmem:s6], [sflag:$0x1] =	stream.indirect.gather @!p0 [hbm4b:s5+s7], $0x10, s0, s7, $0xb8;
	[tilespmem:$0x9820] =	vst v63  }
0x8a: {  	s20 =	simm.s32 $0x6820;
	v1 =	vld [tilespmem:s19+$0xFFFFFFE0]  }
0x8b: {  	v2 =	vld [tilespmem:s20+$0x10]  }
0x8c: {  	v3 =	vld [tilespmem:s19+$0x10]  }
0x8d: {  	v4 =	vld [tilespmem:s20+$0x0]  }
0x8e: {  	v5 =	vld [tilespmem:s19+$0x0]  }
0x8f: {  	v6 =	vld [tilespmem:s20+$0xFFFFFFF0]  }
0x90: {  	v7 =	vld [tilespmem:s19+$0xFFFFFFF0]  }
0x91: {  	s21 =	simm.s32 $0x6860;
	v8 =	vld [tilespmem:s20+$0xFFFFFFE0]  }
0x92: {  	s0 =	simm.s32 $0x5860;
	v10 =	vld [tilespmem:s21+$0x10]  }
0x93: {  	v11 =	vld [tilespmem:s0+$0x10]  }
0x94: {  	v14 =	vld [tilespmem:s0+$0xFFFFFFF0];
	v2 =	vadd.f32 v2, v3;
	v3 =	vadd.f32 v4, v5  }
0x95: {  	v4 =	vld [tilespmem:s21+$0x0];
	v5 =	vadd.f32 v6, v7  }
0x96: {  	v6 =	vld [tilespmem:s0+$0x0];
	v12 =	vmul.f32 $2.000000030e-01, v3  }
0x97: {  	v1 =	vadd.f32 v8, v1;
	v8 =	vld [tilespmem:s21+$0xFFFFFFF0];
	v7 =	vmul.f32 $2.000000030e-01, v2;
	v13 =	vmul.f32 $2.000000030e-01, v5  }
0x98: {  	s24 =	simm.s32 $0x68A0;
	v9 =	vld [tilespmem:s0+$0xFFFFFFE0];
	v10 =	vadd.f32 v10, v11;
	v3 =	vmax.f32 v3, v12  }
0x99: {  	v15 =	vld [tilespmem:s24+$0x0];
	v2 =	vmax.f32 v2, v7;
	v5 =	vmax.f32 v5, v13;
	v3 =	vsub.f32 v3, v0  }
0x9a: {  	v7 =	vmul.f32 $2.000000030e-01, v1;
	v12 =	vld [tilespmem:s21+$0xFFFFFFE0];
	v2 =	vsub.f32 v2, v0;
	v5 =	vsub.f32 v5, v0  }
0x9b: {  	s20 =	simm.s32 $0x58A0;
	v16 =	vld [tilespmem:s24+$0xFFFFFFE0];
	v4 =	vadd.f32 v4, v6;
	v6 =	vmul.f32 $2.000000030e-01, v10;
	v3 =	vmul.f32 $1.442695020e+00, v3  }
0x9c: {  	v11 =	vld [tilespmem:s20+$0xFFFFFFE0];
	v8 =	vadd.f32 v8, v14;
	v5 =	vmul.f32 $1.442695020e+00, v5;
	v2 =	vmul.f32 $1.442695020e+00, v2  }
0x9d: {  	v13 =	vld [tilespmem:s20+$0x10];
	v1 =	vmax.f32 v1, v7;
	v14 =	vmul.f32 $2.000000030e-01, v4;
	(erf) = vpow2.f32 v3  }
0x9e: {  	v7 =	vld [tilespmem:s24+$0x10];
	v1 =	vsub.f32 v1, v0;
	(erf) = vpow2.f32 v5;
	v5 =	vmul.f32 $2.000000030e-01, v8  }
0x9f: {  	v6 =	vmax.f32 v10, v6;
	v3 =	vld [tilespmem:s20+$0x0];
	v9 =	vadd.f32 v12, v9;
	v4 =	vmax.f32 v4, v14  }
0xa0: {  	v10 =	vld [tilespmem:s24+$0xFFFFFFF0];
	v14 =	vmul.f32 $1.442695020e+00, v1;
	(erf) = vpow2.f32 v2;
	v5 =	vmax.f32 v8, v5  }
0xa1: {  	v12 =	vld [tilespmem:s20+$0xFFFFFFF0];
	v4 =	vsub.f32 v4, v0;
	v8 =	vsub.f32 v5, v0  }
0xa2: {  	s7 =	simm.s32 $0x58E0;
	v6 =	vsub.f32 v6, v0;
	v2 =	vmul.f32 $2.000000030e-01, v9;
	(erf) = vpow2.f32 v14  }
0xa3: {  	s9 =	simm.s32 $0x68E0;
	v1 =	vld [tilespmem:s7+$0xFFFFFFE0];
	v13 =	vadd.f32 v7, v13;
	v4 =	vmul.f32 $1.442695020e+00, v4;
	v8 =	vmul.f32 $1.442695020e+00, v8  }
0xa4: {  	v7 =	vmax.f32 v9, v2;
	v2 =	vld [tilespmem:s9+$0x10];
	v9 =	vadd.f32 v16, v11;
	v14 =	vadd.f32 v15, v3  }
0xa5: {  	v5 =	vld [tilespmem:s7+$0x10];
	v11 =	vmul.f32 $1.442695020e+00, v6;
	v15 =	vmul.f32 $2.000000030e-01, v13;
	v17 =	vsub.f32 v7, v0  }
0xa6: {  	v6 =	vld [tilespmem:s7+$0x0];
	v7 =	vadd.f32 v10, v12;
	(erf) = vpow2.f32 v4;
	v12 =	vmul.f32 $2.000000030e-01, v14  }
0xa7: {  	v3 =	vld [tilespmem:s9+$0x0];
	v10 =	vmax.f32 v13, v15;
	(erf) = vpow2.f32 v8;
	v8 =	vpop (erf)  }
0xa8: {  	s6 =	simm.s32 $0x58E0;
	s21 =	simm.s32 $0xC;
	v4 =	vld [tilespmem:s9+$0xFFFFFFF0];
	v13 =	vmul.f32 $2.000000030e-01, v7;
	v12 =	vmax.f32 v14, v12;
	(erf) = vpow2.f32 v11;
	[tilespmem:s19+$0x0] =	vst v8;
	v16 =	vpop (erf)  }
0xa9: {  	v15 =	vmul.f32 $1.442695020e+00, v17;
	v14 =	vmul.f32 $2.000000030e-01, v9;
	v12 =	vsub.f32 v12, v0;
	v8 =	vld [tilespmem:s7+$0xFFFFFFF0];
	[tilespmem:s19+$0xFFFFFFF0] =	vst v16;
	v11 =	vpop (erf)  }
.LBB2_5:
0xaa: {  	s21 =	sadd.s32 $0x4, s21;
	v16 =	vld [tilespmem:s9+$0xFFFFFFE0];
	v17 =	vadd.f32 v2, v5;
	s7 =	sadd.s32 $0x40, s7;
	v2 =	vmax.f32 v7, v13;
	v7 =	vsub.f32 v10, v0;
	[tilespmem:s19+$0x10] =	vst v11  }
0xab: {  	s9 =	sadd.s32 $0x40, s9;
	v11 =	vmovc v1;
	p0 =	slt.u32 s21, $0x7C;
	v9 =	vmax.f32 v9, v14;
	v10 =	vsub.f32 v2, v0;
	(erf) = vpow2.f32 v15;
	v1 =	vld [tilespmem:s7+$0xFFFFFFE0]  }
0xac: {  	v2 =	vld [tilespmem:s9+$0x10];
	v14 =	vadd.f32 v3, v6;
	v13 =	vmul.f32 $2.000000030e-01, v17;
	v6 =	vmul.f32 $1.442695020e+00, v12;
	v3 =	vpop (erf)  }
.Ltmp1:
0xad: {  	v15 =	vsub.f32 v9, v0;
	v18 =	vmul.f32 $1.442695020e+00, v7;
	v5 =	vld [tilespmem:s7+$0x10];
	v12 =	vmul.f32 $1.442695020e+00, v10;
	[tilespmem:s19+$0xFFFFFFE0] =	vst v3;
	s19 =	smov.u32 s0;
	s0 =	smov.u32 s20;
	(pc) =	sbr.rel @p0 .LBB2_5-.Ltmp1, $4  }
0xae: {  	s20 =	smov.u32 s6;
	s6 =	smov.u32 s7;
	v3 =	vld [tilespmem:s9+$0x0];
	v7 =	vadd.f32 v4, v8;
	v8 =	vmul.f32 $2.000000030e-01, v14;
	(erf) = vpow2.f32 v6  }
0xaf: {  	v10 =	vmax.f32 v17, v13;
	v6 =	vld [tilespmem:s7+$0x0];
	v9 =	vadd.f32 v16, v11;
	(erf) = vpow2.f32 v12;
	v11 =	vpop (erf)  }
0xb0: {  	v4 =	vld [tilespmem:s9+$0xFFFFFFF0];
	v13 =	vmul.f32 $2.000000030e-01, v7;
	v12 =	vmax.f32 v14, v8;
	(erf) = vpow2.f32 v18;
	[tilespmem:s19+$0x0] =	vst v11;
	v11 =	vpop (erf)  }
0xb1: {  	v15 =	vmul.f32 $1.442695020e+00, v15;
	v8 =	vld [tilespmem:s7+$0xFFFFFFF0];
	v14 =	vmul.f32 $2.000000030e-01, v9;
	v12 =	vsub.f32 v12, v0;
	[tilespmem:s19+$0xFFFFFFF0] =	vst v11;
	v11 =	vpop (erf)  }
0xb2: {  	v16 =	vld [tilespmem:s9+$0xFFFFFFE0];
	v2 =	vadd.f32 v2, v5;
	v54 =	vmax.f32 v7, v13  }
0xb3: {  	v55 =	vsub.f32 v10, v0;
	v9 =	vmax.f32 v9, v14;
	v5 =	vsub.f32 v54, v0  }
0xb4: {  	(erf) = vpow2.f32 v15;
	v57 =	vmul.f32 $1.442695020e+00, v12;
	v3 =	vadd.f32 v3, v6  }
0xb5: {  	v56 =	vmul.f32 $2.000000030e-01, v2;
	v58 =	vsub.f32 v9, v0;
	v7 =	vmul.f32 $1.442695020e+00, v55  }
0xb6: {  	v5 =	vmul.f32 $1.442695020e+00, v5;
	v4 =	vadd.f32 v4, v8;
	v59 =	vmul.f32 $2.000000030e-01, v3  }
0xb7: {  	(erf) = vpow2.f32 v57;
	v2 =	vmax.f32 v2, v56;
	v1 =	vadd.f32 v16, v1  }
0xb8: {  	v62 =	vmul.f32 $1.442695020e+00, v58;
	v60 =	vmul.f32 $2.000000030e-01, v4;
	v3 =	vmax.f32 v3, v59  }
0xb9: {  	(erf) = vpow2.f32 v5;
	v61 =	vmul.f32 $2.000000030e-01, v1;
	v3 =	vsub.f32 v3, v0  }
0xba: {  	v2 =	vsub.f32 v2, v0;
	(erf) = vpow2.f32 v7;
	v4 =	vmax.f32 v4, v60  }
0xbb: {  	v4 =	vsub.f32 v4, v0;
	v1 =	vmax.f32 v1, v61;
	v3 =	vmul.f32 $1.442695020e+00, v3  }
0xbc: {  	(erf) = vpow2.f32 v62;
	v1 =	vsub.f32 v1, v0  }
0xbd: {  	v2 =	vmul.f32 $1.442695020e+00, v2;
	v4 =	vmul.f32 $1.442695020e+00, v4  }
0xbe: {  	[tilespmem:s19+$0x10] =	vst v11;
	v63 =	vpop (erf);
	(erf) = vpow2.f32 v3;
	v1 =	vmul.f32 $1.442695020e+00, v1  }
0xbf: {  	[tilespmem:s19+$0xFFFFFFE0] =	vst v63;
	v3 =	vpop (erf);
	(erf) = vpow2.f32 v4  }
0xc0: {  	[tilespmem:s0+$0x0] =	vst v3;
	v3 =	vpop (erf);
	(erf) = vpow2.f32 v2  }
0xc1: {  	[tilespmem:s0+$0xFFFFFFF0] =	vst v3;
	v2 =	vpop (erf);
	(erf) = vpow2.f32 v1  }
0xc2: {  	v1 =	vpop (erf);
	[tilespmem:s0+$0x10] =	vst v2  }
0xc3: {  	v2 =	vpop (erf);
	[tilespmem:s0+$0xFFFFFFE0] =	vst v1  }
0xc4: {  	v1 =	vpop (erf);
	[tilespmem:s20+$0x0] =	vst v2  }
0xc5: {  	[tilespmem:s20+$0xFFFFFFF0] =	vst v1;
	v1 =	vpop (erf)  }
0xc6: {  	[tilespmem:s20+$0x10] =	vst v1;
	v1 =	vpop (erf)  }
0xc7: {  	[tilespmem:s20+$0xFFFFFFE0] =	vst v1;
	v1 =	vpop (erf)  }
0xc8: {  	s24 =	sadd.s32 s11, s1;
	[tilespmem:s6+$0x0] =	vst v1;
	v1 =	vpop (erf)  }
0xc9: {  	s0 =	sshll.u32 s24, $0x1;
	[tilespmem:s6+$0xFFFFFFF0] =	vst v1;
	v1 =	vpop (erf)  }
0xca: {  	s0 =	sand.u32 $0x1FFFFF00, s0;
	[tilespmem:s6+$0x10] =	vst v1;
	v1 =	vpop (erf)  }
0xcb: {  	s0 =	sadd.s32 s8, s0;
	[tilespmem:s6+$0xFFFFFFE0] =	vst v1  }
0xcc: {  	[hbm4b:s0+s3] =	stream.linear.scatter [tilespmem:s26], [sflag:$0x3], $0x800, $0x38;
	[tilespmem:$0x9820] =	vst v63  }
0xcd: {  	s31 =	sadd.s32 $0x1, s31;
	_ =	swait.ge [sflag:s18], $0x800  }
0xce: {  	p0 =	sne.s32 s31, $0x28;
	[sflag:s18] =	ssyncset.done $0x0  }
.Ltmp2:
0xcf: {  	[sflag:s18] =	ssyncadd.s32 $0xFFFFF800;
	(pc) =	sbr.rel @p0 .LBB2_2-.Ltmp2, $4  }
0xd0: {  	[spmem:s2] =	stream.indirect.scatter.add.f32 [tilespmem:s26], [sflag:$0x3], $0x10, s1, s22, $0xb8;
	[tilespmem:$0x9820] =	vst v63  }
0xd1: {  	_ =	swait.ge [sflag:s18], $0x800  }
0xd2: {  	[sflag:s18] =	ssyncset.done $0x0  }
0xd3: {  	[sflag:s18] =	ssyncadd.s32 $0xFFFFF800  }
0xd4: {  	s30 =	sadd.s32 $0x1, s30  }
0xd5: {  	p0 =	sne.s32 s30, s16  }
.Ltmp3:
0xd6: {  	[bflag:$0x0] =	sbarrier.arrive $0xFFFF;
	(pc) =	sbr.rel @p0 .LBB2_1-.Ltmp3, $4  }
0xd7: {  	[hbm:s15], [sflag:s10] =	dma.local [spmem:s17], $0x500  }
0xd8: {  	_ =	swait.ge [sflag:s18], $0x500  }
0xd9: {  	[sflag:s18] =	ssyncset.done $0x0  }
0xda: {  	[sflag:s18] =	ssyncadd.s32 $0xFFFFFB00  }
0xdb: {  	_ =	sfence.sel $0x180000  }
0xdc: {  	[bflag:$0x0] =	sbarrier.arrive $0xFFFF  }
0xdd: {  	_ =	strace $0x90000047  }
0xde: {  	s0 =	stileid.u32;
	[bflag:$0x2] =	sbarrier.arrive $0xFFFF  }
0xdf: {  	p0 =	sne.s32 s0, $0x0;
	s0 =	rddreg [dreg:$0x3]  }
0xe0: {  	s0 =	sadd.s32 @!p0 $0x100000, s0  }
0xe1: {  	[sflag:s0] =	ssyncadd.tile.s32 @!p0 $0x1;
	_ =	shalt  }
.Lfunc_end2:
_tile_overlayer_lowered:
.L_overlay_start_2:
0xe2: {  	(tag) =	ssettag $0x2  }
0xe3: {  	s0 =	rddreg [dreg:$0x0];
	s2 =	stileid.u32  }
0xe4: {  	s1 =	rddreg [dreg:$0x1];
	p0 =	sne.s32 s2, $0x0  }
0xe5: {  	s3 =	rddreg [dreg:$0x2];
	[bflag:$0x3] =	sbarrier.arrive $0xFFFF;
	s2 =	simm.s32 @!p0 $0x1C03  }
0xe6: {  	[timem:s3], [sflag:s2] =	dma.local @!p0 [hbm:s0], s1  }
0xe7: {  	s0 =	simm.s32 @!p0 $0x3  }
0xe8: {  	_ =	swait.ge @!p0 [sflag:s0], s1  }
0xe9: {  	s1 =	ssub.s32 @!p0 $0x0, s1;
	[sflag:s0] =	ssyncset.done @!p0 $0x0  }
0xea: {  	[sflag:s0] =	ssyncadd.s32 @!p0 s1  }
0xeb: {  	[bflag:$0x3] =	sbarrier.arrive $0xFFFF  }
0xec: {  	_ =	shalt  }

</sc_bundles>
